<compile_context>
chip_gen: v7x
topology: tpu7x:2x2x1
jax: 0.10.2.dev20260603
libtpu: 0.0.44.dev20260713+nightly
codegen_flags: <defaults>
</compile_context>

<pallas_src>
import functools

import jax
import jax.numpy as jnp
from jax import lax
from jax.experimental import pallas as pl
from jax.experimental.pallas import tpu as pltpu
from jax.experimental.pallas import tpu_sc as plsc

N = 10000
N_PAD = 10240
CHK = N_PAD // 16
DUMMY = N
NC, NS = 2, 16
NW = NC * NS
EPR = 128
RPW = 80
NBUF = 8
R_TOTAL = NW * RPW
E_PAD = R_TOTAL * EPR
HID = 128
D2 = 64
DA = 16


def _make_edge_agg(feat_dim):
    mesh = plsc.VectorSubcoreMesh(
        core_axis_name="c", subcore_axis_name="s", num_cores=NC, num_subcores=NS
    )

    @functools.partial(
        pl.kernel,
        out_type=jax.ShapeDtypeStruct((NC, N_PAD, feat_dim), jnp.float32),
        mesh=mesh,
        compiler_params=pltpu.CompilerParams(use_tc_tiling_on_sc=False),
        scratch_types=[
            pltpu.VMEM((RPW, EPR), jnp.int32),
            pltpu.VMEM((RPW, EPR), jnp.int32),
            [pltpu.VMEM((EPR, feat_dim), jnp.float32)] * NBUF,
            pltpu.VMEM_SHARED((N_PAD, feat_dim), jnp.float32),
            [pltpu.SemaphoreType.DMA] * NBUF,
            [pltpu.SemaphoreType.DMA] * NBUF,
        ],
    )
    def agg(src_hbm, dst_hbm, tab_hbm, zero_hbm, out_hbm,
            src_v, dst_v, rows_v, acc_sh, gsem, ssem):
        c = lax.axis_index("c")
        s = lax.axis_index("s")
        w = c * NS + s
        pltpu.sync_copy(src_hbm.at[w], src_v)
        pltpu.sync_copy(dst_hbm.at[w], dst_v)
        pltpu.sync_copy(zero_hbm.at[pl.ds(s * CHK, CHK)],
                        acc_sh.at[pl.ds(s * CHK, CHK)])

        def _route(i, carry):
            for j in range(EPR // 16):
                sl = pl.ds(j * 16, 16)
                sv = src_v[i, sl]
                dv = dst_v[i, sl]
                dst_v[i, sl] = jnp.where(
                    sv == dv, jnp.full((16,), DUMMY, jnp.int32), dv)
            return carry

        lax.fori_loop(0, RPW, _route, 0)
        plsc.subcore_barrier()

        def _edge_block(o, carry):
            i0 = o * NBUF
            gds = [
                pltpu.async_copy(tab_hbm.at[src_v.at[i0 + b]],
                                 rows_v[b], gsem[b])
                for b in range(NBUF)
            ]
            sds = []
            for b in range(NBUF):
                gds[b].wait()
                sds.append(
                    pltpu.async_copy(rows_v[b], acc_sh.at[dst_v.at[i0 + b]],
                                     ssem[b], add=True))
            for d in sds:
                d.wait()
            return carry

        lax.fori_loop(0, RPW // NBUF, _edge_block, 0)
        plsc.subcore_barrier()
        pltpu.sync_copy(acc_sh.at[pl.ds(s * CHK, CHK)],
                        out_hbm.at[c].at[pl.ds(s * CHK, CHK)])

    return agg


_agg_a = _make_edge_agg(DA)
_agg_b = _make_edge_agg(D2)


def _dense1(accA, pos8, W1l, b1, W1r, W2l, W2r):

    def body(acc_ref, pos_ref, w1l_ref, b1_ref, w1r_ref, w2l_ref, w2r_ref,
             z_ref, hr_ref):
        acc = acc_ref[0] + acc_ref[1]
        cnt = jnp.maximum(acc[:, 3:4], 1.0)
        mean1 = acc[:, 0:3] / cnt
        pos = pos_ref[:, 0:3]
        h1 = jnp.maximum(
            jnp.dot(mean1, w1l_ref[...], preferred_element_type=jnp.float32)
            + b1_ref[...]
            + jnp.dot(pos, w1r_ref[...], preferred_element_type=jnp.float32),
            0.0)
        z_ref[...] = jnp.dot(h1, w2l_ref[...],
                             preferred_element_type=jnp.float32)
        hr_ref[...] = jnp.dot(h1, w2r_ref[...],
                              preferred_element_type=jnp.float32)

    return pl.pallas_call(
        body,
        out_shape=(jax.ShapeDtypeStruct((N_PAD, D2), jnp.float32),
                   jax.ShapeDtypeStruct((N_PAD, D2), jnp.float32)),
    )(accA, pos8, W1l, b1.reshape(1, HID), W1r, W2l, W2r)


def _dense2(accB, accA, hr, b2, Wdp, bdp):

    def body(accb_ref, acca_ref, hr_ref, b2_ref, wd_ref, bd_ref,
             p_ref, am_ref):
        acc2 = accb_ref[0] + accb_ref[1]
        cnt = jnp.maximum(acca_ref[0][:, 3:4] + acca_ref[1][:, 3:4], 1.0)
        h2 = jnp.maximum(acc2 / cnt + b2_ref[...] + hr_ref[...], 0.0)
        rows = lax.broadcasted_iota(jnp.int32, (N_PAD, 1), 0)
        h2 = jnp.where(rows < N, h2, 0.0)
        g = jnp.sum(h2, axis=0, keepdims=True) * (1.0 / N)
        logits = (jnp.dot(g, wd_ref[...], preferred_element_type=jnp.float32)
                  + bd_ref[...])
        m = jnp.max(logits, axis=-1, keepdims=True)
        e = jnp.exp(logits - m)
        p = e / jnp.sum(e, axis=-1, keepdims=True)
        p_ref[...] = p
        lane = lax.broadcasted_iota(jnp.int32, (1, 16), 1)
        first_max = jnp.min(jnp.where(logits >= m, lane, 16), axis=-1,
                            keepdims=True)
        am_ref[...] = first_max.astype(jnp.int32)

    return pl.pallas_call(
        body,
        out_shape=(jax.ShapeDtypeStruct((1, 16), jnp.float32),
                   jax.ShapeDtypeStruct((1, 1), jnp.int32)),
    )(accB, accA, hr, b2.reshape(1, D2), Wdp, bdp)


def kernel(pos, face, W1l, b1, W1r, W2l, b2, W2r, Wd, bd):
    f = face.astype(jnp.int32)
    src = jnp.concatenate([f[0], f[1], f[0]])
    dst = jnp.concatenate([f[1], f[2], f[2]])
    pad = E_PAD - src.shape[0]
    pad_idx = jnp.arange(pad, dtype=jnp.int32)
    src3d = jnp.concatenate([src, pad_idx % N]).reshape(NW, RPW, EPR)
    dst3d = jnp.concatenate(
        [dst, N + 1 + pad_idx % (N_PAD - N - 1)]).reshape(NW, RPW, EPR)

    pos16 = (jnp.zeros((N_PAD, DA), jnp.float32)
             .at[:N, 0:3].set(pos).at[:N, 3].set(1.0))
    zeroA = jnp.zeros((N_PAD, DA), jnp.float32)
    zeroB = jnp.zeros((N_PAD, D2), jnp.float32)

    accA = _agg_a(src3d, dst3d, pos16, zeroA)

    pos8 = jnp.zeros((N_PAD, 8), jnp.float32).at[:N, 0:3].set(pos)
    z, hr = _dense1(accA, pos8, W1l, b1, W1r, W2l, W2r)

    accB = _agg_b(src3d, dst3d, z, zeroB)

    Wdp = jnp.zeros((D2, 16), jnp.float32).at[:, :10].set(Wd)
    bdp = jnp.full((1, 16), -1e30, jnp.float32).at[0, :10].set(bd)
    p_pad, am = _dense2(accB, accA, hr, b2, Wdp, bdp)
    return (p_pad[0, :10], am[0, 0])

# --- scband reference (transcript-rebuilt; emitter-appended) ---
"""Pipeline reference for scband-gnn-82171314307280 (READ-ONLY COPY).

The authoritative reference and input builder live on the scoring server;
editing this copy changes nothing except your own understanding.
"""

import jax, jax.numpy as jnp
import numpy as np

N_NODES = 10000
N_FACES = 100000
IN_CH = 3
HIDDEN = 128
NUM_CLASSES = 10


def _uniform(key, shape, fan_in):
    bound = 1.0 / np.sqrt(fan_in)
    return jax.random.uniform(key, shape, minval=-bound, maxval=bound, dtype=jnp.float32)


def setup_inputs(seed: int = 0) -> dict:
    key = jax.random.key(seed)
    ks = jax.random.split(key, 12)
    pos = jax.random.normal(ks[0], (N_NODES, IN_CH), dtype=jnp.float32)
    face = jax.random.randint(ks[1], (3, N_FACES), 0, N_NODES, dtype=jnp.int64)
    # SAGEConv 1: in=3 -> out=128 (lin_l has bias, lin_r no bias)
    W1l = _uniform(ks[2], (IN_CH, HIDDEN), IN_CH)
    b1 = _uniform(ks[3], (HIDDEN,), IN_CH)
    W1r = _uniform(ks[4], (IN_CH, HIDDEN), IN_CH)
    # SAGEConv 2: in=128 -> out=64
    W2l = _uniform(ks[5], (HIDDEN, HIDDEN // 2), HIDDEN)
    b2 = _uniform(ks[6], (HIDDEN // 2,), HIDDEN)
    W2r = _uniform(ks[7], (HIDDEN, HIDDEN // 2), HIDDEN)
    # decoder linear: 64 -> 10
    Wd = _uniform(ks[8], (HIDDEN // 2, NUM_CLASSES), HIDDEN // 2)
    bd = _uniform(ks[9], (NUM_CLASSES,), HIDDEN // 2)
    return {"pos": pos, "face": face, "W1l": W1l, "b1": b1, "W1r": W1r,
            "W2l": W2l, "b2": b2, "W2r": W2r, "Wd": Wd, "bd": bd}


def _sage_conv_mean(x, src, dst_routed, n, Wl, bl, Wr):
    # mean aggregation of neighbor messages x[src] at dst; self-loops routed to dummy segment n
    msg = jnp.take(x, src, axis=0)
    agg = jax.ops.segment_sum(msg, dst_routed, num_segments=n + 1)[:n]
    cnt = jax.ops.segment_sum(jnp.ones((src.shape[0],), x.dtype), dst_routed, num_segments=n + 1)[:n]
    agg = agg / jnp.clip(cnt, 1.0, None)[:, None]
    return agg @ Wl + bl + x @ Wr


def reference(pos, face, W1l, b1, W1r, W2l, b2, W2r, Wd, bd):
    n = pos.shape[0]
    # edge_index = cat([face[:2], face[1:], face[[0,2]]], dim=1); then remove self loops
    edge_index = jnp.concatenate([face[:2], face[1:], face[jnp.array([0, 2])]], axis=1)
    src = edge_index[0]
    dst = edge_index[1]
    # remove_self_loops: route self-loop edges to a dummy segment (exactly excludes them)
    dst_routed = jnp.where(src != dst, dst, n)
    h = jax.nn.relu(_sage_conv_mean(pos, src, dst_routed, n, W1l, b1, W1r))
    h = jax.nn.relu(_sage_conv_mean(h, src, dst_routed, n, W2l, b2, W2r))
    g = h.sum(axis=0) / h.shape[0]
    out = jax.nn.softmax(g @ Wd + bd, axis=-1)
    return (out, jnp.argmax(out))

if __name__ == "__main__":
    import jax
    _d = setup_inputs()
    print(jax.jit(kernel)(*tuple(_d.values())))

</pallas_src>

<mosaic_0001>
#map = affine_map<(d0, d1) -> (0, 0, 0)>
#map1 = affine_map<(d0, d1) -> (0, 0)>
module attributes {stable_mosaic.version = 14 : i64} {
  func.func @agg(%arg0: i32, %arg1: i32, %arg2: memref<32x80x128xi32, #tpu.memory_space<hbm>>, %arg3: memref<32x80x128xi32, #tpu.memory_space<hbm>>, %arg4: memref<10240x16xf32, #tpu.memory_space<hbm>>, %arg5: memref<10240x16xf32, #tpu.memory_space<hbm>>, %arg6: memref<2x10240x16xf32, #tpu.memory_space<hbm>>, %arg7: memref<80x128xi32, #tpu.memory_space<vmem>>, %arg8: memref<80x128xi32, #tpu.memory_space<vmem>>, %arg9: memref<128x16xf32, #tpu.memory_space<vmem>>, %arg10: memref<128x16xf32, #tpu.memory_space<vmem>>, %arg11: memref<128x16xf32, #tpu.memory_space<vmem>>, %arg12: memref<128x16xf32, #tpu.memory_space<vmem>>, %arg13: memref<128x16xf32, #tpu.memory_space<vmem>>, %arg14: memref<128x16xf32, #tpu.memory_space<vmem>>, %arg15: memref<128x16xf32, #tpu.memory_space<vmem>>, %arg16: memref<128x16xf32, #tpu.memory_space<vmem>>, %arg17: memref<10240x16xf32, #tpu.memory_space<vmem_shared>>, %arg18: memref<!tpu.dma_semaphore, #tpu.memory_space<semaphore_mem>>, %arg19: memref<!tpu.dma_semaphore, #tpu.memory_space<semaphore_mem>>, %arg20: memref<!tpu.dma_semaphore, #tpu.memory_space<semaphore_mem>>, %arg21: memref<!tpu.dma_semaphore, #tpu.memory_space<semaphore_mem>>, %arg22: memref<!tpu.dma_semaphore, #tpu.memory_space<semaphore_mem>>, %arg23: memref<!tpu.dma_semaphore, #tpu.memory_space<semaphore_mem>>, %arg24: memref<!tpu.dma_semaphore, #tpu.memory_space<semaphore_mem>>, %arg25: memref<!tpu.dma_semaphore, #tpu.memory_space<semaphore_mem>>, %arg26: memref<!tpu.dma_semaphore, #tpu.memory_space<semaphore_mem>>, %arg27: memref<!tpu.dma_semaphore, #tpu.memory_space<semaphore_mem>>, %arg28: memref<!tpu.dma_semaphore, #tpu.memory_space<semaphore_mem>>, %arg29: memref<!tpu.dma_semaphore, #tpu.memory_space<semaphore_mem>>, %arg30: memref<!tpu.dma_semaphore, #tpu.memory_space<semaphore_mem>>, %arg31: memref<!tpu.dma_semaphore, #tpu.memory_space<semaphore_mem>>, %arg32: memref<!tpu.dma_semaphore, #tpu.memory_space<semaphore_mem>>, %arg33: memref<!tpu.dma_semaphore, #tpu.memory_space<semaphore_mem>>) attributes {dimension_semantics = [#tpu.dimension_semantics<core_parallel>, #tpu.dimension_semantics<subcore_parallel>], iteration_bounds = array<i64: 2, 16>, scalar_prefetch = 0 : i64, scratch_operands = 27 : i64, tpu.core_type = #tpu.core_type<sc_vector_subcore>, window_params = [{transform_indices = #map}, {transform_indices = #map}, {transform_indices = #map1}, {transform_indices = #map1}, {transform_indices = #map}]} {
    %mul3A = arith.constant 16 : i32
    %mul3A_0 = arith.muli %arg0, %mul3A : i32
    %add3A = arith.addi %mul3A_0, %arg1 : i32
    "tpu.region"() ({
      %run_scoped3A = tpu.sem_alloc : memref<!tpu.dma_semaphore, #tpu.memory_space<semaphore_mem>>
      %dma_start3A = arith.constant 0 : i32
      %dma_start3A_21 = arith.constant 0 : i32
      %dma_start3A_22 = tpu.memref_slice %arg2[%add3A, %dma_start3A, %dma_start3A_21] : memref<32x80x128xi32, #tpu.memory_space<hbm>> -> memref<1x80x128xi32, #tpu.memory_space<hbm>>
      %dma_start3A_23 = tpu.memref_squeeze %dma_start3A_22 : memref<1x80x128xi32, #tpu.memory_space<hbm>> -> memref<80x128xi32, #tpu.memory_space<hbm>>
      %dma_start3A_24 = arith.constant 0 : i32
      %dma_start3A_25 = arith.constant 0 : i32
      %dma_start3A_26 = tpu.memref_slice %arg2[%add3A, %dma_start3A_24, %dma_start3A_25] : memref<32x80x128xi32, #tpu.memory_space<hbm>> -> memref<1x80x128xi32, #tpu.memory_space<hbm>>
      %dma_start3A_27 = tpu.memref_squeeze %dma_start3A_26 : memref<1x80x128xi32, #tpu.memory_space<hbm>> -> memref<80x128xi32, #tpu.memory_space<hbm>>
      tpu.enqueue_dma source(%dma_start3A_27 : memref<80x128xi32, #tpu.memory_space<hbm>>) target(%arg7 : memref<80x128xi32, #tpu.memory_space<vmem>>) target_semaphore(%run_scoped3A : memref<!tpu.dma_semaphore, #tpu.memory_space<semaphore_mem>>)
      %dma_wait3A = arith.constant 0 : i32
      %dma_wait3A_28 = arith.constant 0 : i32
      %dma_wait3A_29 = tpu.memref_slice %arg2[%add3A, %dma_wait3A, %dma_wait3A_28] : memref<32x80x128xi32, #tpu.memory_space<hbm>> -> memref<1x80x128xi32, #tpu.memory_space<hbm>>
      %dma_wait3A_30 = tpu.memref_squeeze %dma_wait3A_29 : memref<1x80x128xi32, #tpu.memory_space<hbm>> -> memref<80x128xi32, #tpu.memory_space<hbm>>
      %dma_wait3A_31 = arith.constant 0 : i32
      %dma_wait3A_32 = arith.constant 0 : i32
      %dma_wait3A_33 = tpu.memref_slice %arg2[%add3A, %dma_wait3A_31, %dma_wait3A_32] : memref<32x80x128xi32, #tpu.memory_space<hbm>> -> memref<1x80x128xi32, #tpu.memory_space<hbm>>
      %dma_wait3A_34 = tpu.memref_squeeze %dma_wait3A_33 : memref<1x80x128xi32, #tpu.memory_space<hbm>> -> memref<80x128xi32, #tpu.memory_space<hbm>>
      tpu.wait_dma2 semaphore(%run_scoped3A : memref<!tpu.dma_semaphore, #tpu.memory_space<semaphore_mem>>) src(%dma_wait3A_34 : memref<80x128xi32, #tpu.memory_space<hbm>>) dst(%arg7 : memref<80x128xi32, #tpu.memory_space<vmem>>)
      tpu.yield
    }) : () -> ()
    "tpu.region"() ({
      %run_scoped3A = tpu.sem_alloc : memref<!tpu.dma_semaphore, #tpu.memory_space<semaphore_mem>>
      %dma_start3A = arith.constant 0 : i32
      %dma_start3A_21 = arith.constant 0 : i32
      %dma_start3A_22 = tpu.memref_slice %arg3[%add3A, %dma_start3A, %dma_start3A_21] : memref<32x80x128xi32, #tpu.memory_space<hbm>> -> memref<1x80x128xi32, #tpu.memory_space<hbm>>
      %dma_start3A_23 = tpu.memref_squeeze %dma_start3A_22 : memref<1x80x128xi32, #tpu.memory_space<hbm>> -> memref<80x128xi32, #tpu.memory_space<hbm>>
      %dma_start3A_24 = arith.constant 0 : i32
      %dma_start3A_25 = arith.constant 0 : i32
      %dma_start3A_26 = tpu.memref_slice %arg3[%add3A, %dma_start3A_24, %dma_start3A_25] : memref<32x80x128xi32, #tpu.memory_space<hbm>> -> memref<1x80x128xi32, #tpu.memory_space<hbm>>
      %dma_start3A_27 = tpu.memref_squeeze %dma_start3A_26 : memref<1x80x128xi32, #tpu.memory_space<hbm>> -> memref<80x128xi32, #tpu.memory_space<hbm>>
      tpu.enqueue_dma source(%dma_start3A_27 : memref<80x128xi32, #tpu.memory_space<hbm>>) target(%arg8 : memref<80x128xi32, #tpu.memory_space<vmem>>) target_semaphore(%run_scoped3A : memref<!tpu.dma_semaphore, #tpu.memory_space<semaphore_mem>>)
      %dma_wait3A = arith.constant 0 : i32
      %dma_wait3A_28 = arith.constant 0 : i32
      %dma_wait3A_29 = tpu.memref_slice %arg3[%add3A, %dma_wait3A, %dma_wait3A_28] : memref<32x80x128xi32, #tpu.memory_space<hbm>> -> memref<1x80x128xi32, #tpu.memory_space<hbm>>
      %dma_wait3A_30 = tpu.memref_squeeze %dma_wait3A_29 : memref<1x80x128xi32, #tpu.memory_space<hbm>> -> memref<80x128xi32, #tpu.memory_space<hbm>>
      %dma_wait3A_31 = arith.constant 0 : i32
      %dma_wait3A_32 = arith.constant 0 : i32
      %dma_wait3A_33 = tpu.memref_slice %arg3[%add3A, %dma_wait3A_31, %dma_wait3A_32] : memref<32x80x128xi32, #tpu.memory_space<hbm>> -> memref<1x80x128xi32, #tpu.memory_space<hbm>>
      %dma_wait3A_34 = tpu.memref_squeeze %dma_wait3A_33 : memref<1x80x128xi32, #tpu.memory_space<hbm>> -> memref<80x128xi32, #tpu.memory_space<hbm>>
      tpu.wait_dma2 semaphore(%run_scoped3A : memref<!tpu.dma_semaphore, #tpu.memory_space<semaphore_mem>>) src(%dma_wait3A_34 : memref<80x128xi32, #tpu.memory_space<hbm>>) dst(%arg8 : memref<80x128xi32, #tpu.memory_space<vmem>>)
      tpu.yield
    }) : () -> ()
    %mul3A_1 = arith.constant 640 : i32
    %mul3A_2 = arith.muli %arg1, %mul3A_1 : i32
    %mul3A_3 = arith.constant 640 : i32
    %mul3A_4 = arith.muli %arg1, %mul3A_3 : i32
    "tpu.region"() ({
      %run_scoped3A = tpu.sem_alloc : memref<!tpu.dma_semaphore, #tpu.memory_space<semaphore_mem>>
      %dma_start3A = arith.constant 0 : i32
      %dma_start3A_21 = tpu.memref_slice %arg17[%mul3A_4, %dma_start3A] : memref<10240x16xf32, #tpu.memory_space<vmem_shared>> -> memref<640x16xf32, #tpu.memory_space<vmem_shared>>
      %dma_start3A_22 = arith.constant 0 : i32
      %dma_start3A_23 = tpu.memref_slice %arg5[%mul3A_2, %dma_start3A_22] : memref<10240x16xf32, #tpu.memory_space<hbm>> -> memref<640x16xf32, #tpu.memory_space<hbm>>
      tpu.enqueue_dma source(%dma_start3A_23 : memref<640x16xf32, #tpu.memory_space<hbm>>) target(%dma_start3A_21 : memref<640x16xf32, #tpu.memory_space<vmem_shared>>) target_semaphore(%run_scoped3A : memref<!tpu.dma_semaphore, #tpu.memory_space<semaphore_mem>>)
      %dma_wait3A = arith.constant 0 : i32
      %dma_wait3A_24 = tpu.memref_slice %arg17[%mul3A_4, %dma_wait3A] : memref<10240x16xf32, #tpu.memory_space<vmem_shared>> -> memref<640x16xf32, #tpu.memory_space<vmem_shared>>
      %dma_wait3A_25 = arith.constant 0 : i32
      %dma_wait3A_26 = tpu.memref_slice %arg5[%mul3A_2, %dma_wait3A_25] : memref<10240x16xf32, #tpu.memory_space<hbm>> -> memref<640x16xf32, #tpu.memory_space<hbm>>
      tpu.wait_dma2 semaphore(%run_scoped3A : memref<!tpu.dma_semaphore, #tpu.memory_space<semaphore_mem>>) src(%dma_wait3A_26 : memref<640x16xf32, #tpu.memory_space<hbm>>) dst(%dma_wait3A_24 : memref<640x16xf32, #tpu.memory_space<vmem_shared>>)
      tpu.yield
    }) : () -> ()
    %scan3A = arith.constant 0 : i32
    %scan3A_5 = arith.constant 0 : i32
    %scan3A_6 = arith.constant 80 : i32
    %scan3A_7 = arith.addi %scan3A_5, %scan3A_6 : i32
    %scan3A_8 = arith.constant 1 : i32
    scf.for %scan3A_21 = %scan3A_5 to %scan3A_7 step %scan3A_8  : i32 {
      %get3A = arith.index_cast %scan3A_21 : i32 to index
      %get3A_22 = arith.constant 0 : index
      %get3A_23 = tpu.vector_load %arg7[%get3A, %get3A_22] {strides = array<i32>} : memref<80x128xi32, #tpu.memory_space<vmem>>, vector<1x16xi32>,
      %get3A_24 = vector.shape_cast %get3A_23 : vector<1x16xi32> to vector<16xi32>
      %get3A_25 = arith.index_cast %scan3A_21 : i32 to index
      %get3A_26 = arith.constant 0 : index
      %get3A_27 = tpu.vector_load %arg8[%get3A_25, %get3A_26] {strides = array<i32>} : memref<80x128xi32, #tpu.memory_space<vmem>>, vector<1x16xi32>,
      %get3A_28 = vector.shape_cast %get3A_27 : vector<1x16xi32> to vector<16xi32>
      %eq3A = arith.cmpi eq, %get3A_24, %get3A_28 : vector<16xi32>
      %broadcast_in_dim3A = arith.constant 10000 : i32
      %broadcast_in_dim3A_29 = vector.broadcast %broadcast_in_dim3A : i32 to vector<16xi32>
      %select_n3A = arith.select %eq3A, %broadcast_in_dim3A_29, %get3A_28 : vector<16xi1>, vector<16xi32>
      %swap3A = arith.index_cast %scan3A_21 : i32 to index
      %swap3A_30 = arith.constant 0 : index
      %swap3A_31 = tpu.vector_load %arg8[%swap3A, %swap3A_30] {strides = array<i32>} : memref<80x128xi32, #tpu.memory_space<vmem>>, vector<1x16xi32>,
      %swap3A_32 = vector.shape_cast %swap3A_31 : vector<1x16xi32> to vector<16xi32>
      %swap3A_33 = vector.shape_cast %select_n3A : vector<16xi32> to vector<1x16xi32>
      tpu.vector_store %arg8[%swap3A, %swap3A_30], %swap3A_33 {strides = array<i32>} : memref<80x128xi32, #tpu.memory_space<vmem>>, vector<1x16xi32>,
      %get3A_34 = arith.index_cast %scan3A_21 : i32 to index
      %get3A_35 = arith.constant 16 : index
      %get3A_36 = tpu.vector_load %arg7[%get3A_34, %get3A_35] {strides = array<i32>} : memref<80x128xi32, #tpu.memory_space<vmem>>, vector<1x16xi32>,
      %get3A_37 = vector.shape_cast %get3A_36 : vector<1x16xi32> to vector<16xi32>
      %get3A_38 = arith.index_cast %scan3A_21 : i32 to index
      %get3A_39 = arith.constant 16 : index
      %get3A_40 = tpu.vector_load %arg8[%get3A_38, %get3A_39] {strides = array<i32>} : memref<80x128xi32, #tpu.memory_space<vmem>>, vector<1x16xi32>,
      %get3A_41 = vector.shape_cast %get3A_40 : vector<1x16xi32> to vector<16xi32>
      %eq3A_42 = arith.cmpi eq, %get3A_37, %get3A_41 : vector<16xi32>
      %broadcast_in_dim3A_43 = arith.constant 10000 : i32
      %broadcast_in_dim3A_44 = vector.broadcast %broadcast_in_dim3A_43 : i32 to vector<16xi32>
      %select_n3A_45 = arith.select %eq3A_42, %broadcast_in_dim3A_44, %get3A_41 : vector<16xi1>, vector<16xi32>
      %swap3A_46 = arith.index_cast %scan3A_21 : i32 to index
      %swap3A_47 = arith.constant 16 : index
      %swap3A_48 = tpu.vector_load %arg8[%swap3A_46, %swap3A_47] {strides = array<i32>} : memref<80x128xi32, #tpu.memory_space<vmem>>, vector<1x16xi32>,
      %swap3A_49 = vector.shape_cast %swap3A_48 : vector<1x16xi32> to vector<16xi32>
      %swap3A_50 = vector.shape_cast %select_n3A_45 : vector<16xi32> to vector<1x16xi32>
      tpu.vector_store %arg8[%swap3A_46, %swap3A_47], %swap3A_50 {strides = array<i32>} : memref<80x128xi32, #tpu.memory_space<vmem>>, vector<1x16xi32>,
      %get3A_51 = arith.index_cast %scan3A_21 : i32 to index
      %get3A_52 = arith.constant 32 : index
      %get3A_53 = tpu.vector_load %arg7[%get3A_51, %get3A_52] {strides = array<i32>} : memref<80x128xi32, #tpu.memory_space<vmem>>, vector<1x16xi32>,
      %get3A_54 = vector.shape_cast %get3A_53 : vector<1x16xi32> to vector<16xi32>
      %get3A_55 = arith.index_cast %scan3A_21 : i32 to index
      %get3A_56 = arith.constant 32 : index
      %get3A_57 = tpu.vector_load %arg8[%get3A_55, %get3A_56] {strides = array<i32>} : memref<80x128xi32, #tpu.memory_space<vmem>>, vector<1x16xi32>,
      %get3A_58 = vector.shape_cast %get3A_57 : vector<1x16xi32> to vector<16xi32>
      %eq3A_59 = arith.cmpi eq, %get3A_54, %get3A_58 : vector<16xi32>
      %broadcast_in_dim3A_60 = arith.constant 10000 : i32
      %broadcast_in_dim3A_61 = vector.broadcast %broadcast_in_dim3A_60 : i32 to vector<16xi32>
      %select_n3A_62 = arith.select %eq3A_59, %broadcast_in_dim3A_61, %get3A_58 : vector<16xi1>, vector<16xi32>
      %swap3A_63 = arith.index_cast %scan3A_21 : i32 to index
      %swap3A_64 = arith.constant 32 : index
      %swap3A_65 = tpu.vector_load %arg8[%swap3A_63, %swap3A_64] {strides = array<i32>} : memref<80x128xi32, #tpu.memory_space<vmem>>, vector<1x16xi32>,
      %swap3A_66 = vector.shape_cast %swap3A_65 : vector<1x16xi32> to vector<16xi32>
      %swap3A_67 = vector.shape_cast %select_n3A_62 : vector<16xi32> to vector<1x16xi32>
      tpu.vector_store %arg8[%swap3A_63, %swap3A_64], %swap3A_67 {strides = array<i32>} : memref<80x128xi32, #tpu.memory_space<vmem>>, vector<1x16xi32>,
      %get3A_68 = arith.index_cast %scan3A_21 : i32 to index
      %get3A_69 = arith.constant 48 : index
      %get3A_70 = tpu.vector_load %arg7[%get3A_68, %get3A_69] {strides = array<i32>} : memref<80x128xi32, #tpu.memory_space<vmem>>, vector<1x16xi32>,
      %get3A_71 = vector.shape_cast %get3A_70 : vector<1x16xi32> to vector<16xi32>
      %get3A_72 = arith.index_cast %scan3A_21 : i32 to index
      %get3A_73 = arith.constant 48 : index
      %get3A_74 = tpu.vector_load %arg8[%get3A_72, %get3A_73] {strides = array<i32>} : memref<80x128xi32, #tpu.memory_space<vmem>>, vector<1x16xi32>,
      %get3A_75 = vector.shape_cast %get3A_74 : vector<1x16xi32> to vector<16xi32>
      %eq3A_76 = arith.cmpi eq, %get3A_71, %get3A_75 : vector<16xi32>
      %broadcast_in_dim3A_77 = arith.constant 10000 : i32
      %broadcast_in_dim3A_78 = vector.broadcast %broadcast_in_dim3A_77 : i32 to vector<16xi32>
      %select_n3A_79 = arith.select %eq3A_76, %broadcast_in_dim3A_78, %get3A_75 : vector<16xi1>, vector<16xi32>
      %swap3A_80 = arith.index_cast %scan3A_21 : i32 to index
      %swap3A_81 = arith.constant 48 : index
      %swap3A_82 = tpu.vector_load %arg8[%swap3A_80, %swap3A_81] {strides = array<i32>} : memref<80x128xi32, #tpu.memory_space<vmem>>, vector<1x16xi32>,
      %swap3A_83 = vector.shape_cast %swap3A_82 : vector<1x16xi32> to vector<16xi32>
      %swap3A_84 = vector.shape_cast %select_n3A_79 : vector<16xi32> to vector<1x16xi32>
      tpu.vector_store %arg8[%swap3A_80, %swap3A_81], %swap3A_84 {strides = array<i32>} : memref<80x128xi32, #tpu.memory_space<vmem>>, vector<1x16xi32>,
      %get3A_85 = arith.index_cast %scan3A_21 : i32 to index
      %get3A_86 = arith.constant 64 : index
      %get3A_87 = tpu.vector_load %arg7[%get3A_85, %get3A_86] {strides = array<i32>} : memref<80x128xi32, #tpu.memory_space<vmem>>, vector<1x16xi32>,
      %get3A_88 = vector.shape_cast %get3A_87 : vector<1x16xi32> to vector<16xi32>
      %get3A_89 = arith.index_cast %scan3A_21 : i32 to index
      %get3A_90 = arith.constant 64 : index
      %get3A_91 = tpu.vector_load %arg8[%get3A_89, %get3A_90] {strides = array<i32>} : memref<80x128xi32, #tpu.memory_space<vmem>>, vector<1x16xi32>,
      %get3A_92 = vector.shape_cast %get3A_91 : vector<1x16xi32> to vector<16xi32>
      %eq3A_93 = arith.cmpi eq, %get3A_88, %get3A_92 : vector<16xi32>
      %broadcast_in_dim3A_94 = arith.constant 10000 : i32
      %broadcast_in_dim3A_95 = vector.broadcast %broadcast_in_dim3A_94 : i32 to vector<16xi32>
      %select_n3A_96 = arith.select %eq3A_93, %broadcast_in_dim3A_95, %get3A_92 : vector<16xi1>, vector<16xi32>
      %swap3A_97 = arith.index_cast %scan3A_21 : i32 to index
      %swap3A_98 = arith.constant 64 : index
      %swap3A_99 = tpu.vector_load %arg8[%swap3A_97, %swap3A_98] {strides = array<i32>} : memref<80x128xi32, #tpu.memory_space<vmem>>, vector<1x16xi32>,
      %swap3A_100 = vector.shape_cast %swap3A_99 : vector<1x16xi32> to vector<16xi32>
      %swap3A_101 = vector.shape_cast %select_n3A_96 : vector<16xi32> to vector<1x16xi32>
      tpu.vector_store %arg8[%swap3A_97, %swap3A_98], %swap3A_101 {strides = array<i32>} : memref<80x128xi32, #tpu.memory_space<vmem>>, vector<1x16xi32>,
      %get3A_102 = arith.index_cast %scan3A_21 : i32 to index
      %get3A_103 = arith.constant 80 : index
      %get3A_104 = tpu.vector_load %arg7[%get3A_102, %get3A_103] {strides = array<i32>} : memref<80x128xi32, #tpu.memory_space<vmem>>, vector<1x16xi32>,
      %get3A_105 = vector.shape_cast %get3A_104 : vector<1x16xi32> to vector<16xi32>
      %get3A_106 = arith.index_cast %scan3A_21 : i32 to index
      %get3A_107 = arith.constant 80 : index
      %get3A_108 = tpu.vector_load %arg8[%get3A_106, %get3A_107] {strides = array<i32>} : memref<80x128xi32, #tpu.memory_space<vmem>>, vector<1x16xi32>,
      %get3A_109 = vector.shape_cast %get3A_108 : vector<1x16xi32> to vector<16xi32>
      %eq3A_110 = arith.cmpi eq, %get3A_105, %get3A_109 : vector<16xi32>
      %broadcast_in_dim3A_111 = arith.constant 10000 : i32
      %broadcast_in_dim3A_112 = vector.broadcast %broadcast_in_dim3A_111 : i32 to vector<16xi32>
      %select_n3A_113 = arith.select %eq3A_110, %broadcast_in_dim3A_112, %get3A_109 : vector<16xi1>, vector<16xi32>
      %swap3A_114 = arith.index_cast %scan3A_21 : i32 to index
      %swap3A_115 = arith.constant 80 : index
      %swap3A_116 = tpu.vector_load %arg8[%swap3A_114, %swap3A_115] {strides = array<i32>} : memref<80x128xi32, #tpu.memory_space<vmem>>, vector<1x16xi32>,
      %swap3A_117 = vector.shape_cast %swap3A_116 : vector<1x16xi32> to vector<16xi32>
      %swap3A_118 = vector.shape_cast %select_n3A_113 : vector<16xi32> to vector<1x16xi32>
      tpu.vector_store %arg8[%swap3A_114, %swap3A_115], %swap3A_118 {strides = array<i32>} : memref<80x128xi32, #tpu.memory_space<vmem>>, vector<1x16xi32>,
      %get3A_119 = arith.index_cast %scan3A_21 : i32 to index
      %get3A_120 = arith.constant 96 : index
      %get3A_121 = tpu.vector_load %arg7[%get3A_119, %get3A_120] {strides = array<i32>} : memref<80x128xi32, #tpu.memory_space<vmem>>, vector<1x16xi32>,
      %get3A_122 = vector.shape_cast %get3A_121 : vector<1x16xi32> to vector<16xi32>
      %get3A_123 = arith.index_cast %scan3A_21 : i32 to index
      %get3A_124 = arith.constant 96 : index
      %get3A_125 = tpu.vector_load %arg8[%get3A_123, %get3A_124] {strides = array<i32>} : memref<80x128xi32, #tpu.memory_space<vmem>>, vector<1x16xi32>,
      %get3A_126 = vector.shape_cast %get3A_125 : vector<1x16xi32> to vector<16xi32>
      %eq3A_127 = arith.cmpi eq, %get3A_122, %get3A_126 : vector<16xi32>
      %broadcast_in_dim3A_128 = arith.constant 10000 : i32
      %broadcast_in_dim3A_129 = vector.broadcast %broadcast_in_dim3A_128 : i32 to vector<16xi32>
      %select_n3A_130 = arith.select %eq3A_127, %broadcast_in_dim3A_129, %get3A_126 : vector<16xi1>, vector<16xi32>
      %swap3A_131 = arith.index_cast %scan3A_21 : i32 to index
      %swap3A_132 = arith.constant 96 : index
      %swap3A_133 = tpu.vector_load %arg8[%swap3A_131, %swap3A_132] {strides = array<i32>} : memref<80x128xi32, #tpu.memory_space<vmem>>, vector<1x16xi32>,
      %swap3A_134 = vector.shape_cast %swap3A_133 : vector<1x16xi32> to vector<16xi32>
      %swap3A_135 = vector.shape_cast %select_n3A_130 : vector<16xi32> to vector<1x16xi32>
      tpu.vector_store %arg8[%swap3A_131, %swap3A_132], %swap3A_135 {strides = array<i32>} : memref<80x128xi32, #tpu.memory_space<vmem>>, vector<1x16xi32>,
      %get3A_136 = arith.index_cast %scan3A_21 : i32 to index
      %get3A_137 = arith.constant 112 : index
      %get3A_138 = tpu.vector_load %arg7[%get3A_136, %get3A_137] {strides = array<i32>} : memref<80x128xi32, #tpu.memory_space<vmem>>, vector<1x16xi32>,
      %get3A_139 = vector.shape_cast %get3A_138 : vector<1x16xi32> to vector<16xi32>
      %get3A_140 = arith.index_cast %scan3A_21 : i32 to index
      %get3A_141 = arith.constant 112 : index
      %get3A_142 = tpu.vector_load %arg8[%get3A_140, %get3A_141] {strides = array<i32>} : memref<80x128xi32, #tpu.memory_space<vmem>>, vector<1x16xi32>,
      %get3A_143 = vector.shape_cast %get3A_142 : vector<1x16xi32> to vector<16xi32>
      %eq3A_144 = arith.cmpi eq, %get3A_139, %get3A_143 : vector<16xi32>
      %broadcast_in_dim3A_145 = arith.constant 10000 : i32
      %broadcast_in_dim3A_146 = vector.broadcast %broadcast_in_dim3A_145 : i32 to vector<16xi32>
      %select_n3A_147 = arith.select %eq3A_144, %broadcast_in_dim3A_146, %get3A_143 : vector<16xi1>, vector<16xi32>
      %swap3A_148 = arith.index_cast %scan3A_21 : i32 to index
      %swap3A_149 = arith.constant 112 : index
      %swap3A_150 = tpu.vector_load %arg8[%swap3A_148, %swap3A_149] {strides = array<i32>} : memref<80x128xi32, #tpu.memory_space<vmem>>, vector<1x16xi32>,
      %swap3A_151 = vector.shape_cast %swap3A_150 : vector<1x16xi32> to vector<16xi32>
      %swap3A_152 = vector.shape_cast %select_n3A_147 : vector<16xi32> to vector<1x16xi32>
      tpu.vector_store %arg8[%swap3A_148, %swap3A_149], %swap3A_152 {strides = array<i32>} : memref<80x128xi32, #tpu.memory_space<vmem>>, vector<1x16xi32>,
    }
    %scan3A_9 = arith.constant 80 : i32
    %barrier3A = arith.constant 0 : index
    tpu.barrier barrier_id(%barrier3A)
    %scan3A_10 = arith.constant 0 : i32
    %scan3A_11 = arith.constant 0 : i32
    %scan3A_12 = arith.constant 10 : i32
    %scan3A_13 = arith.addi %scan3A_11, %scan3A_12 : i32
    %scan3A_14 = arith.constant 1 : i32
    scf.for %scan3A_21 = %scan3A_11 to %scan3A_13 step %scan3A_14  : i32 {
      %mul3A_22 = arith.constant 8 : i32
      %mul3A_23 = arith.muli %scan3A_21, %mul3A_22 : i32
      %add3A_24 = arith.constant 0 : i32
      %add3A_25 = arith.addi %mul3A_23, %add3A_24 : i32
      %dma_start3A = arith.constant 0 : i32
      %dma_start3A_26 = tpu.memref_slice %arg7[%add3A_25, %dma_start3A] : memref<80x128xi32, #tpu.memory_space<vmem>> -> memref<1x128xi32, #tpu.memory_space<vmem>>
      %dma_start3A_27 = tpu.memref_squeeze %dma_start3A_26 : memref<1x128xi32, #tpu.memory_space<vmem>> -> memref<128xi32, #tpu.memory_space<vmem>>
      %dma_start3A_28 = arith.constant 0 : i32
      %dma_start3A_29 = arith.constant 0 : i32
      %dma_start3A_30 = tpu.memref_slice %arg4[%dma_start3A_28, %dma_start3A_29] : memref<10240x16xf32, #tpu.memory_space<hbm>> -> memref<10240x16xf32, #tpu.memory_space<hbm>>
      tpu.enqueue_indirect_dma source(%dma_start3A_30 : memref<10240x16xf32, #tpu.memory_space<hbm>>) target(%arg9 : memref<128x16xf32, #tpu.memory_space<vmem>>) offsets(%dma_start3A_27 : memref<128xi32, #tpu.memory_space<vmem>>) semaphore(%arg18 : memref<!tpu.dma_semaphore, #tpu.memory_space<semaphore_mem>>)
      %add3A_31 = arith.constant 1 : i32
      %add3A_32 = arith.addi %mul3A_23, %add3A_31 : i32
      %dma_start3A_33 = arith.constant 0 : i32
      %dma_start3A_34 = tpu.memref_slice %arg7[%add3A_32, %dma_start3A_33] : memref<80x128xi32, #tpu.memory_space<vmem>> -> memref<1x128xi32, #tpu.memory_space<vmem>>
      %dma_start3A_35 = tpu.memref_squeeze %dma_start3A_34 : memref<1x128xi32, #tpu.memory_space<vmem>> -> memref<128xi32, #tpu.memory_space<vmem>>
      %dma_start3A_36 = arith.constant 0 : i32
      %dma_start3A_37 = arith.constant 0 : i32
      %dma_start3A_38 = tpu.memref_slice %arg4[%dma_start3A_36, %dma_start3A_37] : memref<10240x16xf32, #tpu.memory_space<hbm>> -> memref<10240x16xf32, #tpu.memory_space<hbm>>
      tpu.enqueue_indirect_dma source(%dma_start3A_38 : memref<10240x16xf32, #tpu.memory_space<hbm>>) target(%arg10 : memref<128x16xf32, #tpu.memory_space<vmem>>) offsets(%dma_start3A_35 : memref<128xi32, #tpu.memory_space<vmem>>) semaphore(%arg19 : memref<!tpu.dma_semaphore, #tpu.memory_space<semaphore_mem>>)
      %add3A_39 = arith.constant 2 : i32
      %add3A_40 = arith.addi %mul3A_23, %add3A_39 : i32
      %dma_start3A_41 = arith.constant 0 : i32
      %dma_start3A_42 = tpu.memref_slice %arg7[%add3A_40, %dma_start3A_41] : memref<80x128xi32, #tpu.memory_space<vmem>> -> memref<1x128xi32, #tpu.memory_space<vmem>>
      %dma_start3A_43 = tpu.memref_squeeze %dma_start3A_42 : memref<1x128xi32, #tpu.memory_space<vmem>> -> memref<128xi32, #tpu.memory_space<vmem>>
      %dma_start3A_44 = arith.constant 0 : i32
      %dma_start3A_45 = arith.constant 0 : i32
      %dma_start3A_46 = tpu.memref_slice %arg4[%dma_start3A_44, %dma_start3A_45] : memref<10240x16xf32, #tpu.memory_space<hbm>> -> memref<10240x16xf32, #tpu.memory_space<hbm>>
      tpu.enqueue_indirect_dma source(%dma_start3A_46 : memref<10240x16xf32, #tpu.memory_space<hbm>>) target(%arg11 : memref<128x16xf32, #tpu.memory_space<vmem>>) offsets(%dma_start3A_43 : memref<128xi32, #tpu.memory_space<vmem>>) semaphore(%arg20 : memref<!tpu.dma_semaphore, #tpu.memory_space<semaphore_mem>>)
      %add3A_47 = arith.constant 3 : i32
      %add3A_48 = arith.addi %mul3A_23, %add3A_47 : i32
      %dma_start3A_49 = arith.constant 0 : i32
      %dma_start3A_50 = tpu.memref_slice %arg7[%add3A_48, %dma_start3A_49] : memref<80x128xi32, #tpu.memory_space<vmem>> -> memref<1x128xi32, #tpu.memory_space<vmem>>
      %dma_start3A_51 = tpu.memref_squeeze %dma_start3A_50 : memref<1x128xi32, #tpu.memory_space<vmem>> -> memref<128xi32, #tpu.memory_space<vmem>>
      %dma_start3A_52 = arith.constant 0 : i32
      %dma_start3A_53 = arith.constant 0 : i32
      %dma_start3A_54 = tpu.memref_slice %arg4[%dma_start3A_52, %dma_start3A_53] : memref<10240x16xf32, #tpu.memory_space<hbm>> -> memref<10240x16xf32, #tpu.memory_space<hbm>>
      tpu.enqueue_indirect_dma source(%dma_start3A_54 : memref<10240x16xf32, #tpu.memory_space<hbm>>) target(%arg12 : memref<128x16xf32, #tpu.memory_space<vmem>>) offsets(%dma_start3A_51 : memref<128xi32, #tpu.memory_space<vmem>>) semaphore(%arg21 : memref<!tpu.dma_semaphore, #tpu.memory_space<semaphore_mem>>)
      %add3A_55 = arith.constant 4 : i32
      %add3A_56 = arith.addi %mul3A_23, %add3A_55 : i32
      %dma_start3A_57 = arith.constant 0 : i32
      %dma_start3A_58 = tpu.memref_slice %arg7[%add3A_56, %dma_start3A_57] : memref<80x128xi32, #tpu.memory_space<vmem>> -> memref<1x128xi32, #tpu.memory_space<vmem>>
      %dma_start3A_59 = tpu.memref_squeeze %dma_start3A_58 : memref<1x128xi32, #tpu.memory_space<vmem>> -> memref<128xi32, #tpu.memory_space<vmem>>
      %dma_start3A_60 = arith.constant 0 : i32
      %dma_start3A_61 = arith.constant 0 : i32
      %dma_start3A_62 = tpu.memref_slice %arg4[%dma_start3A_60, %dma_start3A_61] : memref<10240x16xf32, #tpu.memory_space<hbm>> -> memref<10240x16xf32, #tpu.memory_space<hbm>>
      tpu.enqueue_indirect_dma source(%dma_start3A_62 : memref<10240x16xf32, #tpu.memory_space<hbm>>) target(%arg13 : memref<128x16xf32, #tpu.memory_space<vmem>>) offsets(%dma_start3A_59 : memref<128xi32, #tpu.memory_space<vmem>>) semaphore(%arg22 : memref<!tpu.dma_semaphore, #tpu.memory_space<semaphore_mem>>)
      %add3A_63 = arith.constant 5 : i32
      %add3A_64 = arith.addi %mul3A_23, %add3A_63 : i32
      %dma_start3A_65 = arith.constant 0 : i32
      %dma_start3A_66 = tpu.memref_slice %arg7[%add3A_64, %dma_start3A_65] : memref<80x128xi32, #tpu.memory_space<vmem>> -> memref<1x128xi32, #tpu.memory_space<vmem>>
      %dma_start3A_67 = tpu.memref_squeeze %dma_start3A_66 : memref<1x128xi32, #tpu.memory_space<vmem>> -> memref<128xi32, #tpu.memory_space<vmem>>
      %dma_start3A_68 = arith.constant 0 : i32
      %dma_start3A_69 = arith.constant 0 : i32
      %dma_start3A_70 = tpu.memref_slice %arg4[%dma_start3A_68, %dma_start3A_69] : memref<10240x16xf32, #tpu.memory_space<hbm>> -> memref<10240x16xf32, #tpu.memory_space<hbm>>
      tpu.enqueue_indirect_dma source(%dma_start3A_70 : memref<10240x16xf32, #tpu.memory_space<hbm>>) target(%arg14 : memref<128x16xf32, #tpu.memory_space<vmem>>) offsets(%dma_start3A_67 : memref<128xi32, #tpu.memory_space<vmem>>) semaphore(%arg23 : memref<!tpu.dma_semaphore, #tpu.memory_space<semaphore_mem>>)
      %add3A_71 = arith.constant 6 : i32
      %add3A_72 = arith.addi %mul3A_23, %add3A_71 : i32
      %dma_start3A_73 = arith.constant 0 : i32
      %dma_start3A_74 = tpu.memref_slice %arg7[%add3A_72, %dma_start3A_73] : memref<80x128xi32, #tpu.memory_space<vmem>> -> memref<1x128xi32, #tpu.memory_space<vmem>>
      %dma_start3A_75 = tpu.memref_squeeze %dma_start3A_74 : memref<1x128xi32, #tpu.memory_space<vmem>> -> memref<128xi32, #tpu.memory_space<vmem>>
      %dma_start3A_76 = arith.constant 0 : i32
      %dma_start3A_77 = arith.constant 0 : i32
      %dma_start3A_78 = tpu.memref_slice %arg4[%dma_start3A_76, %dma_start3A_77] : memref<10240x16xf32, #tpu.memory_space<hbm>> -> memref<10240x16xf32, #tpu.memory_space<hbm>>
      tpu.enqueue_indirect_dma source(%dma_start3A_78 : memref<10240x16xf32, #tpu.memory_space<hbm>>) target(%arg15 : memref<128x16xf32, #tpu.memory_space<vmem>>) offsets(%dma_start3A_75 : memref<128xi32, #tpu.memory_space<vmem>>) semaphore(%arg24 : memref<!tpu.dma_semaphore, #tpu.memory_space<semaphore_mem>>)
      %add3A_79 = arith.constant 7 : i32
      %add3A_80 = arith.addi %mul3A_23, %add3A_79 : i32
      %dma_start3A_81 = arith.constant 0 : i32
      %dma_start3A_82 = tpu.memref_slice %arg7[%add3A_80, %dma_start3A_81] : memref<80x128xi32, #tpu.memory_space<vmem>> -> memref<1x128xi32, #tpu.memory_space<vmem>>
      %dma_start3A_83 = tpu.memref_squeeze %dma_start3A_82 : memref<1x128xi32, #tpu.memory_space<vmem>> -> memref<128xi32, #tpu.memory_space<vmem>>
      %dma_start3A_84 = arith.constant 0 : i32
      %dma_start3A_85 = arith.constant 0 : i32
      %dma_start3A_86 = tpu.memref_slice %arg4[%dma_start3A_84, %dma_start3A_85] : memref<10240x16xf32, #tpu.memory_space<hbm>> -> memref<10240x16xf32, #tpu.memory_space<hbm>>
      tpu.enqueue_indirect_dma source(%dma_start3A_86 : memref<10240x16xf32, #tpu.memory_space<hbm>>) target(%arg16 : memref<128x16xf32, #tpu.memory_space<vmem>>) offsets(%dma_start3A_83 : memref<128xi32, #tpu.memory_space<vmem>>) semaphore(%arg25 : memref<!tpu.dma_semaphore, #tpu.memory_space<semaphore_mem>>)
      %dma_wait3A = arith.constant 0 : i32
      %dma_wait3A_87 = tpu.memref_slice %arg7[%add3A_25, %dma_wait3A] : memref<80x128xi32, #tpu.memory_space<vmem>> -> memref<1x128xi32, #tpu.memory_space<vmem>>
      %dma_wait3A_88 = tpu.memref_squeeze %dma_wait3A_87 : memref<1x128xi32, #tpu.memory_space<vmem>> -> memref<128xi32, #tpu.memory_space<vmem>>
      %dma_wait3A_89 = arith.constant 0 : i32
      %dma_wait3A_90 = arith.constant 0 : i32
      %dma_wait3A_91 = tpu.memref_slice %arg4[%dma_wait3A_89, %dma_wait3A_90] : memref<10240x16xf32, #tpu.memory_space<hbm>> -> memref<10240x16xf32, #tpu.memory_space<hbm>>
      tpu.wait_indirect_dma semaphore(%arg18 : memref<!tpu.dma_semaphore, #tpu.memory_space<semaphore_mem>>) src(%dma_wait3A_91 : memref<10240x16xf32, #tpu.memory_space<hbm>>) dst(%arg9 : memref<128x16xf32, #tpu.memory_space<vmem>>)
      %add3A_92 = arith.constant 0 : i32
      %add3A_93 = arith.addi %mul3A_23, %add3A_92 : i32
      %dma_start3A_94 = arith.constant 0 : i32
      %dma_start3A_95 = tpu.memref_slice %arg8[%add3A_93, %dma_start3A_94] : memref<80x128xi32, #tpu.memory_space<vmem>> -> memref<1x128xi32, #tpu.memory_space<vmem>>
      %dma_start3A_96 = tpu.memref_squeeze %dma_start3A_95 : memref<1x128xi32, #tpu.memory_space<vmem>> -> memref<128xi32, #tpu.memory_space<vmem>>
      %dma_start3A_97 = arith.constant 0 : i32
      %dma_start3A_98 = arith.constant 0 : i32
      %dma_start3A_99 = tpu.memref_slice %arg17[%dma_start3A_97, %dma_start3A_98] : memref<10240x16xf32, #tpu.memory_space<vmem_shared>> -> memref<10240x16xf32, #tpu.memory_space<vmem_shared>>
      tpu.enqueue_indirect_dma source(%arg9 : memref<128x16xf32, #tpu.memory_space<vmem>>) target(%dma_start3A_99 : memref<10240x16xf32, #tpu.memory_space<vmem_shared>>) offsets(%dma_start3A_96 : memref<128xi32, #tpu.memory_space<vmem>>) semaphore(%arg26 : memref<!tpu.dma_semaphore, #tpu.memory_space<semaphore_mem>>) {add = true}
      %dma_wait3A_100 = arith.constant 0 : i32
      %dma_wait3A_101 = tpu.memref_slice %arg7[%add3A_32, %dma_wait3A_100] : memref<80x128xi32, #tpu.memory_space<vmem>> -> memref<1x128xi32, #tpu.memory_space<vmem>>
      %dma_wait3A_102 = tpu.memref_squeeze %dma_wait3A_101 : memref<1x128xi32, #tpu.memory_space<vmem>> -> memref<128xi32, #tpu.memory_space<vmem>>
      %dma_wait3A_103 = arith.constant 0 : i32
      %dma_wait3A_104 = arith.constant 0 : i32
      %dma_wait3A_105 = tpu.memref_slice %arg4[%dma_wait3A_103, %dma_wait3A_104] : memref<10240x16xf32, #tpu.memory_space<hbm>> -> memref<10240x16xf32, #tpu.memory_space<hbm>>
      tpu.wait_indirect_dma semaphore(%arg19 : memref<!tpu.dma_semaphore, #tpu.memory_space<semaphore_mem>>) src(%dma_wait3A_105 : memref<10240x16xf32, #tpu.memory_space<hbm>>) dst(%arg10 : memref<128x16xf32, #tpu.memory_space<vmem>>)
      %add3A_106 = arith.constant 1 : i32
      %add3A_107 = arith.addi %mul3A_23, %add3A_106 : i32
      %dma_start3A_108 = arith.constant 0 : i32
      %dma_start3A_109 = tpu.memref_slice %arg8[%add3A_107, %dma_start3A_108] : memref<80x128xi32, #tpu.memory_space<vmem>> -> memref<1x128xi32, #tpu.memory_space<vmem>>
      %dma_start3A_110 = tpu.memref_squeeze %dma_start3A_109 : memref<1x128xi32, #tpu.memory_space<vmem>> -> memref<128xi32, #tpu.memory_space<vmem>>
      %dma_start3A_111 = arith.constant 0 : i32
      %dma_start3A_112 = arith.constant 0 : i32
      %dma_start3A_113 = tpu.memref_slice %arg17[%dma_start3A_111, %dma_start3A_112] : memref<10240x16xf32, #tpu.memory_space<vmem_shared>> -> memref<10240x16xf32, #tpu.memory_space<vmem_shared>>
      tpu.enqueue_indirect_dma source(%arg10 : memref<128x16xf32, #tpu.memory_space<vmem>>) target(%dma_start3A_113 : memref<10240x16xf32, #tpu.memory_space<vmem_shared>>) offsets(%dma_start3A_110 : memref<128xi32, #tpu.memory_space<vmem>>) semaphore(%arg27 : memref<!tpu.dma_semaphore, #tpu.memory_space<semaphore_mem>>) {add = true}
      %dma_wait3A_114 = arith.constant 0 : i32
      %dma_wait3A_115 = tpu.memref_slice %arg7[%add3A_40, %dma_wait3A_114] : memref<80x128xi32, #tpu.memory_space<vmem>> -> memref<1x128xi32, #tpu.memory_space<vmem>>
      %dma_wait3A_116 = tpu.memref_squeeze %dma_wait3A_115 : memref<1x128xi32, #tpu.memory_space<vmem>> -> memref<128xi32, #tpu.memory_space<vmem>>
      %dma_wait3A_117 = arith.constant 0 : i32
      %dma_wait3A_118 = arith.constant 0 : i32
      %dma_wait3A_119 = tpu.memref_slice %arg4[%dma_wait3A_117, %dma_wait3A_118] : memref<10240x16xf32, #tpu.memory_space<hbm>> -> memref<10240x16xf32, #tpu.memory_space<hbm>>
      tpu.wait_indirect_dma semaphore(%arg20 : memref<!tpu.dma_semaphore, #tpu.memory_space<semaphore_mem>>) src(%dma_wait3A_119 : memref<10240x16xf32, #tpu.memory_space<hbm>>) dst(%arg11 : memref<128x16xf32, #tpu.memory_space<vmem>>)
      %add3A_120 = arith.constant 2 : i32
      %add3A_121 = arith.addi %mul3A_23, %add3A_120 : i32
      %dma_start3A_122 = arith.constant 0 : i32
      %dma_start3A_123 = tpu.memref_slice %arg8[%add3A_121, %dma_start3A_122] : memref<80x128xi32, #tpu.memory_space<vmem>> -> memref<1x128xi32, #tpu.memory_space<vmem>>
      %dma_start3A_124 = tpu.memref_squeeze %dma_start3A_123 : memref<1x128xi32, #tpu.memory_space<vmem>> -> memref<128xi32, #tpu.memory_space<vmem>>
      %dma_start3A_125 = arith.constant 0 : i32
      %dma_start3A_126 = arith.constant 0 : i32
      %dma_start3A_127 = tpu.memref_slice %arg17[%dma_start3A_125, %dma_start3A_126] : memref<10240x16xf32, #tpu.memory_space<vmem_shared>> -> memref<10240x16xf32, #tpu.memory_space<vmem_shared>>
      tpu.enqueue_indirect_dma source(%arg11 : memref<128x16xf32, #tpu.memory_space<vmem>>) target(%dma_start3A_127 : memref<10240x16xf32, #tpu.memory_space<vmem_shared>>) offsets(%dma_start3A_124 : memref<128xi32, #tpu.memory_space<vmem>>) semaphore(%arg28 : memref<!tpu.dma_semaphore, #tpu.memory_space<semaphore_mem>>) {add = true}
      %dma_wait3A_128 = arith.constant 0 : i32
      %dma_wait3A_129 = tpu.memref_slice %arg7[%add3A_48, %dma_wait3A_128] : memref<80x128xi32, #tpu.memory_space<vmem>> -> memref<1x128xi32, #tpu.memory_space<vmem>>
      %dma_wait3A_130 = tpu.memref_squeeze %dma_wait3A_129 : memref<1x128xi32, #tpu.memory_space<vmem>> -> memref<128xi32, #tpu.memory_space<vmem>>
      %dma_wait3A_131 = arith.constant 0 : i32
      %dma_wait3A_132 = arith.constant 0 : i32
      %dma_wait3A_133 = tpu.memref_slice %arg4[%dma_wait3A_131, %dma_wait3A_132] : memref<10240x16xf32, #tpu.memory_space<hbm>> -> memref<10240x16xf32, #tpu.memory_space<hbm>>
      tpu.wait_indirect_dma semaphore(%arg21 : memref<!tpu.dma_semaphore, #tpu.memory_space<semaphore_mem>>) src(%dma_wait3A_133 : memref<10240x16xf32, #tpu.memory_space<hbm>>) dst(%arg12 : memref<128x16xf32, #tpu.memory_space<vmem>>)
      %add3A_134 = arith.constant 3 : i32
      %add3A_135 = arith.addi %mul3A_23, %add3A_134 : i32
      %dma_start3A_136 = arith.constant 0 : i32
      %dma_start3A_137 = tpu.memref_slice %arg8[%add3A_135, %dma_start3A_136] : memref<80x128xi32, #tpu.memory_space<vmem>> -> memref<1x128xi32, #tpu.memory_space<vmem>>
      %dma_start3A_138 = tpu.memref_squeeze %dma_start3A_137 : memref<1x128xi32, #tpu.memory_space<vmem>> -> memref<128xi32, #tpu.memory_space<vmem>>
      %dma_start3A_139 = arith.constant 0 : i32
      %dma_start3A_140 = arith.constant 0 : i32
      %dma_start3A_141 = tpu.memref_slice %arg17[%dma_start3A_139, %dma_start3A_140] : memref<10240x16xf32, #tpu.memory_space<vmem_shared>> -> memref<10240x16xf32, #tpu.memory_space<vmem_shared>>
      tpu.enqueue_indirect_dma source(%arg12 : memref<128x16xf32, #tpu.memory_space<vmem>>) target(%dma_start3A_141 : memref<10240x16xf32, #tpu.memory_space<vmem_shared>>) offsets(%dma_start3A_138 : memref<128xi32, #tpu.memory_space<vmem>>) semaphore(%arg29 : memref<!tpu.dma_semaphore, #tpu.memory_space<semaphore_mem>>) {add = true}
      %dma_wait3A_142 = arith.constant 0 : i32
      %dma_wait3A_143 = tpu.memref_slice %arg7[%add3A_56, %dma_wait3A_142] : memref<80x128xi32, #tpu.memory_space<vmem>> -> memref<1x128xi32, #tpu.memory_space<vmem>>
      %dma_wait3A_144 = tpu.memref_squeeze %dma_wait3A_143 : memref<1x128xi32, #tpu.memory_space<vmem>> -> memref<128xi32, #tpu.memory_space<vmem>>
      %dma_wait3A_145 = arith.constant 0 : i32
      %dma_wait3A_146 = arith.constant 0 : i32
      %dma_wait3A_147 = tpu.memref_slice %arg4[%dma_wait3A_145, %dma_wait3A_146] : memref<10240x16xf32, #tpu.memory_space<hbm>> -> memref<10240x16xf32, #tpu.memory_space<hbm>>
      tpu.wait_indirect_dma semaphore(%arg22 : memref<!tpu.dma_semaphore, #tpu.memory_space<semaphore_mem>>) src(%dma_wait3A_147 : memref<10240x16xf32, #tpu.memory_space<hbm>>) dst(%arg13 : memref<128x16xf32, #tpu.memory_space<vmem>>)
      %add3A_148 = arith.constant 4 : i32
      %add3A_149 = arith.addi %mul3A_23, %add3A_148 : i32
      %dma_start3A_150 = arith.constant 0 : i32
      %dma_start3A_151 = tpu.memref_slice %arg8[%add3A_149, %dma_start3A_150] : memref<80x128xi32, #tpu.memory_space<vmem>> -> memref<1x128xi32, #tpu.memory_space<vmem>>
      %dma_start3A_152 = tpu.memref_squeeze %dma_start3A_151 : memref<1x128xi32, #tpu.memory_space<vmem>> -> memref<128xi32, #tpu.memory_space<vmem>>
      %dma_start3A_153 = arith.constant 0 : i32
      %dma_start3A_154 = arith.constant 0 : i32
      %dma_start3A_155 = tpu.memref_slice %arg17[%dma_start3A_153, %dma_start3A_154] : memref<10240x16xf32, #tpu.memory_space<vmem_shared>> -> memref<10240x16xf32, #tpu.memory_space<vmem_shared>>
      tpu.enqueue_indirect_dma source(%arg13 : memref<128x16xf32, #tpu.memory_space<vmem>>) target(%dma_start3A_155 : memref<10240x16xf32, #tpu.memory_space<vmem_shared>>) offsets(%dma_start3A_152 : memref<128xi32, #tpu.memory_space<vmem>>) semaphore(%arg30 : memref<!tpu.dma_semaphore, #tpu.memory_space<semaphore_mem>>) {add = true}
      %dma_wait3A_156 = arith.constant 0 : i32
      %dma_wait3A_157 = tpu.memref_slice %arg7[%add3A_64, %dma_wait3A_156] : memref<80x128xi32, #tpu.memory_space<vmem>> -> memref<1x128xi32, #tpu.memory_space<vmem>>
      %dma_wait3A_158 = tpu.memref_squeeze %dma_wait3A_157 : memref<1x128xi32, #tpu.memory_space<vmem>> -> memref<128xi32, #tpu.memory_space<vmem>>
      %dma_wait3A_159 = arith.constant 0 : i32
      %dma_wait3A_160 = arith.constant 0 : i32
      %dma_wait3A_161 = tpu.memref_slice %arg4[%dma_wait3A_159, %dma_wait3A_160] : memref<10240x16xf32, #tpu.memory_space<hbm>> -> memref<10240x16xf32, #tpu.memory_space<hbm>>
      tpu.wait_indirect_dma semaphore(%arg23 : memref<!tpu.dma_semaphore, #tpu.memory_space<semaphore_mem>>) src(%dma_wait3A_161 : memref<10240x16xf32, #tpu.memory_space<hbm>>) dst(%arg14 : memref<128x16xf32, #tpu.memory_space<vmem>>)
      %add3A_162 = arith.constant 5 : i32
      %add3A_163 = arith.addi %mul3A_23, %add3A_162 : i32
      %dma_start3A_164 = arith.constant 0 : i32
      %dma_start3A_165 = tpu.memref_slice %arg8[%add3A_163, %dma_start3A_164] : memref<80x128xi32, #tpu.memory_space<vmem>> -> memref<1x128xi32, #tpu.memory_space<vmem>>
      %dma_start3A_166 = tpu.memref_squeeze %dma_start3A_165 : memref<1x128xi32, #tpu.memory_space<vmem>> -> memref<128xi32, #tpu.memory_space<vmem>>
      %dma_start3A_167 = arith.constant 0 : i32
      %dma_start3A_168 = arith.constant 0 : i32
      %dma_start3A_169 = tpu.memref_slice %arg17[%dma_start3A_167, %dma_start3A_168] : memref<10240x16xf32, #tpu.memory_space<vmem_shared>> -> memref<10240x16xf32, #tpu.memory_space<vmem_shared>>
      tpu.enqueue_indirect_dma source(%arg14 : memref<128x16xf32, #tpu.memory_space<vmem>>) target(%dma_start3A_169 : memref<10240x16xf32, #tpu.memory_space<vmem_shared>>) offsets(%dma_start3A_166 : memref<128xi32, #tpu.memory_space<vmem>>) semaphore(%arg31 : memref<!tpu.dma_semaphore, #tpu.memory_space<semaphore_mem>>) {add = true}
      %dma_wait3A_170 = arith.constant 0 : i32
      %dma_wait3A_171 = tpu.memref_slice %arg7[%add3A_72, %dma_wait3A_170] : memref<80x128xi32, #tpu.memory_space<vmem>> -> memref<1x128xi32, #tpu.memory_space<vmem>>
      %dma_wait3A_172 = tpu.memref_squeeze %dma_wait3A_171 : memref<1x128xi32, #tpu.memory_space<vmem>> -> memref<128xi32, #tpu.memory_space<vmem>>
      %dma_wait3A_173 = arith.constant 0 : i32
      %dma_wait3A_174 = arith.constant 0 : i32
      %dma_wait3A_175 = tpu.memref_slice %arg4[%dma_wait3A_173, %dma_wait3A_174] : memref<10240x16xf32, #tpu.memory_space<hbm>> -> memref<10240x16xf32, #tpu.memory_space<hbm>>
      tpu.wait_indirect_dma semaphore(%arg24 : memref<!tpu.dma_semaphore, #tpu.memory_space<semaphore_mem>>) src(%dma_wait3A_175 : memref<10240x16xf32, #tpu.memory_space<hbm>>) dst(%arg15 : memref<128x16xf32, #tpu.memory_space<vmem>>)
      %add3A_176 = arith.constant 6 : i32
      %add3A_177 = arith.addi %mul3A_23, %add3A_176 : i32
      %dma_start3A_178 = arith.constant 0 : i32
      %dma_start3A_179 = tpu.memref_slice %arg8[%add3A_177, %dma_start3A_178] : memref<80x128xi32, #tpu.memory_space<vmem>> -> memref<1x128xi32, #tpu.memory_space<vmem>>
      %dma_start3A_180 = tpu.memref_squeeze %dma_start3A_179 : memref<1x128xi32, #tpu.memory_space<vmem>> -> memref<128xi32, #tpu.memory_space<vmem>>
      %dma_start3A_181 = arith.constant 0 : i32
      %dma_start3A_182 = arith.constant 0 : i32
      %dma_start3A_183 = tpu.memref_slice %arg17[%dma_start3A_181, %dma_start3A_182] : memref<10240x16xf32, #tpu.memory_space<vmem_shared>> -> memref<10240x16xf32, #tpu.memory_space<vmem_shared>>
      tpu.enqueue_indirect_dma source(%arg15 : memref<128x16xf32, #tpu.memory_space<vmem>>) target(%dma_start3A_183 : memref<10240x16xf32, #tpu.memory_space<vmem_shared>>) offsets(%dma_start3A_180 : memref<128xi32, #tpu.memory_space<vmem>>) semaphore(%arg32 : memref<!tpu.dma_semaphore, #tpu.memory_space<semaphore_mem>>) {add = true}
      %dma_wait3A_184 = arith.constant 0 : i32
      %dma_wait3A_185 = tpu.memref_slice %arg7[%add3A_80, %dma_wait3A_184] : memref<80x128xi32, #tpu.memory_space<vmem>> -> memref<1x128xi32, #tpu.memory_space<vmem>>
      %dma_wait3A_186 = tpu.memref_squeeze %dma_wait3A_185 : memref<1x128xi32, #tpu.memory_space<vmem>> -> memref<128xi32, #tpu.memory_space<vmem>>
      %dma_wait3A_187 = arith.constant 0 : i32
      %dma_wait3A_188 = arith.constant 0 : i32
      %dma_wait3A_189 = tpu.memref_slice %arg4[%dma_wait3A_187, %dma_wait3A_188] : memref<10240x16xf32, #tpu.memory_space<hbm>> -> memref<10240x16xf32, #tpu.memory_space<hbm>>
      tpu.wait_indirect_dma semaphore(%arg25 : memref<!tpu.dma_semaphore, #tpu.memory_space<semaphore_mem>>) src(%dma_wait3A_189 : memref<10240x16xf32, #tpu.memory_space<hbm>>) dst(%arg16 : memref<128x16xf32, #tpu.memory_space<vmem>>)
      %add3A_190 = arith.constant 7 : i32
      %add3A_191 = arith.addi %mul3A_23, %add3A_190 : i32
      %dma_start3A_192 = arith.constant 0 : i32
      %dma_start3A_193 = tpu.memref_slice %arg8[%add3A_191, %dma_start3A_192] : memref<80x128xi32, #tpu.memory_space<vmem>> -> memref<1x128xi32, #tpu.memory_space<vmem>>
      %dma_start3A_194 = tpu.memref_squeeze %dma_start3A_193 : memref<1x128xi32, #tpu.memory_space<vmem>> -> memref<128xi32, #tpu.memory_space<vmem>>
      %dma_start3A_195 = arith.constant 0 : i32
      %dma_start3A_196 = arith.constant 0 : i32
      %dma_start3A_197 = tpu.memref_slice %arg17[%dma_start3A_195, %dma_start3A_196] : memref<10240x16xf32, #tpu.memory_space<vmem_shared>> -> memref<10240x16xf32, #tpu.memory_space<vmem_shared>>
      tpu.enqueue_indirect_dma source(%arg16 : memref<128x16xf32, #tpu.memory_space<vmem>>) target(%dma_start3A_197 : memref<10240x16xf32, #tpu.memory_space<vmem_shared>>) offsets(%dma_start3A_194 : memref<128xi32, #tpu.memory_space<vmem>>) semaphore(%arg33 : memref<!tpu.dma_semaphore, #tpu.memory_space<semaphore_mem>>) {add = true}
      %dma_wait3A_198 = arith.constant 0 : i32
      %dma_wait3A_199 = tpu.memref_slice %arg8[%add3A_93, %dma_wait3A_198] : memref<80x128xi32, #tpu.memory_space<vmem>> -> memref<1x128xi32, #tpu.memory_space<vmem>>
      %dma_wait3A_200 = tpu.memref_squeeze %dma_wait3A_199 : memref<1x128xi32, #tpu.memory_space<vmem>> -> memref<128xi32, #tpu.memory_space<vmem>>
      %dma_wait3A_201 = arith.constant 0 : i32
      %dma_wait3A_202 = arith.constant 0 : i32
      %dma_wait3A_203 = tpu.memref_slice %arg17[%dma_wait3A_201, %dma_wait3A_202] : memref<10240x16xf32, #tpu.memory_space<vmem_shared>> -> memref<10240x16xf32, #tpu.memory_space<vmem_shared>>
      tpu.wait_indirect_dma semaphore(%arg26 : memref<!tpu.dma_semaphore, #tpu.memory_space<semaphore_mem>>) src(%arg9 : memref<128x16xf32, #tpu.memory_space<vmem>>) dst(%dma_wait3A_203 : memref<10240x16xf32, #tpu.memory_space<vmem_shared>>)
      %dma_wait3A_204 = arith.constant 0 : i32
      %dma_wait3A_205 = tpu.memref_slice %arg8[%add3A_107, %dma_wait3A_204] : memref<80x128xi32, #tpu.memory_space<vmem>> -> memref<1x128xi32, #tpu.memory_space<vmem>>
      %dma_wait3A_206 = tpu.memref_squeeze %dma_wait3A_205 : memref<1x128xi32, #tpu.memory_space<vmem>> -> memref<128xi32, #tpu.memory_space<vmem>>
      %dma_wait3A_207 = arith.constant 0 : i32
      %dma_wait3A_208 = arith.constant 0 : i32
      %dma_wait3A_209 = tpu.memref_slice %arg17[%dma_wait3A_207, %dma_wait3A_208] : memref<10240x16xf32, #tpu.memory_space<vmem_shared>> -> memref<10240x16xf32, #tpu.memory_space<vmem_shared>>
      tpu.wait_indirect_dma semaphore(%arg27 : memref<!tpu.dma_semaphore, #tpu.memory_space<semaphore_mem>>) src(%arg10 : memref<128x16xf32, #tpu.memory_space<vmem>>) dst(%dma_wait3A_209 : memref<10240x16xf32, #tpu.memory_space<vmem_shared>>)
      %dma_wait3A_210 = arith.constant 0 : i32
      %dma_wait3A_211 = tpu.memref_slice %arg8[%add3A_121, %dma_wait3A_210] : memref<80x128xi32, #tpu.memory_space<vmem>> -> memref<1x128xi32, #tpu.memory_space<vmem>>
      %dma_wait3A_212 = tpu.memref_squeeze %dma_wait3A_211 : memref<1x128xi32, #tpu.memory_space<vmem>> -> memref<128xi32, #tpu.memory_space<vmem>>
      %dma_wait3A_213 = arith.constant 0 : i32
      %dma_wait3A_214 = arith.constant 0 : i32
      %dma_wait3A_215 = tpu.memref_slice %arg17[%dma_wait3A_213, %dma_wait3A_214] : memref<10240x16xf32, #tpu.memory_space<vmem_shared>> -> memref<10240x16xf32, #tpu.memory_space<vmem_shared>>
      tpu.wait_indirect_dma semaphore(%arg28 : memref<!tpu.dma_semaphore, #tpu.memory_space<semaphore_mem>>) src(%arg11 : memref<128x16xf32, #tpu.memory_space<vmem>>) dst(%dma_wait3A_215 : memref<10240x16xf32, #tpu.memory_space<vmem_shared>>)
      %dma_wait3A_216 = arith.constant 0 : i32
      %dma_wait3A_217 = tpu.memref_slice %arg8[%add3A_135, %dma_wait3A_216] : memref<80x128xi32, #tpu.memory_space<vmem>> -> memref<1x128xi32, #tpu.memory_space<vmem>>
      %dma_wait3A_218 = tpu.memref_squeeze %dma_wait3A_217 : memref<1x128xi32, #tpu.memory_space<vmem>> -> memref<128xi32, #tpu.memory_space<vmem>>
      %dma_wait3A_219 = arith.constant 0 : i32
      %dma_wait3A_220 = arith.constant 0 : i32
      %dma_wait3A_221 = tpu.memref_slice %arg17[%dma_wait3A_219, %dma_wait3A_220] : memref<10240x16xf32, #tpu.memory_space<vmem_shared>> -> memref<10240x16xf32, #tpu.memory_space<vmem_shared>>
      tpu.wait_indirect_dma semaphore(%arg29 : memref<!tpu.dma_semaphore, #tpu.memory_space<semaphore_mem>>) src(%arg12 : memref<128x16xf32, #tpu.memory_space<vmem>>) dst(%dma_wait3A_221 : memref<10240x16xf32, #tpu.memory_space<vmem_shared>>)
      %dma_wait3A_222 = arith.constant 0 : i32
      %dma_wait3A_223 = tpu.memref_slice %arg8[%add3A_149, %dma_wait3A_222] : memref<80x128xi32, #tpu.memory_space<vmem>> -> memref<1x128xi32, #tpu.memory_space<vmem>>
      %dma_wait3A_224 = tpu.memref_squeeze %dma_wait3A_223 : memref<1x128xi32, #tpu.memory_space<vmem>> -> memref<128xi32, #tpu.memory_space<vmem>>
      %dma_wait3A_225 = arith.constant 0 : i32
      %dma_wait3A_226 = arith.constant 0 : i32
      %dma_wait3A_227 = tpu.memref_slice %arg17[%dma_wait3A_225, %dma_wait3A_226] : memref<10240x16xf32, #tpu.memory_space<vmem_shared>> -> memref<10240x16xf32, #tpu.memory_space<vmem_shared>>
      tpu.wait_indirect_dma semaphore(%arg30 : memref<!tpu.dma_semaphore, #tpu.memory_space<semaphore_mem>>) src(%arg13 : memref<128x16xf32, #tpu.memory_space<vmem>>) dst(%dma_wait3A_227 : memref<10240x16xf32, #tpu.memory_space<vmem_shared>>)
      %dma_wait3A_228 = arith.constant 0 : i32
      %dma_wait3A_229 = tpu.memref_slice %arg8[%add3A_163, %dma_wait3A_228] : memref<80x128xi32, #tpu.memory_space<vmem>> -> memref<1x128xi32, #tpu.memory_space<vmem>>
      %dma_wait3A_230 = tpu.memref_squeeze %dma_wait3A_229 : memref<1x128xi32, #tpu.memory_space<vmem>> -> memref<128xi32, #tpu.memory_space<vmem>>
      %dma_wait3A_231 = arith.constant 0 : i32
      %dma_wait3A_232 = arith.constant 0 : i32
      %dma_wait3A_233 = tpu.memref_slice %arg17[%dma_wait3A_231, %dma_wait3A_232] : memref<10240x16xf32, #tpu.memory_space<vmem_shared>> -> memref<10240x16xf32, #tpu.memory_space<vmem_shared>>
      tpu.wait_indirect_dma semaphore(%arg31 : memref<!tpu.dma_semaphore, #tpu.memory_space<semaphore_mem>>) src(%arg14 : memref<128x16xf32, #tpu.memory_space<vmem>>) dst(%dma_wait3A_233 : memref<10240x16xf32, #tpu.memory_space<vmem_shared>>)
      %dma_wait3A_234 = arith.constant 0 : i32
      %dma_wait3A_235 = tpu.memref_slice %arg8[%add3A_177, %dma_wait3A_234] : memref<80x128xi32, #tpu.memory_space<vmem>> -> memref<1x128xi32, #tpu.memory_space<vmem>>
      %dma_wait3A_236 = tpu.memref_squeeze %dma_wait3A_235 : memref<1x128xi32, #tpu.memory_space<vmem>> -> memref<128xi32, #tpu.memory_space<vmem>>
      %dma_wait3A_237 = arith.constant 0 : i32
      %dma_wait3A_238 = arith.constant 0 : i32
      %dma_wait3A_239 = tpu.memref_slice %arg17[%dma_wait3A_237, %dma_wait3A_238] : memref<10240x16xf32, #tpu.memory_space<vmem_shared>> -> memref<10240x16xf32, #tpu.memory_space<vmem_shared>>
      tpu.wait_indirect_dma semaphore(%arg32 : memref<!tpu.dma_semaphore, #tpu.memory_space<semaphore_mem>>) src(%arg15 : memref<128x16xf32, #tpu.memory_space<vmem>>) dst(%dma_wait3A_239 : memref<10240x16xf32, #tpu.memory_space<vmem_shared>>)
      %dma_wait3A_240 = arith.constant 0 : i32
      %dma_wait3A_241 = tpu.memref_slice %arg8[%add3A_191, %dma_wait3A_240] : memref<80x128xi32, #tpu.memory_space<vmem>> -> memref<1x128xi32, #tpu.memory_space<vmem>>
      %dma_wait3A_242 = tpu.memref_squeeze %dma_wait3A_241 : memref<1x128xi32, #tpu.memory_space<vmem>> -> memref<128xi32, #tpu.memory_space<vmem>>
      %dma_wait3A_243 = arith.constant 0 : i32
      %dma_wait3A_244 = arith.constant 0 : i32
      %dma_wait3A_245 = tpu.memref_slice %arg17[%dma_wait3A_243, %dma_wait3A_244] : memref<10240x16xf32, #tpu.memory_space<vmem_shared>> -> memref<10240x16xf32, #tpu.memory_space<vmem_shared>>
      tpu.wait_indirect_dma semaphore(%arg33 : memref<!tpu.dma_semaphore, #tpu.memory_space<semaphore_mem>>) src(%arg16 : memref<128x16xf32, #tpu.memory_space<vmem>>) dst(%dma_wait3A_245 : memref<10240x16xf32, #tpu.memory_space<vmem_shared>>)
    }
    %scan3A_15 = arith.constant 10 : i32
    %barrier3A_16 = arith.constant 0 : index
    tpu.barrier barrier_id(%barrier3A_16)
    %mul3A_17 = arith.constant 640 : i32
    %mul3A_18 = arith.muli %arg1, %mul3A_17 : i32
    %mul3A_19 = arith.constant 640 : i32
    %mul3A_20 = arith.muli %arg1, %mul3A_19 : i32
    "tpu.region"() ({
      %run_scoped3A = tpu.sem_alloc : memref<!tpu.dma_semaphore, #tpu.memory_space<semaphore_mem>>
      %dma_start3A = arith.constant 0 : i32
      %dma_start3A_21 = arith.constant 0 : i32
      %dma_start3A_22 = tpu.memref_slice %arg6[%arg0, %dma_start3A, %dma_start3A_21] : memref<2x10240x16xf32, #tpu.memory_space<hbm>> -> memref<1x10240x16xf32, #tpu.memory_space<hbm>>
      %dma_start3A_23 = tpu.memref_squeeze %dma_start3A_22 : memref<1x10240x16xf32, #tpu.memory_space<hbm>> -> memref<10240x16xf32, #tpu.memory_space<hbm>>
      %dma_start3A_24 = arith.constant 0 : i32
      %dma_start3A_25 = tpu.memref_slice %dma_start3A_23[%mul3A_20, %dma_start3A_24] : memref<10240x16xf32, #tpu.memory_space<hbm>> -> memref<640x16xf32, #tpu.memory_space<hbm>>
      %dma_start3A_26 = arith.constant 0 : i32
      %dma_start3A_27 = tpu.memref_slice %arg17[%mul3A_18, %dma_start3A_26] : memref<10240x16xf32, #tpu.memory_space<vmem_shared>> -> memref<640x16xf32, #tpu.memory_space<vmem_shared>>
      tpu.enqueue_dma source(%dma_start3A_27 : memref<640x16xf32, #tpu.memory_space<vmem_shared>>) target(%dma_start3A_25 : memref<640x16xf32, #tpu.memory_space<hbm>>) target_semaphore(%run_scoped3A : memref<!tpu.dma_semaphore, #tpu.memory_space<semaphore_mem>>)
      %dma_wait3A = arith.constant 0 : i32
      %dma_wait3A_28 = arith.constant 0 : i32
      %dma_wait3A_29 = tpu.memref_slice %arg6[%arg0, %dma_wait3A, %dma_wait3A_28] : memref<2x10240x16xf32, #tpu.memory_space<hbm>> -> memref<1x10240x16xf32, #tpu.memory_space<hbm>>
      %dma_wait3A_30 = tpu.memref_squeeze %dma_wait3A_29 : memref<1x10240x16xf32, #tpu.memory_space<hbm>> -> memref<10240x16xf32, #tpu.memory_space<hbm>>
      %dma_wait3A_31 = arith.constant 0 : i32
      %dma_wait3A_32 = tpu.memref_slice %dma_wait3A_30[%mul3A_20, %dma_wait3A_31] : memref<10240x16xf32, #tpu.memory_space<hbm>> -> memref<640x16xf32, #tpu.memory_space<hbm>>
      %dma_wait3A_33 = arith.constant 0 : i32
      %dma_wait3A_34 = tpu.memref_slice %arg17[%mul3A_18, %dma_wait3A_33] : memref<10240x16xf32, #tpu.memory_space<vmem_shared>> -> memref<640x16xf32, #tpu.memory_space<vmem_shared>>
      tpu.wait_dma2 semaphore(%run_scoped3A : memref<!tpu.dma_semaphore, #tpu.memory_space<semaphore_mem>>) src(%dma_wait3A_34 : memref<640x16xf32, #tpu.memory_space<vmem_shared>>) dst(%dma_wait3A_32 : memref<640x16xf32, #tpu.memory_space<hbm>>)
      tpu.yield
    }) : () -> ()
    return
  }
}

#map = affine_map<(d0, d1) -> (0, 0, 0)>
#map1 = affine_map<(d0, d1) -> (0, 0)>
module attributes {stable_mosaic.version = 14 : i64} {
  func.func @agg(%arg0: i32, %arg1: i32, %arg2: memref<32x80x128xi32, #tpu.memory_space<hbm>>, %arg3: memref<32x80x128xi32, #tpu.memory_space<hbm>>, %arg4: memref<10240x64xf32, #tpu.memory_space<hbm>>, %arg5: memref<10240x64xf32, #tpu.memory_space<hbm>>, %arg6: memref<2x10240x64xf32, #tpu.memory_space<hbm>>, %arg7: memref<80x128xi32, #tpu.memory_space<vmem>>, %arg8: memref<80x128xi32, #tpu.memory_space<vmem>>, %arg9: memref<128x64xf32, #tpu.memory_space<vmem>>, %arg10: memref<128x64xf32, #tpu.memory_space<vmem>>, %arg11: memref<128x64xf32, #tpu.memory_space<vmem>>, %arg12: memref<128x64xf32, #tpu.memory_space<vmem>>, %arg13: memref<128x64xf32, #tpu.memory_space<vmem>>, %arg14: memref<128x64xf32, #tpu.memory_space<vmem>>, %arg15: memref<128x64xf32, #tpu.memory_space<vmem>>, %arg16: memref<128x64xf32, #tpu.memory_space<vmem>>, %arg17: memref<10240x64xf32, #tpu.memory_space<vmem_shared>>, %arg18: memref<!tpu.dma_semaphore, #tpu.memory_space<semaphore_mem>>, %arg19: memref<!tpu.dma_semaphore, #tpu.memory_space<semaphore_mem>>, %arg20: memref<!tpu.dma_semaphore, #tpu.memory_space<semaphore_mem>>, %arg21: memref<!tpu.dma_semaphore, #tpu.memory_space<semaphore_mem>>, %arg22: memref<!tpu.dma_semaphore, #tpu.memory_space<semaphore_mem>>, %arg23: memref<!tpu.dma_semaphore, #tpu.memory_space<semaphore_mem>>, %arg24: memref<!tpu.dma_semaphore, #tpu.memory_space<semaphore_mem>>, %arg25: memref<!tpu.dma_semaphore, #tpu.memory_space<semaphore_mem>>, %arg26: memref<!tpu.dma_semaphore, #tpu.memory_space<semaphore_mem>>, %arg27: memref<!tpu.dma_semaphore, #tpu.memory_space<semaphore_mem>>, %arg28: memref<!tpu.dma_semaphore, #tpu.memory_space<semaphore_mem>>, %arg29: memref<!tpu.dma_semaphore, #tpu.memory_space<semaphore_mem>>, %arg30: memref<!tpu.dma_semaphore, #tpu.memory_space<semaphore_mem>>, %arg31: memref<!tpu.dma_semaphore, #tpu.memory_space<semaphore_mem>>, %arg32: memref<!tpu.dma_semaphore, #tpu.memory_space<semaphore_mem>>, %arg33: memref<!tpu.dma_semaphore, #tpu.memory_space<semaphore_mem>>) attributes {dimension_semantics = [#tpu.dimension_semantics<core_parallel>, #tpu.dimension_semantics<subcore_parallel>], iteration_bounds = array<i64: 2, 16>, scalar_prefetch = 0 : i64, scratch_operands = 27 : i64, tpu.core_type = #tpu.core_type<sc_vector_subcore>, window_params = [{transform_indices = #map}, {transform_indices = #map}, {transform_indices = #map1}, {transform_indices = #map1}, {transform_indices = #map}]} {
    %mul3A = arith.constant 16 : i32
    %mul3A_0 = arith.muli %arg0, %mul3A : i32
    %add3A = arith.addi %mul3A_0, %arg1 : i32
    "tpu.region"() ({
      %run_scoped3A = tpu.sem_alloc : memref<!tpu.dma_semaphore, #tpu.memory_space<semaphore_mem>>
      %dma_start3A = arith.constant 0 : i32
      %dma_start3A_21 = arith.constant 0 : i32
      %dma_start3A_22 = tpu.memref_slice %arg2[%add3A, %dma_start3A, %dma_start3A_21] : memref<32x80x128xi32, #tpu.memory_space<hbm>> -> memref<1x80x128xi32, #tpu.memory_space<hbm>>
      %dma_start3A_23 = tpu.memref_squeeze %dma_start3A_22 : memref<1x80x128xi32, #tpu.memory_space<hbm>> -> memref<80x128xi32, #tpu.memory_space<hbm>>
      %dma_start3A_24 = arith.constant 0 : i32
      %dma_start3A_25 = arith.constant 0 : i32
      %dma_start3A_26 = tpu.memref_slice %arg2[%add3A, %dma_start3A_24, %dma_start3A_25] : memref<32x80x128xi32, #tpu.memory_space<hbm>> -> memref<1x80x128xi32, #tpu.memory_space<hbm>>
      %dma_start3A_27 = tpu.memref_squeeze %dma_start3A_26 : memref<1x80x128xi32, #tpu.memory_space<hbm>> -> memref<80x128xi32, #tpu.memory_space<hbm>>
      tpu.enqueue_dma source(%dma_start3A_27 : memref<80x128xi32, #tpu.memory_space<hbm>>) target(%arg7 : memref<80x128xi32, #tpu.memory_space<vmem>>) target_semaphore(%run_scoped3A : memref<!tpu.dma_semaphore, #tpu.memory_space<semaphore_mem>>)
      %dma_wait3A = arith.constant 0 : i32
      %dma_wait3A_28 = arith.constant 0 : i32
      %dma_wait3A_29 = tpu.memref_slice %arg2[%add3A, %dma_wait3A, %dma_wait3A_28] : memref<32x80x128xi32, #tpu.memory_space<hbm>> -> memref<1x80x128xi32, #tpu.memory_space<hbm>>
      %dma_wait3A_30 = tpu.memref_squeeze %dma_wait3A_29 : memref<1x80x128xi32, #tpu.memory_space<hbm>> -> memref<80x128xi32, #tpu.memory_space<hbm>>
      %dma_wait3A_31 = arith.constant 0 : i32
      %dma_wait3A_32 = arith.constant 0 : i32
      %dma_wait3A_33 = tpu.memref_slice %arg2[%add3A, %dma_wait3A_31, %dma_wait3A_32] : memref<32x80x128xi32, #tpu.memory_space<hbm>> -> memref<1x80x128xi32, #tpu.memory_space<hbm>>
      %dma_wait3A_34 = tpu.memref_squeeze %dma_wait3A_33 : memref<1x80x128xi32, #tpu.memory_space<hbm>> -> memref<80x128xi32, #tpu.memory_space<hbm>>
      tpu.wait_dma2 semaphore(%run_scoped3A : memref<!tpu.dma_semaphore, #tpu.memory_space<semaphore_mem>>) src(%dma_wait3A_34 : memref<80x128xi32, #tpu.memory_space<hbm>>) dst(%arg7 : memref<80x128xi32, #tpu.memory_space<vmem>>)
      tpu.yield
    }) : () -> ()
    "tpu.region"() ({
      %run_scoped3A = tpu.sem_alloc : memref<!tpu.dma_semaphore, #tpu.memory_space<semaphore_mem>>
      %dma_start3A = arith.constant 0 : i32
      %dma_start3A_21 = arith.constant 0 : i32
      %dma_start3A_22 = tpu.memref_slice %arg3[%add3A, %dma_start3A, %dma_start3A_21] : memref<32x80x128xi32, #tpu.memory_space<hbm>> -> memref<1x80x128xi32, #tpu.memory_space<hbm>>
      %dma_start3A_23 = tpu.memref_squeeze %dma_start3A_22 : memref<1x80x128xi32, #tpu.memory_space<hbm>> -> memref<80x128xi32, #tpu.memory_space<hbm>>
      %dma_start3A_24 = arith.constant 0 : i32
      %dma_start3A_25 = arith.constant 0 : i32
      %dma_start3A_26 = tpu.memref_slice %arg3[%add3A, %dma_start3A_24, %dma_start3A_25] : memref<32x80x128xi32, #tpu.memory_space<hbm>> -> memref<1x80x128xi32, #tpu.memory_space<hbm>>
      %dma_start3A_27 = tpu.memref_squeeze %dma_start3A_26 : memref<1x80x128xi32, #tpu.memory_space<hbm>> -> memref<80x128xi32, #tpu.memory_space<hbm>>
      tpu.enqueue_dma source(%dma_start3A_27 : memref<80x128xi32, #tpu.memory_space<hbm>>) target(%arg8 : memref<80x128xi32, #tpu.memory_space<vmem>>) target_semaphore(%run_scoped3A : memref<!tpu.dma_semaphore, #tpu.memory_space<semaphore_mem>>)
      %dma_wait3A = arith.constant 0 : i32
      %dma_wait3A_28 = arith.constant 0 : i32
      %dma_wait3A_29 = tpu.memref_slice %arg3[%add3A, %dma_wait3A, %dma_wait3A_28] : memref<32x80x128xi32, #tpu.memory_space<hbm>> -> memref<1x80x128xi32, #tpu.memory_space<hbm>>
      %dma_wait3A_30 = tpu.memref_squeeze %dma_wait3A_29 : memref<1x80x128xi32, #tpu.memory_space<hbm>> -> memref<80x128xi32, #tpu.memory_space<hbm>>
      %dma_wait3A_31 = arith.constant 0 : i32
      %dma_wait3A_32 = arith.constant 0 : i32
      %dma_wait3A_33 = tpu.memref_slice %arg3[%add3A, %dma_wait3A_31, %dma_wait3A_32] : memref<32x80x128xi32, #tpu.memory_space<hbm>> -> memref<1x80x128xi32, #tpu.memory_space<hbm>>
      %dma_wait3A_34 = tpu.memref_squeeze %dma_wait3A_33 : memref<1x80x128xi32, #tpu.memory_space<hbm>> -> memref<80x128xi32, #tpu.memory_space<hbm>>
      tpu.wait_dma2 semaphore(%run_scoped3A : memref<!tpu.dma_semaphore, #tpu.memory_space<semaphore_mem>>) src(%dma_wait3A_34 : memref<80x128xi32, #tpu.memory_space<hbm>>) dst(%arg8 : memref<80x128xi32, #tpu.memory_space<vmem>>)
      tpu.yield
    }) : () -> ()
    %mul3A_1 = arith.constant 640 : i32
    %mul3A_2 = arith.muli %arg1, %mul3A_1 : i32
    %mul3A_3 = arith.constant 640 : i32
    %mul3A_4 = arith.muli %arg1, %mul3A_3 : i32
    "tpu.region"() ({
      %run_scoped3A = tpu.sem_alloc : memref<!tpu.dma_semaphore, #tpu.memory_space<semaphore_mem>>
      %dma_start3A = arith.constant 0 : i32
      %dma_start3A_21 = tpu.memref_slice %arg17[%mul3A_4, %dma_start3A] : memref<10240x64xf32, #tpu.memory_space<vmem_shared>> -> memref<640x64xf32, #tpu.memory_space<vmem_shared>>
      %dma_start3A_22 = arith.constant 0 : i32
      %dma_start3A_23 = tpu.memref_slice %arg5[%mul3A_2, %dma_start3A_22] : memref<10240x64xf32, #tpu.memory_space<hbm>> -> memref<640x64xf32, #tpu.memory_space<hbm>>
      tpu.enqueue_dma source(%dma_start3A_23 : memref<640x64xf32, #tpu.memory_space<hbm>>) target(%dma_start3A_21 : memref<640x64xf32, #tpu.memory_space<vmem_shared>>) target_semaphore(%run_scoped3A : memref<!tpu.dma_semaphore, #tpu.memory_space<semaphore_mem>>)
      %dma_wait3A = arith.constant 0 : i32
      %dma_wait3A_24 = tpu.memref_slice %arg17[%mul3A_4, %dma_wait3A] : memref<10240x64xf32, #tpu.memory_space<vmem_shared>> -> memref<640x64xf32, #tpu.memory_space<vmem_shared>>
      %dma_wait3A_25 = arith.constant 0 : i32
      %dma_wait3A_26 = tpu.memref_slice %arg5[%mul3A_2, %dma_wait3A_25] : memref<10240x64xf32, #tpu.memory_space<hbm>> -> memref<640x64xf32, #tpu.memory_space<hbm>>
      tpu.wait_dma2 semaphore(%run_scoped3A : memref<!tpu.dma_semaphore, #tpu.memory_space<semaphore_mem>>) src(%dma_wait3A_26 : memref<640x64xf32, #tpu.memory_space<hbm>>) dst(%dma_wait3A_24 : memref<640x64xf32, #tpu.memory_space<vmem_shared>>)
      tpu.yield
    }) : () -> ()
    %scan3A = arith.constant 0 : i32
    %scan3A_5 = arith.constant 0 : i32
    %scan3A_6 = arith.constant 80 : i32
    %scan3A_7 = arith.addi %scan3A_5, %scan3A_6 : i32
    %scan3A_8 = arith.constant 1 : i32
    scf.for %scan3A_21 = %scan3A_5 to %scan3A_7 step %scan3A_8  : i32 {
      %get3A = arith.index_cast %scan3A_21 : i32 to index
      %get3A_22 = arith.constant 0 : index
      %get3A_23 = tpu.vector_load %arg7[%get3A, %get3A_22] {strides = array<i32>} : memref<80x128xi32, #tpu.memory_space<vmem>>, vector<1x16xi32>,
      %get3A_24 = vector.shape_cast %get3A_23 : vector<1x16xi32> to vector<16xi32>
      %get3A_25 = arith.index_cast %scan3A_21 : i32 to index
      %get3A_26 = arith.constant 0 : index
      %get3A_27 = tpu.vector_load %arg8[%get3A_25, %get3A_26] {strides = array<i32>} : memref<80x128xi32, #tpu.memory_space<vmem>>, vector<1x16xi32>,
      %get3A_28 = vector.shape_cast %get3A_27 : vector<1x16xi32> to vector<16xi32>
      %eq3A = arith.cmpi eq, %get3A_24, %get3A_28 : vector<16xi32>
      %broadcast_in_dim3A = arith.constant 10000 : i32
      %broadcast_in_dim3A_29 = vector.broadcast %broadcast_in_dim3A : i32 to vector<16xi32>
      %select_n3A = arith.select %eq3A, %broadcast_in_dim3A_29, %get3A_28 : vector<16xi1>, vector<16xi32>
      %swap3A = arith.index_cast %scan3A_21 : i32 to index
      %swap3A_30 = arith.constant 0 : index
      %swap3A_31 = tpu.vector_load %arg8[%swap3A, %swap3A_30] {strides = array<i32>} : memref<80x128xi32, #tpu.memory_space<vmem>>, vector<1x16xi32>,
      %swap3A_32 = vector.shape_cast %swap3A_31 : vector<1x16xi32> to vector<16xi32>
      %swap3A_33 = vector.shape_cast %select_n3A : vector<16xi32> to vector<1x16xi32>
      tpu.vector_store %arg8[%swap3A, %swap3A_30], %swap3A_33 {strides = array<i32>} : memref<80x128xi32, #tpu.memory_space<vmem>>, vector<1x16xi32>,
      %get3A_34 = arith.index_cast %scan3A_21 : i32 to index
      %get3A_35 = arith.constant 16 : index
      %get3A_36 = tpu.vector_load %arg7[%get3A_34, %get3A_35] {strides = array<i32>} : memref<80x128xi32, #tpu.memory_space<vmem>>, vector<1x16xi32>,
      %get3A_37 = vector.shape_cast %get3A_36 : vector<1x16xi32> to vector<16xi32>
      %get3A_38 = arith.index_cast %scan3A_21 : i32 to index
      %get3A_39 = arith.constant 16 : index
      %get3A_40 = tpu.vector_load %arg8[%get3A_38, %get3A_39] {strides = array<i32>} : memref<80x128xi32, #tpu.memory_space<vmem>>, vector<1x16xi32>,
      %get3A_41 = vector.shape_cast %get3A_40 : vector<1x16xi32> to vector<16xi32>
      %eq3A_42 = arith.cmpi eq, %get3A_37, %get3A_41 : vector<16xi32>
      %broadcast_in_dim3A_43 = arith.constant 10000 : i32
      %broadcast_in_dim3A_44 = vector.broadcast %broadcast_in_dim3A_43 : i32 to vector<16xi32>
      %select_n3A_45 = arith.select %eq3A_42, %broadcast_in_dim3A_44, %get3A_41 : vector<16xi1>, vector<16xi32>
      %swap3A_46 = arith.index_cast %scan3A_21 : i32 to index
      %swap3A_47 = arith.constant 16 : index
      %swap3A_48 = tpu.vector_load %arg8[%swap3A_46, %swap3A_47] {strides = array<i32>} : memref<80x128xi32, #tpu.memory_space<vmem>>, vector<1x16xi32>,
      %swap3A_49 = vector.shape_cast %swap3A_48 : vector<1x16xi32> to vector<16xi32>
      %swap3A_50 = vector.shape_cast %select_n3A_45 : vector<16xi32> to vector<1x16xi32>
      tpu.vector_store %arg8[%swap3A_46, %swap3A_47], %swap3A_50 {strides = array<i32>} : memref<80x128xi32, #tpu.memory_space<vmem>>, vector<1x16xi32>,
      %get3A_51 = arith.index_cast %scan3A_21 : i32 to index
      %get3A_52 = arith.constant 32 : index
      %get3A_53 = tpu.vector_load %arg7[%get3A_51, %get3A_52] {strides = array<i32>} : memref<80x128xi32, #tpu.memory_space<vmem>>, vector<1x16xi32>,
      %get3A_54 = vector.shape_cast %get3A_53 : vector<1x16xi32> to vector<16xi32>
      %get3A_55 = arith.index_cast %scan3A_21 : i32 to index
      %get3A_56 = arith.constant 32 : index
      %get3A_57 = tpu.vector_load %arg8[%get3A_55, %get3A_56] {strides = array<i32>} : memref<80x128xi32, #tpu.memory_space<vmem>>, vector<1x16xi32>,
      %get3A_58 = vector.shape_cast %get3A_57 : vector<1x16xi32> to vector<16xi32>
      %eq3A_59 = arith.cmpi eq, %get3A_54, %get3A_58 : vector<16xi32>
      %broadcast_in_dim3A_60 = arith.constant 10000 : i32
      %broadcast_in_dim3A_61 = vector.broadcast %broadcast_in_dim3A_60 : i32 to vector<16xi32>
      %select_n3A_62 = arith.select %eq3A_59, %broadcast_in_dim3A_61, %get3A_58 : vector<16xi1>, vector<16xi32>
      %swap3A_63 = arith.index_cast %scan3A_21 : i32 to index
      %swap3A_64 = arith.constant 32 : index
      %swap3A_65 = tpu.vector_load %arg8[%swap3A_63, %swap3A_64] {strides = array<i32>} : memref<80x128xi32, #tpu.memory_space<vmem>>, vector<1x16xi32>,
      %swap3A_66 = vector.shape_cast %swap3A_65 : vector<1x16xi32> to vector<16xi32>
      %swap3A_67 = vector.shape_cast %select_n3A_62 : vector<16xi32> to vector<1x16xi32>
      tpu.vector_store %arg8[%swap3A_63, %swap3A_64], %swap3A_67 {strides = array<i32>} : memref<80x128xi32, #tpu.memory_space<vmem>>, vector<1x16xi32>,
      %get3A_68 = arith.index_cast %scan3A_21 : i32 to index
      %get3A_69 = arith.constant 48 : index
      %get3A_70 = tpu.vector_load %arg7[%get3A_68, %get3A_69] {strides = array<i32>} : memref<80x128xi32, #tpu.memory_space<vmem>>, vector<1x16xi32>,
      %get3A_71 = vector.shape_cast %get3A_70 : vector<1x16xi32> to vector<16xi32>
      %get3A_72 = arith.index_cast %scan3A_21 : i32 to index
      %get3A_73 = arith.constant 48 : index
      %get3A_74 = tpu.vector_load %arg8[%get3A_72, %get3A_73] {strides = array<i32>} : memref<80x128xi32, #tpu.memory_space<vmem>>, vector<1x16xi32>,
      %get3A_75 = vector.shape_cast %get3A_74 : vector<1x16xi32> to vector<16xi32>
      %eq3A_76 = arith.cmpi eq, %get3A_71, %get3A_75 : vector<16xi32>
      %broadcast_in_dim3A_77 = arith.constant 10000 : i32
      %broadcast_in_dim3A_78 = vector.broadcast %broadcast_in_dim3A_77 : i32 to vector<16xi32>
      %select_n3A_79 = arith.select %eq3A_76, %broadcast_in_dim3A_78, %get3A_75 : vector<16xi1>, vector<16xi32>
      %swap3A_80 = arith.index_cast %scan3A_21 : i32 to index
      %swap3A_81 = arith.constant 48 : index
      %swap3A_82 = tpu.vector_load %arg8[%swap3A_80, %swap3A_81] {strides = array<i32>} : memref<80x128xi32, #tpu.memory_space<vmem>>, vector<1x16xi32>,
      %swap3A_83 = vector.shape_cast %swap3A_82 : vector<1x16xi32> to vector<16xi32>
      %swap3A_84 = vector.shape_cast %select_n3A_79 : vector<16xi32> to vector<1x16xi32>
      tpu.vector_store %arg8[%swap3A_80, %swap3A_81], %swap3A_84 {strides = array<i32>} : memref<80x128xi32, #tpu.memory_space<vmem>>, vector<1x16xi32>,
      %get3A_85 = arith.index_cast %scan3A_21 : i32 to index
      %get3A_86 = arith.constant 64 : index
      %get3A_87 = tpu.vector_load %arg7[%get3A_85, %get3A_86] {strides = array<i32>} : memref<80x128xi32, #tpu.memory_space<vmem>>, vector<1x16xi32>,
      %get3A_88 = vector.shape_cast %get3A_87 : vector<1x16xi32> to vector<16xi32>
      %get3A_89 = arith.index_cast %scan3A_21 : i32 to index
      %get3A_90 = arith.constant 64 : index
      %get3A_91 = tpu.vector_load %arg8[%get3A_89, %get3A_90] {strides = array<i32>} : memref<80x128xi32, #tpu.memory_space<vmem>>, vector<1x16xi32>,
      %get3A_92 = vector.shape_cast %get3A_91 : vector<1x16xi32> to vector<16xi32>
      %eq3A_93 = arith.cmpi eq, %get3A_88, %get3A_92 : vector<16xi32>
      %broadcast_in_dim3A_94 = arith.constant 10000 : i32
      %broadcast_in_dim3A_95 = vector.broadcast %broadcast_in_dim3A_94 : i32 to vector<16xi32>
      %select_n3A_96 = arith.select %eq3A_93, %broadcast_in_dim3A_95, %get3A_92 : vector<16xi1>, vector<16xi32>
      %swap3A_97 = arith.index_cast %scan3A_21 : i32 to index
      %swap3A_98 = arith.constant 64 : index
      %swap3A_99 = tpu.vector_load %arg8[%swap3A_97, %swap3A_98] {strides = array<i32>} : memref<80x128xi32, #tpu.memory_space<vmem>>, vector<1x16xi32>,
      %swap3A_100 = vector.shape_cast %swap3A_99 : vector<1x16xi32> to vector<16xi32>
      %swap3A_101 = vector.shape_cast %select_n3A_96 : vector<16xi32> to vector<1x16xi32>
      tpu.vector_store %arg8[%swap3A_97, %swap3A_98], %swap3A_101 {strides = array<i32>} : memref<80x128xi32, #tpu.memory_space<vmem>>, vector<1x16xi32>,
      %get3A_102 = arith.index_cast %scan3A_21 : i32 to index
      %get3A_103 = arith.constant 80 : index
      %get3A_104 = tpu.vector_load %arg7[%get3A_102, %get3A_103] {strides = array<i32>} : memref<80x128xi32, #tpu.memory_space<vmem>>, vector<1x16xi32>,
      %get3A_105 = vector.shape_cast %get3A_104 : vector<1x16xi32> to vector<16xi32>
      %get3A_106 = arith.index_cast %scan3A_21 : i32 to index
      %get3A_107 = arith.constant 80 : index
      %get3A_108 = tpu.vector_load %arg8[%get3A_106, %get3A_107] {strides = array<i32>} : memref<80x128xi32, #tpu.memory_space<vmem>>, vector<1x16xi32>,
      %get3A_109 = vector.shape_cast %get3A_108 : vector<1x16xi32> to vector<16xi32>
      %eq3A_110 = arith.cmpi eq, %get3A_105, %get3A_109 : vector<16xi32>
      %broadcast_in_dim3A_111 = arith.constant 10000 : i32
      %broadcast_in_dim3A_112 = vector.broadcast %broadcast_in_dim3A_111 : i32 to vector<16xi32>
      %select_n3A_113 = arith.select %eq3A_110, %broadcast_in_dim3A_112, %get3A_109 : vector<16xi1>, vector<16xi32>
      %swap3A_114 = arith.index_cast %scan3A_21 : i32 to index
      %swap3A_115 = arith.constant 80 : index
      %swap3A_116 = tpu.vector_load %arg8[%swap3A_114, %swap3A_115] {strides = array<i32>} : memref<80x128xi32, #tpu.memory_space<vmem>>, vector<1x16xi32>,
      %swap3A_117 = vector.shape_cast %swap3A_116 : vector<1x16xi32> to vector<16xi32>
      %swap3A_118 = vector.shape_cast %select_n3A_113 : vector<16xi32> to vector<1x16xi32>
      tpu.vector_store %arg8[%swap3A_114, %swap3A_115], %swap3A_118 {strides = array<i32>} : memref<80x128xi32, #tpu.memory_space<vmem>>, vector<1x16xi32>,
      %get3A_119 = arith.index_cast %scan3A_21 : i32 to index
      %get3A_120 = arith.constant 96 : index
      %get3A_121 = tpu.vector_load %arg7[%get3A_119, %get3A_120] {strides = array<i32>} : memref<80x128xi32, #tpu.memory_space<vmem>>, vector<1x16xi32>,
      %get3A_122 = vector.shape_cast %get3A_121 : vector<1x16xi32> to vector<16xi32>
      %get3A_123 = arith.index_cast %scan3A_21 : i32 to index
      %get3A_124 = arith.constant 96 : index
      %get3A_125 = tpu.vector_load %arg8[%get3A_123, %get3A_124] {strides = array<i32>} : memref<80x128xi32, #tpu.memory_space<vmem>>, vector<1x16xi32>,
      %get3A_126 = vector.shape_cast %get3A_125 : vector<1x16xi32> to vector<16xi32>
      %eq3A_127 = arith.cmpi eq, %get3A_122, %get3A_126 : vector<16xi32>
      %broadcast_in_dim3A_128 = arith.constant 10000 : i32
      %broadcast_in_dim3A_129 = vector.broadcast %broadcast_in_dim3A_128 : i32 to vector<16xi32>
      %select_n3A_130 = arith.select %eq3A_127, %broadcast_in_dim3A_129, %get3A_126 : vector<16xi1>, vector<16xi32>
      %swap3A_131 = arith.index_cast %scan3A_21 : i32 to index
      %swap3A_132 = arith.constant 96 : index
      %swap3A_133 = tpu.vector_load %arg8[%swap3A_131, %swap3A_132] {strides = array<i32>} : memref<80x128xi32, #tpu.memory_space<vmem>>, vector<1x16xi32>,
      %swap3A_134 = vector.shape_cast %swap3A_133 : vector<1x16xi32> to vector<16xi32>
      %swap3A_135 = vector.shape_cast %select_n3A_130 : vector<16xi32> to vector<1x16xi32>
      tpu.vector_store %arg8[%swap3A_131, %swap3A_132], %swap3A_135 {strides = array<i32>} : memref<80x128xi32, #tpu.memory_space<vmem>>, vector<1x16xi32>,
      %get3A_136 = arith.index_cast %scan3A_21 : i32 to index
      %get3A_137 = arith.constant 112 : index
      %get3A_138 = tpu.vector_load %arg7[%get3A_136, %get3A_137] {strides = array<i32>} : memref<80x128xi32, #tpu.memory_space<vmem>>, vector<1x16xi32>,
      %get3A_139 = vector.shape_cast %get3A_138 : vector<1x16xi32> to vector<16xi32>
      %get3A_140 = arith.index_cast %scan3A_21 : i32 to index
      %get3A_141 = arith.constant 112 : index
      %get3A_142 = tpu.vector_load %arg8[%get3A_140, %get3A_141] {strides = array<i32>} : memref<80x128xi32, #tpu.memory_space<vmem>>, vector<1x16xi32>,
      %get3A_143 = vector.shape_cast %get3A_142 : vector<1x16xi32> to vector<16xi32>
      %eq3A_144 = arith.cmpi eq, %get3A_139, %get3A_143 : vector<16xi32>
      %broadcast_in_dim3A_145 = arith.constant 10000 : i32
      %broadcast_in_dim3A_146 = vector.broadcast %broadcast_in_dim3A_145 : i32 to vector<16xi32>
      %select_n3A_147 = arith.select %eq3A_144, %broadcast_in_dim3A_146, %get3A_143 : vector<16xi1>, vector<16xi32>
      %swap3A_148 = arith.index_cast %scan3A_21 : i32 to index
      %swap3A_149 = arith.constant 112 : index
      %swap3A_150 = tpu.vector_load %arg8[%swap3A_148, %swap3A_149] {strides = array<i32>} : memref<80x128xi32, #tpu.memory_space<vmem>>, vector<1x16xi32>,
      %swap3A_151 = vector.shape_cast %swap3A_150 : vector<1x16xi32> to vector<16xi32>
      %swap3A_152 = vector.shape_cast %select_n3A_147 : vector<16xi32> to vector<1x16xi32>
      tpu.vector_store %arg8[%swap3A_148, %swap3A_149], %swap3A_152 {strides = array<i32>} : memref<80x128xi32, #tpu.memory_space<vmem>>, vector<1x16xi32>,
    }
    %scan3A_9 = arith.constant 80 : i32
    %barrier3A = arith.constant 0 : index
    tpu.barrier barrier_id(%barrier3A)
    %scan3A_10 = arith.constant 0 : i32
    %scan3A_11 = arith.constant 0 : i32
    %scan3A_12 = arith.constant 10 : i32
    %scan3A_13 = arith.addi %scan3A_11, %scan3A_12 : i32
    %scan3A_14 = arith.constant 1 : i32
    scf.for %scan3A_21 = %scan3A_11 to %scan3A_13 step %scan3A_14  : i32 {
      %mul3A_22 = arith.constant 8 : i32
      %mul3A_23 = arith.muli %scan3A_21, %mul3A_22 : i32
      %add3A_24 = arith.constant 0 : i32
      %add3A_25 = arith.addi %mul3A_23, %add3A_24 : i32
      %dma_start3A = arith.constant 0 : i32
      %dma_start3A_26 = tpu.memref_slice %arg7[%add3A_25, %dma_start3A] : memref<80x128xi32, #tpu.memory_space<vmem>> -> memref<1x128xi32, #tpu.memory_space<vmem>>
      %dma_start3A_27 = tpu.memref_squeeze %dma_start3A_26 : memref<1x128xi32, #tpu.memory_space<vmem>> -> memref<128xi32, #tpu.memory_space<vmem>>
      %dma_start3A_28 = arith.constant 0 : i32
      %dma_start3A_29 = arith.constant 0 : i32
      %dma_start3A_30 = tpu.memref_slice %arg4[%dma_start3A_28, %dma_start3A_29] : memref<10240x64xf32, #tpu.memory_space<hbm>> -> memref<10240x64xf32, #tpu.memory_space<hbm>>
      tpu.enqueue_indirect_dma source(%dma_start3A_30 : memref<10240x64xf32, #tpu.memory_space<hbm>>) target(%arg9 : memref<128x64xf32, #tpu.memory_space<vmem>>) offsets(%dma_start3A_27 : memref<128xi32, #tpu.memory_space<vmem>>) semaphore(%arg18 : memref<!tpu.dma_semaphore, #tpu.memory_space<semaphore_mem>>)
      %add3A_31 = arith.constant 1 : i32
      %add3A_32 = arith.addi %mul3A_23, %add3A_31 : i32
      %dma_start3A_33 = arith.constant 0 : i32
      %dma_start3A_34 = tpu.memref_slice %arg7[%add3A_32, %dma_start3A_33] : memref<80x128xi32, #tpu.memory_space<vmem>> -> memref<1x128xi32, #tpu.memory_space<vmem>>
      %dma_start3A_35 = tpu.memref_squeeze %dma_start3A_34 : memref<1x128xi32, #tpu.memory_space<vmem>> -> memref<128xi32, #tpu.memory_space<vmem>>
      %dma_start3A_36 = arith.constant 0 : i32
      %dma_start3A_37 = arith.constant 0 : i32
      %dma_start3A_38 = tpu.memref_slice %arg4[%dma_start3A_36, %dma_start3A_37] : memref<10240x64xf32, #tpu.memory_space<hbm>> -> memref<10240x64xf32, #tpu.memory_space<hbm>>
      tpu.enqueue_indirect_dma source(%dma_start3A_38 : memref<10240x64xf32, #tpu.memory_space<hbm>>) target(%arg10 : memref<128x64xf32, #tpu.memory_space<vmem>>) offsets(%dma_start3A_35 : memref<128xi32, #tpu.memory_space<vmem>>) semaphore(%arg19 : memref<!tpu.dma_semaphore, #tpu.memory_space<semaphore_mem>>)
      %add3A_39 = arith.constant 2 : i32
      %add3A_40 = arith.addi %mul3A_23, %add3A_39 : i32
      %dma_start3A_41 = arith.constant 0 : i32
      %dma_start3A_42 = tpu.memref_slice %arg7[%add3A_40, %dma_start3A_41] : memref<80x128xi32, #tpu.memory_space<vmem>> -> memref<1x128xi32, #tpu.memory_space<vmem>>
      %dma_start3A_43 = tpu.memref_squeeze %dma_start3A_42 : memref<1x128xi32, #tpu.memory_space<vmem>> -> memref<128xi32, #tpu.memory_space<vmem>>
      %dma_start3A_44 = arith.constant 0 : i32
      %dma_start3A_45 = arith.constant 0 : i32
      %dma_start3A_46 = tpu.memref_slice %arg4[%dma_start3A_44, %dma_start3A_45] : memref<10240x64xf32, #tpu.memory_space<hbm>> -> memref<10240x64xf32, #tpu.memory_space<hbm>>
      tpu.enqueue_indirect_dma source(%dma_start3A_46 : memref<10240x64xf32, #tpu.memory_space<hbm>>) target(%arg11 : memref<128x64xf32, #tpu.memory_space<vmem>>) offsets(%dma_start3A_43 : memref<128xi32, #tpu.memory_space<vmem>>) semaphore(%arg20 : memref<!tpu.dma_semaphore, #tpu.memory_space<semaphore_mem>>)
      %add3A_47 = arith.constant 3 : i32
      %add3A_48 = arith.addi %mul3A_23, %add3A_47 : i32
      %dma_start3A_49 = arith.constant 0 : i32
      %dma_start3A_50 = tpu.memref_slice %arg7[%add3A_48, %dma_start3A_49] : memref<80x128xi32, #tpu.memory_space<vmem>> -> memref<1x128xi32, #tpu.memory_space<vmem>>
      %dma_start3A_51 = tpu.memref_squeeze %dma_start3A_50 : memref<1x128xi32, #tpu.memory_space<vmem>> -> memref<128xi32, #tpu.memory_space<vmem>>
      %dma_start3A_52 = arith.constant 0 : i32
      %dma_start3A_53 = arith.constant 0 : i32
      %dma_start3A_54 = tpu.memref_slice %arg4[%dma_start3A_52, %dma_start3A_53] : memref<10240x64xf32, #tpu.memory_space<hbm>> -> memref<10240x64xf32, #tpu.memory_space<hbm>>
      tpu.enqueue_indirect_dma source(%dma_start3A_54 : memref<10240x64xf32, #tpu.memory_space<hbm>>) target(%arg12 : memref<128x64xf32, #tpu.memory_space<vmem>>) offsets(%dma_start3A_51 : memref<128xi32, #tpu.memory_space<vmem>>) semaphore(%arg21 : memref<!tpu.dma_semaphore, #tpu.memory_space<semaphore_mem>>)
      %add3A_55 = arith.constant 4 : i32
      %add3A_56 = arith.addi %mul3A_23, %add3A_55 : i32
      %dma_start3A_57 = arith.constant 0 : i32
      %dma_start3A_58 = tpu.memref_slice %arg7[%add3A_56, %dma_start3A_57] : memref<80x128xi32, #tpu.memory_space<vmem>> -> memref<1x128xi32, #tpu.memory_space<vmem>>
      %dma_start3A_59 = tpu.memref_squeeze %dma_start3A_58 : memref<1x128xi32, #tpu.memory_space<vmem>> -> memref<128xi32, #tpu.memory_space<vmem>>
      %dma_start3A_60 = arith.constant 0 : i32
      %dma_start3A_61 = arith.constant 0 : i32
      %dma_start3A_62 = tpu.memref_slice %arg4[%dma_start3A_60, %dma_start3A_61] : memref<10240x64xf32, #tpu.memory_space<hbm>> -> memref<10240x64xf32, #tpu.memory_space<hbm>>
      tpu.enqueue_indirect_dma source(%dma_start3A_62 : memref<10240x64xf32, #tpu.memory_space<hbm>>) target(%arg13 : memref<128x64xf32, #tpu.memory_space<vmem>>) offsets(%dma_start3A_59 : memref<128xi32, #tpu.memory_space<vmem>>) semaphore(%arg22 : memref<!tpu.dma_semaphore, #tpu.memory_space<semaphore_mem>>)
      %add3A_63 = arith.constant 5 : i32
      %add3A_64 = arith.addi %mul3A_23, %add3A_63 : i32
      %dma_start3A_65 = arith.constant 0 : i32
      %dma_start3A_66 = tpu.memref_slice %arg7[%add3A_64, %dma_start3A_65] : memref<80x128xi32, #tpu.memory_space<vmem>> -> memref<1x128xi32, #tpu.memory_space<vmem>>
      %dma_start3A_67 = tpu.memref_squeeze %dma_start3A_66 : memref<1x128xi32, #tpu.memory_space<vmem>> -> memref<128xi32, #tpu.memory_space<vmem>>
      %dma_start3A_68 = arith.constant 0 : i32
      %dma_start3A_69 = arith.constant 0 : i32
      %dma_start3A_70 = tpu.memref_slice %arg4[%dma_start3A_68, %dma_start3A_69] : memref<10240x64xf32, #tpu.memory_space<hbm>> -> memref<10240x64xf32, #tpu.memory_space<hbm>>
      tpu.enqueue_indirect_dma source(%dma_start3A_70 : memref<10240x64xf32, #tpu.memory_space<hbm>>) target(%arg14 : memref<128x64xf32, #tpu.memory_space<vmem>>) offsets(%dma_start3A_67 : memref<128xi32, #tpu.memory_space<vmem>>) semaphore(%arg23 : memref<!tpu.dma_semaphore, #tpu.memory_space<semaphore_mem>>)
      %add3A_71 = arith.constant 6 : i32
      %add3A_72 = arith.addi %mul3A_23, %add3A_71 : i32
      %dma_start3A_73 = arith.constant 0 : i32
      %dma_start3A_74 = tpu.memref_slice %arg7[%add3A_72, %dma_start3A_73] : memref<80x128xi32, #tpu.memory_space<vmem>> -> memref<1x128xi32, #tpu.memory_space<vmem>>
      %dma_start3A_75 = tpu.memref_squeeze %dma_start3A_74 : memref<1x128xi32, #tpu.memory_space<vmem>> -> memref<128xi32, #tpu.memory_space<vmem>>
      %dma_start3A_76 = arith.constant 0 : i32
      %dma_start3A_77 = arith.constant 0 : i32
      %dma_start3A_78 = tpu.memref_slice %arg4[%dma_start3A_76, %dma_start3A_77] : memref<10240x64xf32, #tpu.memory_space<hbm>> -> memref<10240x64xf32, #tpu.memory_space<hbm>>
      tpu.enqueue_indirect_dma source(%dma_start3A_78 : memref<10240x64xf32, #tpu.memory_space<hbm>>) target(%arg15 : memref<128x64xf32, #tpu.memory_space<vmem>>) offsets(%dma_start3A_75 : memref<128xi32, #tpu.memory_space<vmem>>) semaphore(%arg24 : memref<!tpu.dma_semaphore, #tpu.memory_space<semaphore_mem>>)
      %add3A_79 = arith.constant 7 : i32
      %add3A_80 = arith.addi %mul3A_23, %add3A_79 : i32
      %dma_start3A_81 = arith.constant 0 : i32
      %dma_start3A_82 = tpu.memref_slice %arg7[%add3A_80, %dma_start3A_81] : memref<80x128xi32, #tpu.memory_space<vmem>> -> memref<1x128xi32, #tpu.memory_space<vmem>>
      %dma_start3A_83 = tpu.memref_squeeze %dma_start3A_82 : memref<1x128xi32, #tpu.memory_space<vmem>> -> memref<128xi32, #tpu.memory_space<vmem>>
      %dma_start3A_84 = arith.constant 0 : i32
      %dma_start3A_85 = arith.constant 0 : i32
      %dma_start3A_86 = tpu.memref_slice %arg4[%dma_start3A_84, %dma_start3A_85] : memref<10240x64xf32, #tpu.memory_space<hbm>> -> memref<10240x64xf32, #tpu.memory_space<hbm>>
      tpu.enqueue_indirect_dma source(%dma_start3A_86 : memref<10240x64xf32, #tpu.memory_space<hbm>>) target(%arg16 : memref<128x64xf32, #tpu.memory_space<vmem>>) offsets(%dma_start3A_83 : memref<128xi32, #tpu.memory_space<vmem>>) semaphore(%arg25 : memref<!tpu.dma_semaphore, #tpu.memory_space<semaphore_mem>>)
      %dma_wait3A = arith.constant 0 : i32
      %dma_wait3A_87 = tpu.memref_slice %arg7[%add3A_25, %dma_wait3A] : memref<80x128xi32, #tpu.memory_space<vmem>> -> memref<1x128xi32, #tpu.memory_space<vmem>>
      %dma_wait3A_88 = tpu.memref_squeeze %dma_wait3A_87 : memref<1x128xi32, #tpu.memory_space<vmem>> -> memref<128xi32, #tpu.memory_space<vmem>>
      %dma_wait3A_89 = arith.constant 0 : i32
      %dma_wait3A_90 = arith.constant 0 : i32
      %dma_wait3A_91 = tpu.memref_slice %arg4[%dma_wait3A_89, %dma_wait3A_90] : memref<10240x64xf32, #tpu.memory_space<hbm>> -> memref<10240x64xf32, #tpu.memory_space<hbm>>
      tpu.wait_indirect_dma semaphore(%arg18 : memref<!tpu.dma_semaphore, #tpu.memory_space<semaphore_mem>>) src(%dma_wait3A_91 : memref<10240x64xf32, #tpu.memory_space<hbm>>) dst(%arg9 : memref<128x64xf32, #tpu.memory_space<vmem>>)
      %add3A_92 = arith.constant 0 : i32
      %add3A_93 = arith.addi %mul3A_23, %add3A_92 : i32
      %dma_start3A_94 = arith.constant 0 : i32
      %dma_start3A_95 = tpu.memref_slice %arg8[%add3A_93, %dma_start3A_94] : memref<80x128xi32, #tpu.memory_space<vmem>> -> memref<1x128xi32, #tpu.memory_space<vmem>>
      %dma_start3A_96 = tpu.memref_squeeze %dma_start3A_95 : memref<1x128xi32, #tpu.memory_space<vmem>> -> memref<128xi32, #tpu.memory_space<vmem>>
      %dma_start3A_97 = arith.constant 0 : i32
      %dma_start3A_98 = arith.constant 0 : i32
      %dma_start3A_99 = tpu.memref_slice %arg17[%dma_start3A_97, %dma_start3A_98] : memref<10240x64xf32, #tpu.memory_space<vmem_shared>> -> memref<10240x64xf32, #tpu.memory_space<vmem_shared>>
      tpu.enqueue_indirect_dma source(%arg9 : memref<128x64xf32, #tpu.memory_space<vmem>>) target(%dma_start3A_99 : memref<10240x64xf32, #tpu.memory_space<vmem_shared>>) offsets(%dma_start3A_96 : memref<128xi32, #tpu.memory_space<vmem>>) semaphore(%arg26 : memref<!tpu.dma_semaphore, #tpu.memory_space<semaphore_mem>>) {add = true}
      %dma_wait3A_100 = arith.constant 0 : i32
      %dma_wait3A_101 = tpu.memref_slice %arg7[%add3A_32, %dma_wait3A_100] : memref<80x128xi32, #tpu.memory_space<vmem>> -> memref<1x128xi32, #tpu.memory_space<vmem>>
      %dma_wait3A_102 = tpu.memref_squeeze %dma_wait3A_101 : memref<1x128xi32, #tpu.memory_space<vmem>> -> memref<128xi32, #tpu.memory_space<vmem>>
      %dma_wait3A_103 = arith.constant 0 : i32
      %dma_wait3A_104 = arith.constant 0 : i32
      %dma_wait3A_105 = tpu.memref_slice %arg4[%dma_wait3A_103, %dma_wait3A_104] : memref<10240x64xf32, #tpu.memory_space<hbm>> -> memref<10240x64xf32, #tpu.memory_space<hbm>>
      tpu.wait_indirect_dma semaphore(%arg19 : memref<!tpu.dma_semaphore, #tpu.memory_space<semaphore_mem>>) src(%dma_wait3A_105 : memref<10240x64xf32, #tpu.memory_space<hbm>>) dst(%arg10 : memref<128x64xf32, #tpu.memory_space<vmem>>)
      %add3A_106 = arith.constant 1 : i32
      %add3A_107 = arith.addi %mul3A_23, %add3A_106 : i32
      %dma_start3A_108 = arith.constant 0 : i32
      %dma_start3A_109 = tpu.memref_slice %arg8[%add3A_107, %dma_start3A_108] : memref<80x128xi32, #tpu.memory_space<vmem>> -> memref<1x128xi32, #tpu.memory_space<vmem>>
      %dma_start3A_110 = tpu.memref_squeeze %dma_start3A_109 : memref<1x128xi32, #tpu.memory_space<vmem>> -> memref<128xi32, #tpu.memory_space<vmem>>
      %dma_start3A_111 = arith.constant 0 : i32
      %dma_start3A_112 = arith.constant 0 : i32
      %dma_start3A_113 = tpu.memref_slice %arg17[%dma_start3A_111, %dma_start3A_112] : memref<10240x64xf32, #tpu.memory_space<vmem_shared>> -> memref<10240x64xf32, #tpu.memory_space<vmem_shared>>
      tpu.enqueue_indirect_dma source(%arg10 : memref<128x64xf32, #tpu.memory_space<vmem>>) target(%dma_start3A_113 : memref<10240x64xf32, #tpu.memory_space<vmem_shared>>) offsets(%dma_start3A_110 : memref<128xi32, #tpu.memory_space<vmem>>) semaphore(%arg27 : memref<!tpu.dma_semaphore, #tpu.memory_space<semaphore_mem>>) {add = true}
      %dma_wait3A_114 = arith.constant 0 : i32
      %dma_wait3A_115 = tpu.memref_slice %arg7[%add3A_40, %dma_wait3A_114] : memref<80x128xi32, #tpu.memory_space<vmem>> -> memref<1x128xi32, #tpu.memory_space<vmem>>
      %dma_wait3A_116 = tpu.memref_squeeze %dma_wait3A_115 : memref<1x128xi32, #tpu.memory_space<vmem>> -> memref<128xi32, #tpu.memory_space<vmem>>
      %dma_wait3A_117 = arith.constant 0 : i32
      %dma_wait3A_118 = arith.constant 0 : i32
      %dma_wait3A_119 = tpu.memref_slice %arg4[%dma_wait3A_117, %dma_wait3A_118] : memref<10240x64xf32, #tpu.memory_space<hbm>> -> memref<10240x64xf32, #tpu.memory_space<hbm>>
      tpu.wait_indirect_dma semaphore(%arg20 : memref<!tpu.dma_semaphore, #tpu.memory_space<semaphore_mem>>) src(%dma_wait3A_119 : memref<10240x64xf32, #tpu.memory_space<hbm>>) dst(%arg11 : memref<128x64xf32, #tpu.memory_space<vmem>>)
      %add3A_120 = arith.constant 2 : i32
      %add3A_121 = arith.addi %mul3A_23, %add3A_120 : i32
      %dma_start3A_122 = arith.constant 0 : i32
      %dma_start3A_123 = tpu.memref_slice %arg8[%add3A_121, %dma_start3A_122] : memref<80x128xi32, #tpu.memory_space<vmem>> -> memref<1x128xi32, #tpu.memory_space<vmem>>
      %dma_start3A_124 = tpu.memref_squeeze %dma_start3A_123 : memref<1x128xi32, #tpu.memory_space<vmem>> -> memref<128xi32, #tpu.memory_space<vmem>>
      %dma_start3A_125 = arith.constant 0 : i32
      %dma_start3A_126 = arith.constant 0 : i32
      %dma_start3A_127 = tpu.memref_slice %arg17[%dma_start3A_125, %dma_start3A_126] : memref<10240x64xf32, #tpu.memory_space<vmem_shared>> -> memref<10240x64xf32, #tpu.memory_space<vmem_shared>>
      tpu.enqueue_indirect_dma source(%arg11 : memref<128x64xf32, #tpu.memory_space<vmem>>) target(%dma_start3A_127 : memref<10240x64xf32, #tpu.memory_space<vmem_shared>>) offsets(%dma_start3A_124 : memref<128xi32, #tpu.memory_space<vmem>>) semaphore(%arg28 : memref<!tpu.dma_semaphore, #tpu.memory_space<semaphore_mem>>) {add = true}
      %dma_wait3A_128 = arith.constant 0 : i32
      %dma_wait3A_129 = tpu.memref_slice %arg7[%add3A_48, %dma_wait3A_128] : memref<80x128xi32, #tpu.memory_space<vmem>> -> memref<1x128xi32, #tpu.memory_space<vmem>>
      %dma_wait3A_130 = tpu.memref_squeeze %dma_wait3A_129 : memref<1x128xi32, #tpu.memory_space<vmem>> -> memref<128xi32, #tpu.memory_space<vmem>>
      %dma_wait3A_131 = arith.constant 0 : i32
      %dma_wait3A_132 = arith.constant 0 : i32
      %dma_wait3A_133 = tpu.memref_slice %arg4[%dma_wait3A_131, %dma_wait3A_132] : memref<10240x64xf32, #tpu.memory_space<hbm>> -> memref<10240x64xf32, #tpu.memory_space<hbm>>
      tpu.wait_indirect_dma semaphore(%arg21 : memref<!tpu.dma_semaphore, #tpu.memory_space<semaphore_mem>>) src(%dma_wait3A_133 : memref<10240x64xf32, #tpu.memory_space<hbm>>) dst(%arg12 : memref<128x64xf32, #tpu.memory_space<vmem>>)
      %add3A_134 = arith.constant 3 : i32
      %add3A_135 = arith.addi %mul3A_23, %add3A_134 : i32
      %dma_start3A_136 = arith.constant 0 : i32
      %dma_start3A_137 = tpu.memref_slice %arg8[%add3A_135, %dma_start3A_136] : memref<80x128xi32, #tpu.memory_space<vmem>> -> memref<1x128xi32, #tpu.memory_space<vmem>>
      %dma_start3A_138 = tpu.memref_squeeze %dma_start3A_137 : memref<1x128xi32, #tpu.memory_space<vmem>> -> memref<128xi32, #tpu.memory_space<vmem>>
      %dma_start3A_139 = arith.constant 0 : i32
      %dma_start3A_140 = arith.constant 0 : i32
      %dma_start3A_141 = tpu.memref_slice %arg17[%dma_start3A_139, %dma_start3A_140] : memref<10240x64xf32, #tpu.memory_space<vmem_shared>> -> memref<10240x64xf32, #tpu.memory_space<vmem_shared>>
      tpu.enqueue_indirect_dma source(%arg12 : memref<128x64xf32, #tpu.memory_space<vmem>>) target(%dma_start3A_141 : memref<10240x64xf32, #tpu.memory_space<vmem_shared>>) offsets(%dma_start3A_138 : memref<128xi32, #tpu.memory_space<vmem>>) semaphore(%arg29 : memref<!tpu.dma_semaphore, #tpu.memory_space<semaphore_mem>>) {add = true}
      %dma_wait3A_142 = arith.constant 0 : i32
      %dma_wait3A_143 = tpu.memref_slice %arg7[%add3A_56, %dma_wait3A_142] : memref<80x128xi32, #tpu.memory_space<vmem>> -> memref<1x128xi32, #tpu.memory_space<vmem>>
      %dma_wait3A_144 = tpu.memref_squeeze %dma_wait3A_143 : memref<1x128xi32, #tpu.memory_space<vmem>> -> memref<128xi32, #tpu.memory_space<vmem>>
      %dma_wait3A_145 = arith.constant 0 : i32
      %dma_wait3A_146 = arith.constant 0 : i32
      %dma_wait3A_147 = tpu.memref_slice %arg4[%dma_wait3A_145, %dma_wait3A_146] : memref<10240x64xf32, #tpu.memory_space<hbm>> -> memref<10240x64xf32, #tpu.memory_space<hbm>>
      tpu.wait_indirect_dma semaphore(%arg22 : memref<!tpu.dma_semaphore, #tpu.memory_space<semaphore_mem>>) src(%dma_wait3A_147 : memref<10240x64xf32, #tpu.memory_space<hbm>>) dst(%arg13 : memref<128x64xf32, #tpu.memory_space<vmem>>)
      %add3A_148 = arith.constant 4 : i32
      %add3A_149 = arith.addi %mul3A_23, %add3A_148 : i32
      %dma_start3A_150 = arith.constant 0 : i32
      %dma_start3A_151 = tpu.memref_slice %arg8[%add3A_149, %dma_start3A_150] : memref<80x128xi32, #tpu.memory_space<vmem>> -> memref<1x128xi32, #tpu.memory_space<vmem>>
      %dma_start3A_152 = tpu.memref_squeeze %dma_start3A_151 : memref<1x128xi32, #tpu.memory_space<vmem>> -> memref<128xi32, #tpu.memory_space<vmem>>
      %dma_start3A_153 = arith.constant 0 : i32
      %dma_start3A_154 = arith.constant 0 : i32
      %dma_start3A_155 = tpu.memref_slice %arg17[%dma_start3A_153, %dma_start3A_154] : memref<10240x64xf32, #tpu.memory_space<vmem_shared>> -> memref<10240x64xf32, #tpu.memory_space<vmem_shared>>
      tpu.enqueue_indirect_dma source(%arg13 : memref<128x64xf32, #tpu.memory_space<vmem>>) target(%dma_start3A_155 : memref<10240x64xf32, #tpu.memory_space<vmem_shared>>) offsets(%dma_start3A_152 : memref<128xi32, #tpu.memory_space<vmem>>) semaphore(%arg30 : memref<!tpu.dma_semaphore, #tpu.memory_space<semaphore_mem>>) {add = true}
      %dma_wait3A_156 = arith.constant 0 : i32
      %dma_wait3A_157 = tpu.memref_slice %arg7[%add3A_64, %dma_wait3A_156] : memref<80x128xi32, #tpu.memory_space<vmem>> -> memref<1x128xi32, #tpu.memory_space<vmem>>
      %dma_wait3A_158 = tpu.memref_squeeze %dma_wait3A_157 : memref<1x128xi32, #tpu.memory_space<vmem>> -> memref<128xi32, #tpu.memory_space<vmem>>
      %dma_wait3A_159 = arith.constant 0 : i32
      %dma_wait3A_160 = arith.constant 0 : i32
      %dma_wait3A_161 = tpu.memref_slice %arg4[%dma_wait3A_159, %dma_wait3A_160] : memref<10240x64xf32, #tpu.memory_space<hbm>> -> memref<10240x64xf32, #tpu.memory_space<hbm>>
      tpu.wait_indirect_dma semaphore(%arg23 : memref<!tpu.dma_semaphore, #tpu.memory_space<semaphore_mem>>) src(%dma_wait3A_161 : memref<10240x64xf32, #tpu.memory_space<hbm>>) dst(%arg14 : memref<128x64xf32, #tpu.memory_space<vmem>>)
      %add3A_162 = arith.constant 5 : i32
      %add3A_163 = arith.addi %mul3A_23, %add3A_162 : i32
      %dma_start3A_164 = arith.constant 0 : i32
      %dma_start3A_165 = tpu.memref_slice %arg8[%add3A_163, %dma_start3A_164] : memref<80x128xi32, #tpu.memory_space<vmem>> -> memref<1x128xi32, #tpu.memory_space<vmem>>
      %dma_start3A_166 = tpu.memref_squeeze %dma_start3A_165 : memref<1x128xi32, #tpu.memory_space<vmem>> -> memref<128xi32, #tpu.memory_space<vmem>>
      %dma_start3A_167 = arith.constant 0 : i32
      %dma_start3A_168 = arith.constant 0 : i32
      %dma_start3A_169 = tpu.memref_slice %arg17[%dma_start3A_167, %dma_start3A_168] : memref<10240x64xf32, #tpu.memory_space<vmem_shared>> -> memref<10240x64xf32, #tpu.memory_space<vmem_shared>>
      tpu.enqueue_indirect_dma source(%arg14 : memref<128x64xf32, #tpu.memory_space<vmem>>) target(%dma_start3A_169 : memref<10240x64xf32, #tpu.memory_space<vmem_shared>>) offsets(%dma_start3A_166 : memref<128xi32, #tpu.memory_space<vmem>>) semaphore(%arg31 : memref<!tpu.dma_semaphore, #tpu.memory_space<semaphore_mem>>) {add = true}
      %dma_wait3A_170 = arith.constant 0 : i32
      %dma_wait3A_171 = tpu.memref_slice %arg7[%add3A_72, %dma_wait3A_170] : memref<80x128xi32, #tpu.memory_space<vmem>> -> memref<1x128xi32, #tpu.memory_space<vmem>>
      %dma_wait3A_172 = tpu.memref_squeeze %dma_wait3A_171 : memref<1x128xi32, #tpu.memory_space<vmem>> -> memref<128xi32, #tpu.memory_space<vmem>>
      %dma_wait3A_173 = arith.constant 0 : i32
      %dma_wait3A_174 = arith.constant 0 : i32
      %dma_wait3A_175 = tpu.memref_slice %arg4[%dma_wait3A_173, %dma_wait3A_174] : memref<10240x64xf32, #tpu.memory_space<hbm>> -> memref<10240x64xf32, #tpu.memory_space<hbm>>
      tpu.wait_indirect_dma semaphore(%arg24 : memref<!tpu.dma_semaphore, #tpu.memory_space<semaphore_mem>>) src(%dma_wait3A_175 : memref<10240x64xf32, #tpu.memory_space<hbm>>) dst(%arg15 : memref<128x64xf32, #tpu.memory_space<vmem>>)
      %add3A_176 = arith.constant 6 : i32
      %add3A_177 = arith.addi %mul3A_23, %add3A_176 : i32
      %dma_start3A_178 = arith.constant 0 : i32
      %dma_start3A_179 = tpu.memref_slice %arg8[%add3A_177, %dma_start3A_178] : memref<80x128xi32, #tpu.memory_space<vmem>> -> memref<1x128xi32, #tpu.memory_space<vmem>>
      %dma_start3A_180 = tpu.memref_squeeze %dma_start3A_179 : memref<1x128xi32, #tpu.memory_space<vmem>> -> memref<128xi32, #tpu.memory_space<vmem>>
      %dma_start3A_181 = arith.constant 0 : i32
      %dma_start3A_182 = arith.constant 0 : i32
      %dma_start3A_183 = tpu.memref_slice %arg17[%dma_start3A_181, %dma_start3A_182] : memref<10240x64xf32, #tpu.memory_space<vmem_shared>> -> memref<10240x64xf32, #tpu.memory_space<vmem_shared>>
      tpu.enqueue_indirect_dma source(%arg15 : memref<128x64xf32, #tpu.memory_space<vmem>>) target(%dma_start3A_183 : memref<10240x64xf32, #tpu.memory_space<vmem_shared>>) offsets(%dma_start3A_180 : memref<128xi32, #tpu.memory_space<vmem>>) semaphore(%arg32 : memref<!tpu.dma_semaphore, #tpu.memory_space<semaphore_mem>>) {add = true}
      %dma_wait3A_184 = arith.constant 0 : i32
      %dma_wait3A_185 = tpu.memref_slice %arg7[%add3A_80, %dma_wait3A_184] : memref<80x128xi32, #tpu.memory_space<vmem>> -> memref<1x128xi32, #tpu.memory_space<vmem>>
      %dma_wait3A_186 = tpu.memref_squeeze %dma_wait3A_185 : memref<1x128xi32, #tpu.memory_space<vmem>> -> memref<128xi32, #tpu.memory_space<vmem>>
      %dma_wait3A_187 = arith.constant 0 : i32
      %dma_wait3A_188 = arith.constant 0 : i32
      %dma_wait3A_189 = tpu.memref_slice %arg4[%dma_wait3A_187, %dma_wait3A_188] : memref<10240x64xf32, #tpu.memory_space<hbm>> -> memref<10240x64xf32, #tpu.memory_space<hbm>>
      tpu.wait_indirect_dma semaphore(%arg25 : memref<!tpu.dma_semaphore, #tpu.memory_space<semaphore_mem>>) src(%dma_wait3A_189 : memref<10240x64xf32, #tpu.memory_space<hbm>>) dst(%arg16 : memref<128x64xf32, #tpu.memory_space<vmem>>)
      %add3A_190 = arith.constant 7 : i32
      %add3A_191 = arith.addi %mul3A_23, %add3A_190 : i32
      %dma_start3A_192 = arith.constant 0 : i32
      %dma_start3A_193 = tpu.memref_slice %arg8[%add3A_191, %dma_start3A_192] : memref<80x128xi32, #tpu.memory_space<vmem>> -> memref<1x128xi32, #tpu.memory_space<vmem>>
      %dma_start3A_194 = tpu.memref_squeeze %dma_start3A_193 : memref<1x128xi32, #tpu.memory_space<vmem>> -> memref<128xi32, #tpu.memory_space<vmem>>
      %dma_start3A_195 = arith.constant 0 : i32
      %dma_start3A_196 = arith.constant 0 : i32
      %dma_start3A_197 = tpu.memref_slice %arg17[%dma_start3A_195, %dma_start3A_196] : memref<10240x64xf32, #tpu.memory_space<vmem_shared>> -> memref<10240x64xf32, #tpu.memory_space<vmem_shared>>
      tpu.enqueue_indirect_dma source(%arg16 : memref<128x64xf32, #tpu.memory_space<vmem>>) target(%dma_start3A_197 : memref<10240x64xf32, #tpu.memory_space<vmem_shared>>) offsets(%dma_start3A_194 : memref<128xi32, #tpu.memory_space<vmem>>) semaphore(%arg33 : memref<!tpu.dma_semaphore, #tpu.memory_space<semaphore_mem>>) {add = true}
      %dma_wait3A_198 = arith.constant 0 : i32
      %dma_wait3A_199 = tpu.memref_slice %arg8[%add3A_93, %dma_wait3A_198] : memref<80x128xi32, #tpu.memory_space<vmem>> -> memref<1x128xi32, #tpu.memory_space<vmem>>
      %dma_wait3A_200 = tpu.memref_squeeze %dma_wait3A_199 : memref<1x128xi32, #tpu.memory_space<vmem>> -> memref<128xi32, #tpu.memory_space<vmem>>
      %dma_wait3A_201 = arith.constant 0 : i32
      %dma_wait3A_202 = arith.constant 0 : i32
      %dma_wait3A_203 = tpu.memref_slice %arg17[%dma_wait3A_201, %dma_wait3A_202] : memref<10240x64xf32, #tpu.memory_space<vmem_shared>> -> memref<10240x64xf32, #tpu.memory_space<vmem_shared>>
      tpu.wait_indirect_dma semaphore(%arg26 : memref<!tpu.dma_semaphore, #tpu.memory_space<semaphore_mem>>) src(%arg9 : memref<128x64xf32, #tpu.memory_space<vmem>>) dst(%dma_wait3A_203 : memref<10240x64xf32, #tpu.memory_space<vmem_shared>>)
      %dma_wait3A_204 = arith.constant 0 : i32
      %dma_wait3A_205 = tpu.memref_slice %arg8[%add3A_107, %dma_wait3A_204] : memref<80x128xi32, #tpu.memory_space<vmem>> -> memref<1x128xi32, #tpu.memory_space<vmem>>
      %dma_wait3A_206 = tpu.memref_squeeze %dma_wait3A_205 : memref<1x128xi32, #tpu.memory_space<vmem>> -> memref<128xi32, #tpu.memory_space<vmem>>
      %dma_wait3A_207 = arith.constant 0 : i32
      %dma_wait3A_208 = arith.constant 0 : i32
      %dma_wait3A_209 = tpu.memref_slice %arg17[%dma_wait3A_207, %dma_wait3A_208] : memref<10240x64xf32, #tpu.memory_space<vmem_shared>> -> memref<10240x64xf32, #tpu.memory_space<vmem_shared>>
      tpu.wait_indirect_dma semaphore(%arg27 : memref<!tpu.dma_semaphore, #tpu.memory_space<semaphore_mem>>) src(%arg10 : memref<128x64xf32, #tpu.memory_space<vmem>>) dst(%dma_wait3A_209 : memref<10240x64xf32, #tpu.memory_space<vmem_shared>>)
      %dma_wait3A_210 = arith.constant 0 : i32
      %dma_wait3A_211 = tpu.memref_slice %arg8[%add3A_121, %dma_wait3A_210] : memref<80x128xi32, #tpu.memory_space<vmem>> -> memref<1x128xi32, #tpu.memory_space<vmem>>
      %dma_wait3A_212 = tpu.memref_squeeze %dma_wait3A_211 : memref<1x128xi32, #tpu.memory_space<vmem>> -> memref<128xi32, #tpu.memory_space<vmem>>
      %dma_wait3A_213 = arith.constant 0 : i32
      %dma_wait3A_214 = arith.constant 0 : i32
      %dma_wait3A_215 = tpu.memref_slice %arg17[%dma_wait3A_213, %dma_wait3A_214] : memref<10240x64xf32, #tpu.memory_space<vmem_shared>> -> memref<10240x64xf32, #tpu.memory_space<vmem_shared>>
      tpu.wait_indirect_dma semaphore(%arg28 : memref<!tpu.dma_semaphore, #tpu.memory_space<semaphore_mem>>) src(%arg11 : memref<128x64xf32, #tpu.memory_space<vmem>>) dst(%dma_wait3A_215 : memref<10240x64xf32, #tpu.memory_space<vmem_shared>>)
      %dma_wait3A_216 = arith.constant 0 : i32
      %dma_wait3A_217 = tpu.memref_slice %arg8[%add3A_135, %dma_wait3A_216] : memref<80x128xi32, #tpu.memory_space<vmem>> -> memref<1x128xi32, #tpu.memory_space<vmem>>
      %dma_wait3A_218 = tpu.memref_squeeze %dma_wait3A_217 : memref<1x128xi32, #tpu.memory_space<vmem>> -> memref<128xi32, #tpu.memory_space<vmem>>
      %dma_wait3A_219 = arith.constant 0 : i32
      %dma_wait3A_220 = arith.constant 0 : i32
      %dma_wait3A_221 = tpu.memref_slice %arg17[%dma_wait3A_219, %dma_wait3A_220] : memref<10240x64xf32, #tpu.memory_space<vmem_shared>> -> memref<10240x64xf32, #tpu.memory_space<vmem_shared>>
      tpu.wait_indirect_dma semaphore(%arg29 : memref<!tpu.dma_semaphore, #tpu.memory_space<semaphore_mem>>) src(%arg12 : memref<128x64xf32, #tpu.memory_space<vmem>>) dst(%dma_wait3A_221 : memref<10240x64xf32, #tpu.memory_space<vmem_shared>>)
      %dma_wait3A_222 = arith.constant 0 : i32
      %dma_wait3A_223 = tpu.memref_slice %arg8[%add3A_149, %dma_wait3A_222] : memref<80x128xi32, #tpu.memory_space<vmem>> -> memref<1x128xi32, #tpu.memory_space<vmem>>
      %dma_wait3A_224 = tpu.memref_squeeze %dma_wait3A_223 : memref<1x128xi32, #tpu.memory_space<vmem>> -> memref<128xi32, #tpu.memory_space<vmem>>
      %dma_wait3A_225 = arith.constant 0 : i32
      %dma_wait3A_226 = arith.constant 0 : i32
      %dma_wait3A_227 = tpu.memref_slice %arg17[%dma_wait3A_225, %dma_wait3A_226] : memref<10240x64xf32, #tpu.memory_space<vmem_shared>> -> memref<10240x64xf32, #tpu.memory_space<vmem_shared>>
      tpu.wait_indirect_dma semaphore(%arg30 : memref<!tpu.dma_semaphore, #tpu.memory_space<semaphore_mem>>) src(%arg13 : memref<128x64xf32, #tpu.memory_space<vmem>>) dst(%dma_wait3A_227 : memref<10240x64xf32, #tpu.memory_space<vmem_shared>>)
      %dma_wait3A_228 = arith.constant 0 : i32
      %dma_wait3A_229 = tpu.memref_slice %arg8[%add3A_163, %dma_wait3A_228] : memref<80x128xi32, #tpu.memory_space<vmem>> -> memref<1x128xi32, #tpu.memory_space<vmem>>
      %dma_wait3A_230 = tpu.memref_squeeze %dma_wait3A_229 : memref<1x128xi32, #tpu.memory_space<vmem>> -> memref<128xi32, #tpu.memory_space<vmem>>
      %dma_wait3A_231 = arith.constant 0 : i32
      %dma_wait3A_232 = arith.constant 0 : i32
      %dma_wait3A_233 = tpu.memref_slice %arg17[%dma_wait3A_231, %dma_wait3A_232] : memref<10240x64xf32, #tpu.memory_space<vmem_shared>> -> memref<10240x64xf32, #tpu.memory_space<vmem_shared>>
      tpu.wait_indirect_dma semaphore(%arg31 : memref<!tpu.dma_semaphore, #tpu.memory_space<semaphore_mem>>) src(%arg14 : memref<128x64xf32, #tpu.memory_space<vmem>>) dst(%dma_wait3A_233 : memref<10240x64xf32, #tpu.memory_space<vmem_shared>>)
      %dma_wait3A_234 = arith.constant 0 : i32
      %dma_wait3A_235 = tpu.memref_slice %arg8[%add3A_177, %dma_wait3A_234] : memref<80x128xi32, #tpu.memory_space<vmem>> -> memref<1x128xi32, #tpu.memory_space<vmem>>
      %dma_wait3A_236 = tpu.memref_squeeze %dma_wait3A_235 : memref<1x128xi32, #tpu.memory_space<vmem>> -> memref<128xi32, #tpu.memory_space<vmem>>
      %dma_wait3A_237 = arith.constant 0 : i32
      %dma_wait3A_238 = arith.constant 0 : i32
      %dma_wait3A_239 = tpu.memref_slice %arg17[%dma_wait3A_237, %dma_wait3A_238] : memref<10240x64xf32, #tpu.memory_space<vmem_shared>> -> memref<10240x64xf32, #tpu.memory_space<vmem_shared>>
      tpu.wait_indirect_dma semaphore(%arg32 : memref<!tpu.dma_semaphore, #tpu.memory_space<semaphore_mem>>) src(%arg15 : memref<128x64xf32, #tpu.memory_space<vmem>>) dst(%dma_wait3A_239 : memref<10240x64xf32, #tpu.memory_space<vmem_shared>>)
      %dma_wait3A_240 = arith.constant 0 : i32
      %dma_wait3A_241 = tpu.memref_slice %arg8[%add3A_191, %dma_wait3A_240] : memref<80x128xi32, #tpu.memory_space<vmem>> -> memref<1x128xi32, #tpu.memory_space<vmem>>
      %dma_wait3A_242 = tpu.memref_squeeze %dma_wait3A_241 : memref<1x128xi32, #tpu.memory_space<vmem>> -> memref<128xi32, #tpu.memory_space<vmem>>
      %dma_wait3A_243 = arith.constant 0 : i32
      %dma_wait3A_244 = arith.constant 0 : i32
      %dma_wait3A_245 = tpu.memref_slice %arg17[%dma_wait3A_243, %dma_wait3A_244] : memref<10240x64xf32, #tpu.memory_space<vmem_shared>> -> memref<10240x64xf32, #tpu.memory_space<vmem_shared>>
      tpu.wait_indirect_dma semaphore(%arg33 : memref<!tpu.dma_semaphore, #tpu.memory_space<semaphore_mem>>) src(%arg16 : memref<128x64xf32, #tpu.memory_space<vmem>>) dst(%dma_wait3A_245 : memref<10240x64xf32, #tpu.memory_space<vmem_shared>>)
    }
    %scan3A_15 = arith.constant 10 : i32
    %barrier3A_16 = arith.constant 0 : index
    tpu.barrier barrier_id(%barrier3A_16)
    %mul3A_17 = arith.constant 640 : i32
    %mul3A_18 = arith.muli %arg1, %mul3A_17 : i32
    %mul3A_19 = arith.constant 640 : i32
    %mul3A_20 = arith.muli %arg1, %mul3A_19 : i32
    "tpu.region"() ({
      %run_scoped3A = tpu.sem_alloc : memref<!tpu.dma_semaphore, #tpu.memory_space<semaphore_mem>>
      %dma_start3A = arith.constant 0 : i32
      %dma_start3A_21 = arith.constant 0 : i32
      %dma_start3A_22 = tpu.memref_slice %arg6[%arg0, %dma_start3A, %dma_start3A_21] : memref<2x10240x64xf32, #tpu.memory_space<hbm>> -> memref<1x10240x64xf32, #tpu.memory_space<hbm>>
      %dma_start3A_23 = tpu.memref_squeeze %dma_start3A_22 : memref<1x10240x64xf32, #tpu.memory_space<hbm>> -> memref<10240x64xf32, #tpu.memory_space<hbm>>
      %dma_start3A_24 = arith.constant 0 : i32
      %dma_start3A_25 = tpu.memref_slice %dma_start3A_23[%mul3A_20, %dma_start3A_24] : memref<10240x64xf32, #tpu.memory_space<hbm>> -> memref<640x64xf32, #tpu.memory_space<hbm>>
      %dma_start3A_26 = arith.constant 0 : i32
      %dma_start3A_27 = tpu.memref_slice %arg17[%mul3A_18, %dma_start3A_26] : memref<10240x64xf32, #tpu.memory_space<vmem_shared>> -> memref<640x64xf32, #tpu.memory_space<vmem_shared>>
      tpu.enqueue_dma source(%dma_start3A_27 : memref<640x64xf32, #tpu.memory_space<vmem_shared>>) target(%dma_start3A_25 : memref<640x64xf32, #tpu.memory_space<hbm>>) target_semaphore(%run_scoped3A : memref<!tpu.dma_semaphore, #tpu.memory_space<semaphore_mem>>)
      %dma_wait3A = arith.constant 0 : i32
      %dma_wait3A_28 = arith.constant 0 : i32
      %dma_wait3A_29 = tpu.memref_slice %arg6[%arg0, %dma_wait3A, %dma_wait3A_28] : memref<2x10240x64xf32, #tpu.memory_space<hbm>> -> memref<1x10240x64xf32, #tpu.memory_space<hbm>>
      %dma_wait3A_30 = tpu.memref_squeeze %dma_wait3A_29 : memref<1x10240x64xf32, #tpu.memory_space<hbm>> -> memref<10240x64xf32, #tpu.memory_space<hbm>>
      %dma_wait3A_31 = arith.constant 0 : i32
      %dma_wait3A_32 = tpu.memref_slice %dma_wait3A_30[%mul3A_20, %dma_wait3A_31] : memref<10240x64xf32, #tpu.memory_space<hbm>> -> memref<640x64xf32, #tpu.memory_space<hbm>>
      %dma_wait3A_33 = arith.constant 0 : i32
      %dma_wait3A_34 = tpu.memref_slice %arg17[%mul3A_18, %dma_wait3A_33] : memref<10240x64xf32, #tpu.memory_space<vmem_shared>> -> memref<640x64xf32, #tpu.memory_space<vmem_shared>>
      tpu.wait_dma2 semaphore(%run_scoped3A : memref<!tpu.dma_semaphore, #tpu.memory_space<semaphore_mem>>) src(%dma_wait3A_34 : memref<640x64xf32, #tpu.memory_space<vmem_shared>>) dst(%dma_wait3A_32 : memref<640x64xf32, #tpu.memory_space<hbm>>)
      tpu.yield
    }) : () -> ()
    return
  }
}

module attributes {stable_mosaic.version = 14 : i64} {
  func.func @body(%arg0: memref<2x10240x16xf32, #tpu.memory_space<vmem>>, %arg1: memref<10240x8xf32, #tpu.memory_space<vmem>>, %arg2: memref<3x128xf32, #tpu.memory_space<vmem>>, %arg3: memref<1x128xf32, #tpu.memory_space<vmem>>, %arg4: memref<3x128xf32, #tpu.memory_space<vmem>>, %arg5: memref<128x64xf32, #tpu.memory_space<vmem>>, %arg6: memref<128x64xf32, #tpu.memory_space<vmem>>, %arg7: memref<10240x64xf32, #tpu.memory_space<vmem>>, %arg8: memref<10240x64xf32, #tpu.memory_space<vmem>>) attributes {dimension_semantics = [], scalar_prefetch = 0 : i64, scratch_operands = 0 : i64, tpu.core_type = #tpu.core_type<tc>} {
    %get3A = arith.constant 0 : index
    %get3A_0 = arith.constant 0 : index
    %get3A_1 = arith.constant 0 : index
    %get3A_2 = vector.load %arg0[%get3A, %get3A_0, %get3A_1] : memref<2x10240x16xf32, #tpu.memory_space<vmem>>, vector<1x10240x16xf32>
    %get3A_3 = vector.shape_cast %get3A_2 : vector<1x10240x16xf32> to vector<10240x16xf32>
    %get3A_4 = arith.constant 1 : index
    %get3A_5 = arith.constant 0 : index
    %get3A_6 = arith.constant 0 : index
    %get3A_7 = vector.load %arg0[%get3A_4, %get3A_5, %get3A_6] : memref<2x10240x16xf32, #tpu.memory_space<vmem>>, vector<1x10240x16xf32>
    %get3A_8 = vector.shape_cast %get3A_7 : vector<1x10240x16xf32> to vector<10240x16xf32>
    %add3A = arith.addf %get3A_3, %get3A_8 : vector<10240x16xf32>
    %slice3A = vector.extract_strided_slice %add3A {offsets = [0, 3], sizes = [10240, 1], strides = [1, 1]} : vector<10240x16xf32> to vector<10240x1xf32>
    %max3A = arith.constant 1.000000e+00 : f32
    %max3A_9 = vector.broadcast %max3A : f32 to vector<10240x1xf32>
    %max3A_10 = arith.maximumf %slice3A, %max3A_9 : vector<10240x1xf32>
    %slice3A_11 = vector.extract_strided_slice %add3A {offsets = [0, 0], sizes = [10240, 3], strides = [1, 1]} : vector<10240x16xf32> to vector<10240x3xf32>
    %div3A = vector.broadcast %max3A_10 : vector<10240x1xf32> to vector<10240x3xf32>
    %div3A_12 = arith.divf %slice3A_11, %div3A : vector<10240x3xf32>
    %get3A_13 = arith.constant 0 : index
    %get3A_14 = arith.constant 0 : index
    %get3A_15 = vector.load %arg1[%get3A_13, %get3A_14] : memref<10240x8xf32, #tpu.memory_space<vmem>>, vector<10240x3xf32>
    %get3A_16 = arith.constant 0 : index
    %get3A_17 = arith.constant 0 : index
    %get3A_18 = vector.load %arg2[%get3A_16, %get3A_17] : memref<3x128xf32, #tpu.memory_space<vmem>>, vector<3x128xf32>
    %dot_general3A = arith.constant dense<0.000000e+00> : vector<10240x128xf32>
    %dot_general3A_19 = tpu.matmul %div3A_12, %get3A_18, %dot_general3A {dimension_numbers = #tpu.dot_dimension_numbers<[1], [0], [0], [1], [0, 0, 1, 1], [], []>, transpose_lhs_hint = false} : vector<10240x3xf32>, vector<3x128xf32>, vector<10240x128xf32> -> vector<10240x128xf32>
    %get3A_20 = arith.constant 0 : index
    %get3A_21 = arith.constant 0 : index
    %get3A_22 = vector.load %arg3[%get3A_20, %get3A_21] : memref<1x128xf32, #tpu.memory_space<vmem>>, vector<1x128xf32>
    %add3A_23 = vector.broadcast %get3A_22 : vector<1x128xf32> to vector<10240x128xf32>
    %add3A_24 = arith.addf %dot_general3A_19, %add3A_23 : vector<10240x128xf32>
    %get3A_25 = arith.constant 0 : index
    %get3A_26 = arith.constant 0 : index
    %get3A_27 = vector.load %arg4[%get3A_25, %get3A_26] : memref<3x128xf32, #tpu.memory_space<vmem>>, vector<3x128xf32>
    %dot_general3A_28 = arith.constant dense<0.000000e+00> : vector<10240x128xf32>
    %dot_general3A_29 = tpu.matmul %get3A_15, %get3A_27, %dot_general3A_28 {dimension_numbers = #tpu.dot_dimension_numbers<[1], [0], [0], [1], [0, 0, 1, 1], [], []>, transpose_lhs_hint = false} : vector<10240x3xf32>, vector<3x128xf32>, vector<10240x128xf32> -> vector<10240x128xf32>
    %add3A_30 = arith.addf %add3A_24, %dot_general3A_29 : vector<10240x128xf32>
    %max3A_31 = arith.constant 0.000000e+00 : f32
    %max3A_32 = vector.broadcast %max3A_31 : f32 to vector<10240x128xf32>
    %max3A_33 = arith.maximumf %add3A_30, %max3A_32 : vector<10240x128xf32>
    %get3A_34 = arith.constant 0 : index
    %get3A_35 = arith.constant 0 : index
    %get3A_36 = vector.load %arg5[%get3A_34, %get3A_35] : memref<128x64xf32, #tpu.memory_space<vmem>>, vector<128x64xf32>
    %dot_general3A_37 = arith.constant dense<0.000000e+00> : vector<10240x64xf32>
    %dot_general3A_38 = tpu.matmul %max3A_33, %get3A_36, %dot_general3A_37 {dimension_numbers = #tpu.dot_dimension_numbers<[1], [0], [0], [1], [0, 0, 1, 1], [], []>, transpose_lhs_hint = false} : vector<10240x128xf32>, vector<128x64xf32>, vector<10240x64xf32> -> vector<10240x64xf32>
    %swap3A = arith.constant 0 : index
    %swap3A_39 = arith.constant 0 : index
    %swap3A_40 = vector.load %arg7[%swap3A, %swap3A_39] : memref<10240x64xf32, #tpu.memory_space<vmem>>, vector<10240x64xf32>
    tpu.vector_store %arg7[%swap3A, %swap3A_39], %dot_general3A_38 {strides = array<i32>} : memref<10240x64xf32, #tpu.memory_space<vmem>>, vector<10240x64xf32>,
    %get3A_41 = arith.constant 0 : index
    %get3A_42 = arith.constant 0 : index
    %get3A_43 = vector.load %arg6[%get3A_41, %get3A_42] : memref<128x64xf32, #tpu.memory_space<vmem>>, vector<128x64xf32>
    %dot_general3A_44 = arith.constant dense<0.000000e+00> : vector<10240x64xf32>
    %dot_general3A_45 = tpu.matmul %max3A_33, %get3A_43, %dot_general3A_44 {dimension_numbers = #tpu.dot_dimension_numbers<[1], [0], [0], [1], [0, 0, 1, 1], [], []>, transpose_lhs_hint = false} : vector<10240x128xf32>, vector<128x64xf32>, vector<10240x64xf32> -> vector<10240x64xf32>
    %swap3A_46 = arith.constant 0 : index
    %swap3A_47 = arith.constant 0 : index
    %swap3A_48 = vector.load %arg8[%swap3A_46, %swap3A_47] : memref<10240x64xf32, #tpu.memory_space<vmem>>, vector<10240x64xf32>
    tpu.vector_store %arg8[%swap3A_46, %swap3A_47], %dot_general3A_45 {strides = array<i32>} : memref<10240x64xf32, #tpu.memory_space<vmem>>, vector<10240x64xf32>,
    return
  }
}

module attributes {stable_mosaic.version = 14 : i64} {
  func.func @body(%arg0: memref<2x10240x64xf32, #tpu.memory_space<vmem>>, %arg1: memref<2x10240x16xf32, #tpu.memory_space<vmem>>, %arg2: memref<10240x64xf32, #tpu.memory_space<vmem>>, %arg3: memref<1x64xf32, #tpu.memory_space<vmem>>, %arg4: memref<64x16xf32, #tpu.memory_space<vmem>>, %arg5: memref<1x16xf32, #tpu.memory_space<vmem>>, %arg6: memref<1x16xf32, #tpu.memory_space<vmem>>, %arg7: memref<1x1xi32, #tpu.memory_space<vmem>>) attributes {dimension_semantics = [], scalar_prefetch = 0 : i64, scratch_operands = 0 : i64, tpu.core_type = #tpu.core_type<tc>} {
    %get3A = arith.constant 0 : index
    %get3A_0 = arith.constant 0 : index
    %get3A_1 = arith.constant 0 : index
    %get3A_2 = vector.load %arg0[%get3A, %get3A_0, %get3A_1] : memref<2x10240x64xf32, #tpu.memory_space<vmem>>, vector<1x10240x64xf32>
    %get3A_3 = vector.shape_cast %get3A_2 : vector<1x10240x64xf32> to vector<10240x64xf32>
    %get3A_4 = arith.constant 1 : index
    %get3A_5 = arith.constant 0 : index
    %get3A_6 = arith.constant 0 : index
    %get3A_7 = vector.load %arg0[%get3A_4, %get3A_5, %get3A_6] : memref<2x10240x64xf32, #tpu.memory_space<vmem>>, vector<1x10240x64xf32>
    %get3A_8 = vector.shape_cast %get3A_7 : vector<1x10240x64xf32> to vector<10240x64xf32>
    %add3A = arith.addf %get3A_3, %get3A_8 : vector<10240x64xf32>
    %get3A_9 = arith.constant 0 : index
    %get3A_10 = arith.constant 0 : index
    %get3A_11 = arith.constant 0 : index
    %get3A_12 = vector.load %arg1[%get3A_9, %get3A_10, %get3A_11] : memref<2x10240x16xf32, #tpu.memory_space<vmem>>, vector<1x10240x16xf32>
    %get3A_13 = vector.shape_cast %get3A_12 : vector<1x10240x16xf32> to vector<10240x16xf32>
    %slice3A = vector.extract_strided_slice %get3A_13 {offsets = [0, 3], sizes = [10240, 1], strides = [1, 1]} : vector<10240x16xf32> to vector<10240x1xf32>
    %get3A_14 = arith.constant 1 : index
    %get3A_15 = arith.constant 0 : index
    %get3A_16 = arith.constant 0 : index
    %get3A_17 = vector.load %arg1[%get3A_14, %get3A_15, %get3A_16] : memref<2x10240x16xf32, #tpu.memory_space<vmem>>, vector<1x10240x16xf32>
    %get3A_18 = vector.shape_cast %get3A_17 : vector<1x10240x16xf32> to vector<10240x16xf32>
    %slice3A_19 = vector.extract_strided_slice %get3A_18 {offsets = [0, 3], sizes = [10240, 1], strides = [1, 1]} : vector<10240x16xf32> to vector<10240x1xf32>
    %add3A_20 = arith.addf %slice3A, %slice3A_19 : vector<10240x1xf32>
    %max3A = arith.constant 1.000000e+00 : f32
    %max3A_21 = vector.broadcast %max3A : f32 to vector<10240x1xf32>
    %max3A_22 = arith.maximumf %add3A_20, %max3A_21 : vector<10240x1xf32>
    %div3A = vector.broadcast %max3A_22 : vector<10240x1xf32> to vector<10240x64xf32>
    %div3A_23 = arith.divf %add3A, %div3A : vector<10240x64xf32>
    %get3A_24 = arith.constant 0 : index
    %get3A_25 = arith.constant 0 : index
    %get3A_26 = vector.load %arg3[%get3A_24, %get3A_25] : memref<1x64xf32, #tpu.memory_space<vmem>>, vector<1x64xf32>
    %add3A_27 = vector.broadcast %get3A_26 : vector<1x64xf32> to vector<10240x64xf32>
    %add3A_28 = arith.addf %div3A_23, %add3A_27 : vector<10240x64xf32>
    %get3A_29 = arith.constant 0 : index
    %get3A_30 = arith.constant 0 : index
    %get3A_31 = vector.load %arg2[%get3A_29, %get3A_30] : memref<10240x64xf32, #tpu.memory_space<vmem>>, vector<10240x64xf32>
    %add3A_32 = arith.addf %add3A_28, %get3A_31 : vector<10240x64xf32>
    %max3A_33 = arith.constant 0.000000e+00 : f32
    %max3A_34 = vector.broadcast %max3A_33 : f32 to vector<10240x64xf32>
    %max3A_35 = arith.maximumf %add3A_32, %max3A_34 : vector<10240x64xf32>
    %iota3A = tpu.iota {dimensions = array<i32: 0>} : vector<10240x1xi32>
    %lt3A = arith.constant 10000 : i32
    %lt3A_36 = vector.broadcast %lt3A : i32 to vector<10240x1xi32>
    %lt3A_37 = arith.cmpi slt, %iota3A, %lt3A_36 : vector<10240x1xi32>
    %jit3A = arith.constant 0.000000e+00 : f32
    %broadcast_in_dim3A = vector.shape_cast %lt3A_37 : vector<10240x1xi1> to vector<10240x1xi1>
    %broadcast_in_dim3A_38 = vector.broadcast %broadcast_in_dim3A : vector<10240x1xi1> to vector<10240x64xi1>
    %broadcast_in_dim3A_39 = vector.broadcast %jit3A : f32 to vector<10240x64xf32>
    %select_n3A = arith.select %broadcast_in_dim3A_38, %max3A_35, %broadcast_in_dim3A_39 : vector<10240x64xi1>, vector<10240x64xf32>
    %reduce_sum3A = arith.constant dense<0.000000e+00> : vector<64xf32>
    %reduce_sum3A_40 = vector.multi_reduction <add>, %select_n3A, %reduce_sum3A [0] : vector<10240x64xf32> to vector<64xf32>
    %broadcast_in_dim3A_41 = vector.shape_cast %reduce_sum3A_40 : vector<64xf32> to vector<1x64xf32>
    %mul3A = arith.constant 9.99999974E-5 : f32
    %mul3A_42 = vector.broadcast %mul3A : f32 to vector<1x64xf32>
    %mul3A_43 = arith.mulf %broadcast_in_dim3A_41, %mul3A_42 : vector<1x64xf32>
    %get3A_44 = arith.constant 0 : index
    %get3A_45 = arith.constant 0 : index
    %get3A_46 = vector.load %arg4[%get3A_44, %get3A_45] : memref<64x16xf32, #tpu.memory_space<vmem>>, vector<64x16xf32>
    %dot_general3A = arith.constant dense<0.000000e+00> : vector<1x16xf32>
    %dot_general3A_47 = tpu.matmul %mul3A_43, %get3A_46, %dot_general3A {dimension_numbers = #tpu.dot_dimension_numbers<[1], [0], [0], [1], [0, 0, 1, 1], [], []>, transpose_lhs_hint = false} : vector<1x64xf32>, vector<64x16xf32>, vector<1x16xf32> -> vector<1x16xf32>
    %get3A_48 = arith.constant 0 : index
    %get3A_49 = arith.constant 0 : index
    %get3A_50 = vector.load %arg5[%get3A_48, %get3A_49] : memref<1x16xf32, #tpu.memory_space<vmem>>, vector<1x16xf32>
    %add3A_51 = arith.addf %dot_general3A_47, %get3A_50 : vector<1x16xf32>
    %reduce_max3A = arith.constant dense<0xFF800000> : vector<1xf32>
    %reduce_max3A_52 = vector.multi_reduction <maximumf>, %add3A_51, %reduce_max3A [1] : vector<1x16xf32> to vector<1xf32>
    %broadcast_in_dim3A_53 = vector.shape_cast %reduce_max3A_52 : vector<1xf32> to vector<1x1xf32>
    %sub3A = vector.broadcast %broadcast_in_dim3A_53 : vector<1x1xf32> to vector<1x16xf32>
    %sub3A_54 = arith.subf %add3A_51, %sub3A : vector<1x16xf32>
    %exp3A = math.exp %sub3A_54 : vector<1x16xf32>
    %reduce_sum3A_55 = arith.constant dense<0.000000e+00> : vector<1xf32>
    %reduce_sum3A_56 = vector.multi_reduction <add>, %exp3A, %reduce_sum3A_55 [1] : vector<1x16xf32> to vector<1xf32>
    %broadcast_in_dim3A_57 = vector.shape_cast %reduce_sum3A_56 : vector<1xf32> to vector<1x1xf32>
    %div3A_58 = vector.broadcast %broadcast_in_dim3A_57 : vector<1x1xf32> to vector<1x16xf32>
    %div3A_59 = arith.divf %exp3A, %div3A_58 : vector<1x16xf32>
    %swap3A = arith.constant 0 : index
    %swap3A_60 = arith.constant 0 : index
    %swap3A_61 = vector.load %arg6[%swap3A, %swap3A_60] : memref<1x16xf32, #tpu.memory_space<vmem>>, vector<1x16xf32>
    tpu.vector_store %arg6[%swap3A, %swap3A_60], %div3A_59 {strides = array<i32>} : memref<1x16xf32, #tpu.memory_space<vmem>>, vector<1x16xf32>,
    %iota3A_62 = tpu.iota {dimensions = array<i32: 1>} : vector<1x16xi32>
    %ge3A = vector.broadcast %broadcast_in_dim3A_53 : vector<1x1xf32> to vector<1x16xf32>
    %ge3A_63 = arith.cmpf oge, %add3A_51, %ge3A : vector<1x16xf32>
    %jit3A_64 = arith.constant 16 : i32
    %broadcast_in_dim3A_65 = vector.broadcast %jit3A_64 : i32 to vector<1x16xi32>
    %select_n3A_66 = arith.select %ge3A_63, %iota3A_62, %broadcast_in_dim3A_65 : vector<1x16xi1>, vector<1x16xi32>
    %reduce_min3A = arith.constant dense<2147483647> : vector<1xi32>
    %reduce_min3A_67 = vector.multi_reduction <minsi>, %select_n3A_66, %reduce_min3A [1] : vector<1x16xi32> to vector<1xi32>
    %broadcast_in_dim3A_68 = vector.shape_cast %reduce_min3A_67 : vector<1xi32> to vector<1x1xi32>
    %swap3A_69 = arith.constant 0 : index
    %swap3A_70 = arith.constant 0 : index
    %swap3A_71 = vector.load %arg7[%swap3A_69, %swap3A_70] : memref<1x1xi32, #tpu.memory_space<vmem>>, vector<1x1xi32>
    tpu.vector_store %arg7[%swap3A_69, %swap3A_70], %broadcast_in_dim3A_68 {strides = array<i32>} : memref<1x1xi32, #tpu.memory_space<vmem>>, vector<1x1xi32>,
    return
  }
}

</mosaic_0001>

<sc_bundles>
// kernel: kernel.6.cloned.1.call-start
scs
__scs_entry_jumppad:
0x0: {  	(pc) =	sbr.rel $0x88, $3  }
0x1: {  	(tag) =	ssettag $0x0;
	lr =	simm.s32 $0x1  }
0x2: {  	[smem:$0x3F97] =	sst lr;
	_ =	strace $0xD0000000  }
0x3: {  	_ = 	snop  }
0x4: {  	_ = 	snop  }
0x5: {  	_ = 	snop  }
0x6: {  	_ = 	snop  }
0x7: {  	_ = 	snop  }
__scs_overlays_trampoline_lowered:
0x8: {  	[smem:$0x3FA6] =	sst s0  }
0x9: {  	[smem:$0x3FA7] =	sst s1  }
0xa: {  	[smem:$0x3FA8] =	sst s2  }
0xb: {  	[smem:$0x3FA9] =	sst s3  }
0xc: {  	[smem:$0x3FAA] =	sst s4  }
0xd: {  	[smem:$0x3FAB] =	sst s5  }
0xe: {  	[smem:$0x3FAC] =	sst s6  }
0xf: {  	[smem:$0x3FAD] =	sst s7  }
0x10: {  	[smem:$0x3FAE] =	sst s8  }
0x11: {  	[smem:$0x3FAF] =	sst s9;
	s0 =	simm.s32 @!p0 $0x0  }
0x12: {  	s1 =	sld [smem:$0x3F95];
	s0 =	simm.s32 @p0 $0x1  }
0x13: {  	[smem:$0x3FB0] =	sst s0;
	s0 =	simm.s32 @!p1 $0x0  }
0x14: {  	s2 =	sld [smem:$0x3F94];
	s0 =	simm.s32 @p1 $0x1  }
0x15: {  	[smem:$0x3FB1] =	sst s0;
	s0 =	simm.s32 @!p2 $0x0  }
0x16: {  	s3 =	sld [smem:$0x3FDB];
	s0 =	simm.s32 @p2 $0x1  }
0x17: {  	s4 =	simm.s32 $0x1BF5;
	[smem:$0x3FB3] =	sst s0  }
0x18: {  	s0 =	sld [smem:$0x3F96];
	_ =	swait.ge [sflag:s4], $0x0  }
0x19: {  	s7 =	sld [smem:$0x3F97]  }
0x1a: {  	s8 =	sadd.s32 $0xFFFFE003, lr  }
0x1b: {  	s9 =	sadd.s32 $0xFFFFFEF7, lr;
	s5 =	simm.s32 $0xFFFFFFFF;
	p2 =	slt.u32 s8, $0xFFFFF086  }
0x1c: {  	p1 =	slt.u32 s9, $0xF7A;
	s5 =	simm.s32 @!p2 $0x0  }
0x1d: {  	s5 =	simm.s32 @p1 $0x1;
	p0 =	seq.s32 s7, s2  }
0x1e: {  	s7 =	smul.u32 @!p0 $0xF7A, s2;
	p2 =	seq.s32 @!p0 s5, $0x0  }
0x1f: {  	s9 =	smul.u32 $0xF7A, s1;
	s8 =	simm.s32 @!p0 $0x1BF5;
	p2 =	por !p2, p0  }
0x20: {  	[sflag:s8] =	ssyncset.s32 @!p0 $0xFFFFF086;
	s6 =	sadd.s32 @!p0 s3, s7;
	s7 =	simm.s32 @!p0 $0x108  }
0x21: {  	s3 =	sadd.s32 s3, s9;
	s6 =	sadd.s32 @!p0 $0x88, s6;
	s7 =	simm.s32 @p2 $0x1082  }
0x22: {  	[simem:s7], [sflag:s8] =	dma.local @!p0 [hbm:s6], $0xF7A  }
0x23: {  	s9 =	sor.u32 $0xD0000000, s2;
	s6 =	simm.s32 $0x108;
	_ =	swait.ge @!p0 [sflag:s8], $0x0  }
0x24: {  	s3 =	sadd.s32 $0x88, s3;
	s6 =	simm.s32 @!p1 $0x1082;
	[sflag:s4] =	ssyncset.s32 $0xFFFFF086  }
0x25: {  	[simem:s6], [sflag:s4] =	dma.local [hbm:s3], $0xF7A  }
0x26: {  	[smem:$0x3F97] =	sst s1;
	(tag) =	ssettag s2;
	_ =	strace s9  }
0x27: {  	s1 =	sld [smem:$0x3FA7]  }
0x28: {  	s2 =	sld [smem:$0x3FA8]  }
0x29: {  	s4 =	sld [smem:$0x3FAA]  }
0x2a: {  	p0 =	seq.s32 s5, $0x0;
	s5 =	sld [smem:$0x3FAB]  }
0x2b: {  	s6 =	sld [smem:$0x3FAC]  }
0x2c: {  	s7 =	sld [smem:$0x3FAD]  }
0x2d: {  	s3 =	simm.s32 $0x108;
	s8 =	sld [smem:$0x3FAE]  }
0x2e: {  	s3 =	simm.s32 @!p0 $0x1082;
	s9 =	sld [smem:$0x3FAF]  }
0x2f: {  	lr =	sadd.s32 s0, s3;
	s0 =	sld [smem:$0x3FA6]  }
0x30: {  	s3 =	sld [smem:$0x3FA9]  }
0x31: {  	[smem:$0x3FB2] =	sst s10  }
0x32: {  	s10 =	sld [smem:$0x3FB0];
	_ =	sdelay $0x3  }
0x33: {  	p0 =	seq.s32 s10, $0x1;
	s10 =	sld [smem:$0x3FB2];
	_ =	sdelay $0x3  }
0x34: {  	[smem:$0x3FB2] =	sst s10  }
0x35: {  	s10 =	sld [smem:$0x3FB1];
	_ =	sdelay $0x3  }
0x36: {  	p1 =	seq.s32 s10, $0x1;
	s10 =	sld [smem:$0x3FB2];
	_ =	sdelay $0x3  }
0x37: {  	[smem:$0x3FB2] =	sst s10  }
0x38: {  	s10 =	sld [smem:$0x3FB3]  }
0x39: {  	_ = 	snop;
	(pc) =	sbr.ind lr, $3  }
0x3a: {  	_ = 	snop  }
0x3b: {  	_ = 	snop  }
0x3c: {  	p2 =	seq.s32 s10, $0x1;
	s10 =	sld [smem:$0x3FB2]  }
0x3d: {  	_ =	shalt  }
0x3e: {  	_ =	shalt  }
0x3f: {  	_ =	shalt  }
0x40: {  	_ =	shalt  }
0x41: {  	_ =	shalt  }
0x42: {  	_ =	shalt  }
0x43: {  	_ =	shalt  }
0x44: {  	_ =	shalt  }
0x45: {  	_ =	shalt  }
0x46: {  	_ =	shalt  }
0x47: {  	_ =	shalt  }
0x48: {  	_ =	shalt  }
0x49: {  	_ =	shalt  }
0x4a: {  	_ =	shalt  }
0x4b: {  	_ =	shalt  }
0x4c: {  	_ =	shalt  }
0x4d: {  	_ =	shalt  }
0x4e: {  	_ =	shalt  }
0x4f: {  	_ =	shalt  }
0x50: {  	_ =	shalt  }
0x51: {  	_ =	shalt  }
0x52: {  	_ =	shalt  }
0x53: {  	_ =	shalt  }
0x54: {  	_ =	shalt  }
0x55: {  	_ =	shalt  }
0x56: {  	_ =	shalt  }
0x57: {  	_ =	shalt  }
0x58: {  	_ =	shalt  }
0x59: {  	_ =	shalt  }
0x5a: {  	_ =	shalt  }
0x5b: {  	_ =	shalt  }
0x5c: {  	_ =	shalt  }
0x5d: {  	_ =	shalt  }
0x5e: {  	_ =	shalt  }
0x5f: {  	_ =	shalt  }
0x60: {  	_ =	shalt  }
0x61: {  	_ =	shalt  }
0x62: {  	_ =	shalt  }
0x63: {  	_ =	shalt  }
0x64: {  	_ =	shalt  }
0x65: {  	_ =	shalt  }
0x66: {  	_ =	shalt  }
0x67: {  	_ =	shalt  }
0x68: {  	_ =	shalt  }
0x69: {  	_ =	shalt  }
0x6a: {  	_ =	shalt  }
0x6b: {  	_ =	shalt  }
0x6c: {  	_ =	shalt  }
0x6d: {  	_ =	shalt  }
0x6e: {  	_ =	shalt  }
0x6f: {  	_ =	shalt  }
0x70: {  	_ =	shalt  }
0x71: {  	_ =	shalt  }
0x72: {  	_ =	shalt  }
0x73: {  	_ =	shalt  }
0x74: {  	_ =	shalt  }
0x75: {  	_ =	shalt  }
0x76: {  	_ =	shalt  }
0x77: {  	_ =	shalt  }
0x78: {  	_ =	shalt  }
0x79: {  	_ =	shalt  }
0x7a: {  	_ =	shalt  }
0x7b: {  	_ =	shalt  }
0x7c: {  	_ =	shalt  }
0x7d: {  	_ =	shalt  }
0x7e: {  	_ =	shalt  }
0x7f: {  	_ =	shalt  }
0x80: {  	_ =	shalt  }
0x81: {  	_ =	shalt  }
0x82: {  	_ =	shalt  }
0x83: {  	_ =	shalt  }
0x84: {  	_ =	shalt  }
0x85: {  	_ =	shalt  }
0x86: {  	_ =	shalt  }
0x87: {  	_ =	shalt  }
.Lfunc_end0:
.L_simem_size_0:
called_computation_lowered:
.L_overlay_start_0:
0x88: {  	s2 =	sld [smem:$0x3FD9]  }
0x89: {  	s3 =	sld [smem:$0x3FFE];
	_ =	sdelay $0x1  }
0x8a: {  	s1 =	srdreg.scid  }
0x8b: {  	s0 =	sand.u32 $0x1, s1  }
0x8c: {  	s16 =	sshll.u32 s0, $0xA;
	s2 =	sadd.s32 s3, s2  }
0x8d: {  	s2 =	sadd.s32 s2, s16  }
0x8e: {  	[smem:$0x3FBE] =	sst s2  }
0x8f: {  	_ = 	snop  }
0x90: {  	(tm) =	ssettm $0x1  }
0x91: {  	s17 =	sld [smem:$0x3FFB];
	_ =	sdelay $0x3  }
0x92: {  	_ =	strace s17  }
0x93: {  	s2 =	sld [smem:$0x3FFC];
	_ =	sdelay $0x3  }
0x94: {  	_ =	strace s2  }
0x95: {  	s2 =	sld [smem:$0x3FFD];
	_ =	sdelay $0x3  }
0x96: {  	_ =	strace s2  }
0x97: {  	_ =	strace $0x8FFFFFFF  }
0x98: {  	s18 =	sld [smem:$0x3FDB];
	_ =	sdelay $0x1  }
0x99: {  	s19 =	simm.s32 $_scs_section_size  }
0x9a: {  	s4 =	simm.s32 $_size__tile_overlayer_lowered;
	s5 =	simm.s32 $_tile_overlayer_lowered  }
0x9b: {  	s22 =	simm.s32 $0x1BFF;
	s21 =	sshll.u32 s5, $0x1;
	s2 =	sadd.s32 s19, s18  }
0x9c: {  	s6 =	simm.s32 $0x0;
	s20 =	sshll.u32 s4, $0x1;
	s4 =	sadd.s32 s21, s2  }
0x9d: {  	[timem:s6], [sflag:s22] =	dma.local [hbm:s4], s20  }
0x9e: {  	_ =	swait.ge [sflag:s22], s20  }
0x9f: {  	s3 =	ssub.s32 $0x0, s20;
	[sflag:s22] =	ssyncset.done $0x0  }
0xa0: {  	[sflag:s22] =	ssyncadd.s32 s3;
	_ =	sdelay $0x1  }
0xa1: {  	s23 =	simm.s32 $0x1B8B  }
0xa2: {  	_ =	swait.ge [sflag:s23], $0x1  }
0xa3: {  	[sflag:s23] =	ssyncset.done $0x0  }
0xa4: {  	s25 =	simm.s32 $0x1B8E;
	s24 =	sld [smem:$0x3FFE];
	[sflag:s23] =	ssyncadd.s32 $0xFFFFFFFF  }
0xa5: {  	s26 =	simm.s32 $execute0_lowered;
	[smem:$0x3FD2] =	sst s25  }
0xa6: {  	s4 =	sshll.u32 s26, $0x1;
	_ =	strace $0x80000046;
	[dreg:$0x1] =	wrdreg $0xFFFFFFFF  }
0xa7: {  	s28 =	simm.s32 $_size_execute0_lowered;
	s2 =	sadd.s32 s2, s4;
	[dreg:$0x0] =	wrdreg $0x0  }
0xa8: {  	s4 =	sshll.u32 s28, $0x1;
	[dreg:$0x2] =	wrdreg s2  }
0xa9: {  	[dreg:$0x3] =	wrdreg s4  }
0xaa: {  	[dreg:$0x4] =	wrdreg $0xC0  }
0xab: {  	_ =	task [dreg:s6], $0x5FFFF  }
0xac: {  	[dreg:$0x1] =	wrdreg $0xFFFFFFFF  }
0xad: {  	[dreg:$0x0] =	wrdreg $0x60  }
0xae: {  	[dreg:$0x2] =	wrdreg s24  }
0xaf: {  	[dreg:$0x3] =	wrdreg $0x90000  }
0xb0: {  	[dreg:$0x4] =	wrdreg $0x9  }
0xb1: {  	_ =	task.clear_ibuf [dreg:s6], $0x5FFFF;
	_ =	strace $0x90000046  }
0xb2: {  	s29 =	simm.s32 $0x9;
	_ =	strace $0x80000048  }
0xb3: {  	_ =	swait.ge [sflag:s29], $0x1  }
0xb4: {  	[sflag:s29] =	ssyncadd.s32 $0xFFFFFFFF  }
0xb5: {  	_ =	strace $0x90000048  }
0xb6: {  	_ =	sfence  }
0xb7: {  	s30 =	sld [smem:$0x0];
	_ =	sdelay $0x2  }
0xb8: {  	s31 =	sshll.u32 s1, $0xD;
	s1 =	sshrl.u32 s1, $0x2  }
0xb9: {  	s3 =	sand.u32 $0x4000, s31;
	s1 =	sadd.s32 s1, s30  }
0xba: {  	s0 =	sor.u32 s3, s0;
	s1 =	sshll.u32 s1, $0x11  }
0xbb: {  	s0 =	sor.u32 s1, s0  }
0xbc: {  	s0 =	sadd.s32 $0x8F2B, s0  }
0xbd: {  	[sflag:s0] =	ssyncadd.remote.s32 $0x1  }
0xbe: {  	_ =	sfence.sel $0xFFFF  }
0xbf: {  	[dreg:$0x0] =	wrdreg $0xFFFFFFFF;
	(pc) =	sbr.abs _section_cstart, $3  }
0xc0: {  	[dreg:$0x1] =	wrdreg $0xFFFFFFFF  }
0xc1: {  	_ =	task.clear_ibuf [dreg:s6], $0x2FFFF;
	_ =	strace $0x9FFFFFFF  }
0xc2: {  	(tm) =	ssettm $0x7FFFFFFF  }
0xc3: {  	_ =	shalt  }
tec
execute0_lowered:
.L_overlay_start_1:
0x0: {  	(tag) =	ssettag $0x1  }
0x1: {  	s0 =	srdreg.scid  }
0x2: {  	s1 =	rddreg [dreg:$0x0];
	s9 =	stileid.u32  }
0x3: {  	s2 =	rddreg [dreg:$0x1];
	s4 =	simm.s32 $0x0;
	s12 =	simm.s32 $0x11  }
0x4: {  	s13 =	simm.s32 $0x80;
	s14 =	simm.s32 $0x5000;
	s15 =	simm.s32 $0x5800  }
0x5: {  	s16 =	simm.s32 $0x6000;
	s17 =	simm.s32 $0x6800;
	s18 =	simm.s32 $0x7000  }
0x6: {  	s19 =	simm.s32 $0x7800;
	s20 =	simm.s32 $0x8000;
	s28 =	simm.s32 $0x5  }
0x7: {  	s29 =	simm.s32 $0x6;
	s30 =	simm.s32 $0x7;
	s31 =	simm.s32 $0x8  }
0x8: {  	s10 =	simm.s32 $0xB;
	s0 =	sand.u32 $0x1, s0;
	[smem:$0x7FF] =	sst s4  }
0x9: {  	s5 =	smul.u32 $0x2800, s9;
	s4 =	sadd.s32 $0x800, s1;
	s25 =	sshll.u32 s9, $0x6  }
0xa: {  	s3 =	sshll.u32 s0, $0x4;
	_ =	strace $0x80000047;
	s6 =	smul.u32 $0x5000, s0  }
0xb: {  	s0 =	ssub.s32 $0x2, s0;
	s11 =	sor.u32 $0x1C11, s25;
	s25 =	simm.s32 $0x3  }
0xc: {  	s3 =	sor.u32 s9, s3;
	s7 =	sshrl.u32 s5, $0x3;
	s21 =	sshrl.u32 s0, $0x1  }
0xd: {  	s23 =	sadd.s32 s5, s2;
	s5 =	simm.s32 $0xD;
	s9 =	simm.s32 $0x0  }
0xe: {  	[dreg:$0x7] =	wrdreg s11;
	s3 =	smul.u32 $0x500, s3;
	s8 =	sadd.s32 s7, s1  }
0xf: {  	s0 =	ssub.s32 s0, s21;
	s21 =	simm.s32 $0x8800;
	[dreg:$0xa] =	wrdreg s9  }
0x10: {  	s24 =	sadd.s32 $0x19800, s8;
	s0 =	smax.u32 s0, $0x1;
	s8 =	simm.s32 $0x10  }
0x11: {  	s3 =	sadd.s32 s3, s1;
	s1 =	sadd.s32 s6, s1;
	[dreg:$0x5] =	wrdreg s24  }
0x12: {  	[dreg:$0x6] =	wrdreg s0;
	s24 =	sshrl.u32 s23, $0x3;
	s23 =	simm.s32 $0x2  }
0x13: {  	s0 =	simm.s32 $0xA;
	s22 =	sadd.s32 $0xF800, s3;
	[dreg:$0x8] =	wrdreg s24  }
0x14: {  	s6 =	simm.s32 $0xE;
	s3 =	sadd.s32 $0x5800, s3;
	[dreg:$0x3] =	wrdreg s22  }
0x15: {  	s1 =	sadd.s32 $0x1E800, s1;
	[dreg:$0x4] =	wrdreg s3;
	s22 =	simm.s32 $0x1  }
0x16: {  	s26 =	sadd.s32 s7, s1;
	s1 =	simm.s32 $0x9;
	s3 =	simm.s32 $0xC  }
0x17: {  	s7 =	simm.s32 $0xF;
	[dreg:$0x9] =	wrdreg s26;
	s26 =	simm.s32 $0x4  }
.LBB2_1:
0x18: {  	s9 =	simm.s32 $0x0;
	s11 =	rddreg [dreg:$0x3]  }
0x19: {  	[tilespmem:s9], [sflag:$0x11] =	stream.linear.gather [hbm4b:s11+s9], $0x2800, $0x38;
	[tilespmem:$0xB800] =	vst v63  }
0x1a: {  	_ =	swait.ge [sflag:s12], $0x2800  }
0x1b: {  	[sflag:s12] =	ssyncset.done $0x0  }
0x1c: {  	s24 =	simm.s32 $0x2800;
	s11 =	rddreg [dreg:$0x4];
	[sflag:s12] =	ssyncadd.s32 $0xFFFFD800  }
0x1d: {  	[tilespmem:s24], [sflag:$0x11] =	stream.linear.gather [hbm4b:s11+s9], $0x2800, $0x38;
	[tilespmem:$0xB800] =	vst v63  }
0x1e: {  	_ =	swait.ge [sflag:s12], $0x2800  }
0x1f: {  	s9 =	rddreg [dreg:$0x5]  }
0x20: {  	[sflag:s12] =	ssyncset.done $0x0;
	s11 =	rddreg [dreg:$0x7]  }
0x21: {  	s24 =	rddreg [dreg:$0x8];
	[sflag:s12] =	ssyncadd.s32 $0xFFFFD800  }
0x22: {  	[spmem:s24], [sflag:s11] =	dma.local [hbm:s9], $0x500  }
0x23: {  	_ =	swait.ge [sflag:s12], $0x500  }
0x24: {  	[sflag:s12] =	ssyncset.done $0x0  }
0x25: {  	s11 =	simm.s32 $0x0;
	[sflag:s12] =	ssyncadd.s32 $0xFFFFFB00  }
0x26: {  	v6 =	vld [tilespmem:s11+$0x0]  }
0x27: {  	v13 =	vld [tilespmem:s11+$0x10]  }
0x28: {  	v5 =	vld [tilespmem:s11+$0x20]  }
0x29: {  	v4 =	vld [tilespmem:s11+$0x30]  }
0x2a: {  	v3 =	vld [tilespmem:s11+$0x40]  }
0x2b: {  	v2 =	vld [tilespmem:s11+$0x50]  }
0x2c: {  	v1 =	vld [tilespmem:s11+$0x60]  }
0x2d: {  	v0 =	vld [tilespmem:s11+$0x70]  }
0x2e: {  	v12 =	vld [tilespmem:s11+$0x2800]  }
0x2f: {  	v11 =	vld [tilespmem:s11+$0x2810]  }
0x30: {  	v10 =	vld [tilespmem:s11+$0x2820]  }
0x31: {  	v9 =	vld [tilespmem:s11+$0x2830]  }
0x32: {  	v8 =	vld [tilespmem:s11+$0x2840]  }
0x33: {  	v7 =	vld [tilespmem:s11+$0x2850];
	vm0 =	veq.s32 v6, v12  }
0x34: {  	s9 =	simm.s32 $0x200;
	v6 =	vld [tilespmem:s11+$0x2860];
	v12 =	vsel vm0, $0x2710, v12;
	vm0 =	veq.s32 v13, v11  }
.LBB2_2:
0x35: {  	s12 =	sshra.s32 s9, $0x2;
	p0 =	sne.s32 s9, $0x9E00;
	[tilespmem:s11+$0x2800] =	vst v12;
	v11 =	vsel vm0, $0x2710, v11;
	vm0 =	veq.s32 v5, v10;
	v12 =	vld [tilespmem:s11+$0x2870]  }
0x36: {  	v13 =	vld [tilespmem:s12+$0x0];
	[tilespmem:s11+$0x2810] =	vst v11;
	v5 =	vsel vm0, $0x2710, v10;
	vm0 =	veq.s32 v4, v9  }
0x37: {  	v14 =	vld [tilespmem:s12+$0x10];
	[tilespmem:s11+$0x2820] =	vst v5;
	v4 =	vsel vm0, $0x2710, v9;
	vm0 =	veq.s32 v3, v8  }
0x38: {  	v5 =	vld [tilespmem:s12+$0x20];
	[tilespmem:s11+$0x2830] =	vst v4;
	v3 =	vsel vm0, $0x2710, v8;
	vm0 =	veq.s32 v2, v7  }
0x39: {  	v4 =	vld [tilespmem:s12+$0x30];
	[tilespmem:s11+$0x2840] =	vst v3;
	v2 =	vsel vm0, $0x2710, v7;
	vm0 =	veq.s32 v1, v6  }
0x3a: {  	v3 =	vld [tilespmem:s12+$0x40];
	[tilespmem:s11+$0x2850] =	vst v2;
	v1 =	vsel vm0, $0x2710, v6;
	vm0 =	veq.s32 v0, v12  }
0x3b: {  	v2 =	vld [tilespmem:s12+$0x50];
	[tilespmem:s11+$0x2860] =	vst v1;
	v0 =	vsel vm0, $0x2710, v12  }
0x3c: {  	v1 =	vld [tilespmem:s12+$0x60];
	[tilespmem:s11+$0x2870] =	vst v0;
	s11 =	smov.u32 s12  }
0x3d: {  	v0 =	vld [tilespmem:s11+$0x70]  }
0x3e: {  	v6 =	vld [tilespmem:s11+$0x2800]  }
0x3f: {  	v11 =	vld [tilespmem:s11+$0x2810]  }
.Ltmp0:
0x40: {  	v10 =	vld [tilespmem:s11+$0x2820];
	(pc) =	sbr.rel @p0 .LBB2_2-.Ltmp0, $4  }
0x41: {  	v9 =	vld [tilespmem:s11+$0x2830]  }
0x42: {  	v8 =	vld [tilespmem:s11+$0x2840]  }
0x43: {  	vm0 =	veq.s32 v13, v6;
	v7 =	vld [tilespmem:s11+$0x2850]  }
0x44: {  	s9 =	sadd.s32 $0x200, s9;
	v12 =	vsel vm0, $0x2710, v6;
	vm0 =	veq.s32 v14, v11;
	v6 =	vld [tilespmem:s11+$0x2860]  }
0x45: {  	[tilespmem:s11+$0x2800] =	vst v12;
	v11 =	vsel vm0, $0x2710, v11;
	vm10 =	veq.s32 v5, v10;
	v63 =	vld [tilespmem:s11+$0x2870]  }
0x46: {  	[tilespmem:s11+$0x2810] =	vst v11;
	v10 =	vsel vm10, $0x2710, v10;
	vm11 =	veq.s32 v4, v9  }
0x47: {  	[tilespmem:s11+$0x2820] =	vst v10;
	v4 =	vsel vm11, $0x2710, v9;
	vm12 =	veq.s32 v3, v8  }
0x48: {  	[tilespmem:s11+$0x2830] =	vst v4;
	v3 =	vsel vm12, $0x2710, v8;
	vm13 =	veq.s32 v2, v7  }
0x49: {  	[tilespmem:s11+$0x2840] =	vst v3;
	v2 =	vsel vm13, $0x2710, v7;
	vm14 =	veq.s32 v1, v6  }
0x4a: {  	[tilespmem:s11+$0x2850] =	vst v2;
	v1 =	vsel vm14, $0x2710, v6;
	vm15 =	veq.s32 v0, v63  }
0x4b: {  	[tilespmem:s11+$0x2860] =	vst v1;
	v0 =	vsel vm15, $0x2710, v63  }
0x4c: {  	[tilespmem:s11+$0x2870] =	vst v0  }
0x4d: {  	s9 =	simm.s32 $0x0;
	[bflag:$0x0] =	sbarrier.arrive $0xFFFF  }
0x4e: {  	[tilespmem:s14], [sflag:$0x1] =	stream.indirect.gather [hbm4b:s4+s13], $0x10, s9, s13, $0xb8;
	[tilespmem:$0xB800] =	vst v63  }
0x4f: {  	s11 =	simm.s32 $0x80  }
0x50: {  	[tilespmem:s15], [sflag:$0x2] =	stream.indirect.gather [hbm4b:s4+s13], $0x10, s11, s13, $0xb8;
	[tilespmem:$0xB800] =	vst v63  }
0x51: {  	s12 =	simm.s32 $0x100  }
0x52: {  	[tilespmem:s16], [sflag:$0x3] =	stream.indirect.gather [hbm4b:s4+s13], $0x10, s12, s13, $0xb8;
	[tilespmem:$0xB800] =	vst v63  }
0x53: {  	s24 =	simm.s32 $0x180  }
0x54: {  	[tilespmem:s17], [sflag:$0x4] =	stream.indirect.gather [hbm4b:s4+s13], $0x10, s24, s13, $0xb8;
	[tilespmem:$0xB800] =	vst v63  }
0x55: {  	s11 =	simm.s32 $0x200  }
0x56: {  	[tilespmem:s18], [sflag:$0x5] =	stream.indirect.gather [hbm4b:s4+s13], $0x10, s11, s13, $0xb8;
	[tilespmem:$0xB800] =	vst v63  }
0x57: {  	s12 =	simm.s32 $0x280  }
0x58: {  	[tilespmem:s19], [sflag:$0x6] =	stream.indirect.gather [hbm4b:s4+s13], $0x10, s12, s13, $0xb8;
	[tilespmem:$0xB800] =	vst v63  }
0x59: {  	s24 =	simm.s32 $0x300  }
0x5a: {  	[tilespmem:s20], [sflag:$0x7] =	stream.indirect.gather [hbm4b:s4+s13], $0x10, s24, s13, $0xb8;
	[tilespmem:$0xB800] =	vst v63  }
0x5b: {  	s11 =	simm.s32 $0x380  }
0x5c: {  	[tilespmem:s21], [sflag:$0x8] =	stream.indirect.gather [hbm4b:s4+s13], $0x10, s11, s13, $0xb8;
	[tilespmem:$0xB800] =	vst v63  }
0x5d: {  	_ =	swait.ge [sflag:s22], $0x800  }
0x5e: {  	[sflag:s22] =	ssyncset.done $0x0  }
0x5f: {  	s12 =	simm.s32 $0x2800;
	[sflag:s22] =	ssyncadd.s32 $0xFFFFF800  }
0x60: {  	[spmem:s2] =	stream.indirect.scatter.add.f32 [tilespmem:s14], [sflag:$0x9], $0x10, s12, s13, $0xb8;
	[tilespmem:$0xB800] =	vst v63  }
0x61: {  	_ =	swait.ge [sflag:s23], $0x800  }
0x62: {  	[sflag:s23] =	ssyncset.done $0x0  }
0x63: {  	s24 =	simm.s32 $0x2880;
	[sflag:s23] =	ssyncadd.s32 $0xFFFFF800  }
0x64: {  	[spmem:s2] =	stream.indirect.scatter.add.f32 [tilespmem:s15], [sflag:$0xA], $0x10, s24, s13, $0xb8;
	[tilespmem:$0xB800] =	vst v63  }
0x65: {  	_ =	swait.ge [sflag:s25], $0x800  }
0x66: {  	[sflag:s25] =	ssyncset.done $0x0  }
0x67: {  	s11 =	simm.s32 $0x2900;
	[sflag:s25] =	ssyncadd.s32 $0xFFFFF800  }
0x68: {  	[spmem:s2] =	stream.indirect.scatter.add.f32 [tilespmem:s16], [sflag:$0xB], $0x10, s11, s13, $0xb8;
	[tilespmem:$0xB800] =	vst v63  }
0x69: {  	_ =	swait.ge [sflag:s26], $0x800  }
0x6a: {  	[sflag:s26] =	ssyncset.done $0x0  }
0x6b: {  	s12 =	simm.s32 $0x2980;
	[sflag:s26] =	ssyncadd.s32 $0xFFFFF800  }
0x6c: {  	[spmem:s2] =	stream.indirect.scatter.add.f32 [tilespmem:s17], [sflag:$0xC], $0x10, s12, s13, $0xb8;
	[tilespmem:$0xB800] =	vst v63  }
0x6d: {  	_ =	swait.ge [sflag:s28], $0x800  }
0x6e: {  	[sflag:s28] =	ssyncset.done $0x0  }
0x6f: {  	s24 =	simm.s32 $0x2A00;
	[sflag:s28] =	ssyncadd.s32 $0xFFFFF800  }
0x70: {  	[spmem:s2] =	stream.indirect.scatter.add.f32 [tilespmem:s18], [sflag:$0xD], $0x10, s24, s13, $0xb8;
	[tilespmem:$0xB800] =	vst v63  }
0x71: {  	_ =	swait.ge [sflag:s29], $0x800  }
0x72: {  	[sflag:s29] =	ssyncset.done $0x0  }
0x73: {  	s11 =	simm.s32 $0x2A80;
	[sflag:s29] =	ssyncadd.s32 $0xFFFFF800  }
0x74: {  	[spmem:s2] =	stream.indirect.scatter.add.f32 [tilespmem:s19], [sflag:$0xE], $0x10, s11, s13, $0xb8;
	[tilespmem:$0xB800] =	vst v63  }
0x75: {  	_ =	swait.ge [sflag:s30], $0x800  }
0x76: {  	[sflag:s30] =	ssyncset.done $0x0  }
0x77: {  	s12 =	simm.s32 $0x2B00;
	[sflag:s30] =	ssyncadd.s32 $0xFFFFF800  }
0x78: {  	[spmem:s2] =	stream.indirect.scatter.add.f32 [tilespmem:s20], [sflag:$0xF], $0x10, s12, s13, $0xb8;
	[tilespmem:$0xB800] =	vst v63  }
0x79: {  	_ =	swait.ge [sflag:s31], $0x800  }
0x7a: {  	[sflag:s31] =	ssyncset.done $0x0  }
0x7b: {  	s24 =	simm.s32 $0x2B80;
	[sflag:s31] =	ssyncadd.s32 $0xFFFFF800  }
0x7c: {  	[spmem:s2] =	stream.indirect.scatter.add.f32 [tilespmem:s21], [sflag:$0x10], $0x10, s24, s13, $0xb8;
	[tilespmem:$0xB800] =	vst v63  }
0x7d: {  	_ =	swait.ge [sflag:s1], $0x800  }
0x7e: {  	[sflag:s1] =	ssyncset.done $0x0  }
0x7f: {  	[sflag:s1] =	ssyncadd.s32 $0xFFFFF800  }
0x80: {  	_ =	swait.ge [sflag:s0], $0x800  }
0x81: {  	[sflag:s0] =	ssyncset.done $0x0  }
0x82: {  	[sflag:s0] =	ssyncadd.s32 $0xFFFFF800  }
0x83: {  	_ =	swait.ge [sflag:s10], $0x800  }
0x84: {  	[sflag:s10] =	ssyncset.done $0x0  }
0x85: {  	[sflag:s10] =	ssyncadd.s32 $0xFFFFF800  }
0x86: {  	_ =	swait.ge [sflag:s3], $0x800  }
0x87: {  	[sflag:s3] =	ssyncset.done $0x0  }
0x88: {  	[sflag:s3] =	ssyncadd.s32 $0xFFFFF800  }
0x89: {  	_ =	swait.ge [sflag:s5], $0x800  }
0x8a: {  	[sflag:s5] =	ssyncset.done $0x0  }
0x8b: {  	[sflag:s5] =	ssyncadd.s32 $0xFFFFF800  }
0x8c: {  	_ =	swait.ge [sflag:s6], $0x800  }
0x8d: {  	[sflag:s6] =	ssyncset.done $0x0  }
0x8e: {  	[sflag:s6] =	ssyncadd.s32 $0xFFFFF800  }
0x8f: {  	_ =	swait.ge [sflag:s7], $0x800  }
0x90: {  	[sflag:s7] =	ssyncset.done $0x0  }
0x91: {  	[sflag:s7] =	ssyncadd.s32 $0xFFFFF800  }
0x92: {  	_ =	swait.ge [sflag:s8], $0x800  }
0x93: {  	s11 =	simm.s32 $0x1000;
	s12 =	simm.s32 $0x2000;
	[sflag:s8] =	ssyncset.done $0x0  }
.LBB2_4:
0x94: {  	s9 =	sshra.s32 s11, $0x2  }
0x95: {  	[sflag:s8] =	ssyncadd.s32 $0xFFFFF800;
	s11 =	smov.u32 s12;
	s24 =	sadd.s32 $0x1000, s12  }
0x96: {  	[tilespmem:s14], [sflag:$0x1] =	stream.indirect.gather [hbm4b:s4+s13], $0x10, s9, s13, $0xb8;
	[tilespmem:$0xB800] =	vst v63  }
0x97: {  	p0 =	sne.s32 s12, $0x9000;
	s12 =	sadd.s32 $0x80, s9  }
0x98: {  	[tilespmem:s15], [sflag:$0x2] =	stream.indirect.gather [hbm4b:s4+s13], $0x10, s12, s13, $0xb8;
	[tilespmem:$0xB800] =	vst v63  }
0x99: {  	s12 =	sadd.s32 $0x100, s9  }
0x9a: {  	[tilespmem:s16], [sflag:$0x3] =	stream.indirect.gather [hbm4b:s4+s13], $0x10, s12, s13, $0xb8;
	[tilespmem:$0xB800] =	vst v63  }
0x9b: {  	s12 =	sadd.s32 $0x180, s9  }
0x9c: {  	[tilespmem:s17], [sflag:$0x4] =	stream.indirect.gather [hbm4b:s4+s13], $0x10, s12, s13, $0xb8;
	[tilespmem:$0xB800] =	vst v63  }
0x9d: {  	s12 =	sadd.s32 $0x200, s9  }
0x9e: {  	[tilespmem:s18], [sflag:$0x5] =	stream.indirect.gather [hbm4b:s4+s13], $0x10, s12, s13, $0xb8;
	[tilespmem:$0xB800] =	vst v63  }
0x9f: {  	s12 =	sadd.s32 $0x280, s9  }
0xa0: {  	[tilespmem:s19], [sflag:$0x6] =	stream.indirect.gather [hbm4b:s4+s13], $0x10, s12, s13, $0xb8;
	[tilespmem:$0xB800] =	vst v63  }
0xa1: {  	s12 =	sadd.s32 $0x300, s9  }
0xa2: {  	[tilespmem:s20], [sflag:$0x7] =	stream.indirect.gather [hbm4b:s4+s13], $0x10, s12, s13, $0xb8;
	[tilespmem:$0xB800] =	vst v63  }
0xa3: {  	s12 =	sadd.s32 $0x380, s9  }
0xa4: {  	[tilespmem:s21], [sflag:$0x8] =	stream.indirect.gather [hbm4b:s4+s13], $0x10, s12, s13, $0xb8;
	[tilespmem:$0xB800] =	vst v63  }
0xa5: {  	_ =	swait.ge [sflag:s22], $0x800  }
0xa6: {  	[sflag:s22] =	ssyncset.done $0x0  }
0xa7: {  	s12 =	sadd.s32 $0x2800, s9;
	[sflag:s22] =	ssyncadd.s32 $0xFFFFF800  }
0xa8: {  	[spmem:s2] =	stream.indirect.scatter.add.f32 [tilespmem:s14], [sflag:$0x9], $0x10, s12, s13, $0xb8;
	[tilespmem:$0xB800] =	vst v63  }
0xa9: {  	_ =	swait.ge [sflag:s23], $0x800  }
0xaa: {  	[sflag:s23] =	ssyncset.done $0x0  }
0xab: {  	s12 =	sadd.s32 $0x2880, s9;
	[sflag:s23] =	ssyncadd.s32 $0xFFFFF800  }
0xac: {  	[spmem:s2] =	stream.indirect.scatter.add.f32 [tilespmem:s15], [sflag:$0xA], $0x10, s12, s13, $0xb8;
	[tilespmem:$0xB800] =	vst v63  }
0xad: {  	_ =	swait.ge [sflag:s25], $0x800  }
0xae: {  	[sflag:s25] =	ssyncset.done $0x0  }
0xaf: {  	s12 =	sadd.s32 $0x2900, s9;
	[sflag:s25] =	ssyncadd.s32 $0xFFFFF800  }
0xb0: {  	[spmem:s2] =	stream.indirect.scatter.add.f32 [tilespmem:s16], [sflag:$0xB], $0x10, s12, s13, $0xb8;
	[tilespmem:$0xB800] =	vst v63  }
0xb1: {  	_ =	swait.ge [sflag:s26], $0x800  }
0xb2: {  	[sflag:s26] =	ssyncset.done $0x0  }
0xb3: {  	s12 =	sadd.s32 $0x2980, s9;
	[sflag:s26] =	ssyncadd.s32 $0xFFFFF800  }
0xb4: {  	[spmem:s2] =	stream.indirect.scatter.add.f32 [tilespmem:s17], [sflag:$0xC], $0x10, s12, s13, $0xb8;
	[tilespmem:$0xB800] =	vst v63  }
0xb5: {  	_ =	swait.ge [sflag:s28], $0x800  }
0xb6: {  	[sflag:s28] =	ssyncset.done $0x0  }
0xb7: {  	s12 =	sadd.s32 $0x2A00, s9;
	[sflag:s28] =	ssyncadd.s32 $0xFFFFF800  }
0xb8: {  	[spmem:s2] =	stream.indirect.scatter.add.f32 [tilespmem:s18], [sflag:$0xD], $0x10, s12, s13, $0xb8;
	[tilespmem:$0xB800] =	vst v63  }
0xb9: {  	_ =	swait.ge [sflag:s29], $0x800  }
0xba: {  	[sflag:s29] =	ssyncset.done $0x0  }
0xbb: {  	s12 =	sadd.s32 $0x2A80, s9;
	[sflag:s29] =	ssyncadd.s32 $0xFFFFF800  }
0xbc: {  	[spmem:s2] =	stream.indirect.scatter.add.f32 [tilespmem:s19], [sflag:$0xE], $0x10, s12, s13, $0xb8;
	[tilespmem:$0xB800] =	vst v63  }
0xbd: {  	_ =	swait.ge [sflag:s30], $0x800  }
0xbe: {  	[sflag:s30] =	ssyncset.done $0x0  }
0xbf: {  	s12 =	sadd.s32 $0x2B00, s9;
	[sflag:s30] =	ssyncadd.s32 $0xFFFFF800  }
0xc0: {  	[spmem:s2] =	stream.indirect.scatter.add.f32 [tilespmem:s20], [sflag:$0xF], $0x10, s12, s13, $0xb8;
	[tilespmem:$0xB800] =	vst v63  }
0xc1: {  	_ =	swait.ge [sflag:s31], $0x800  }
0xc2: {  	[sflag:s31] =	ssyncset.done $0x0  }
0xc3: {  	s9 =	sadd.s32 $0x2B80, s9;
	[sflag:s31] =	ssyncadd.s32 $0xFFFFF800  }
0xc4: {  	[spmem:s2] =	stream.indirect.scatter.add.f32 [tilespmem:s21], [sflag:$0x10], $0x10, s9, s13, $0xb8;
	[tilespmem:$0xB800] =	vst v63  }
0xc5: {  	_ =	swait.ge [sflag:s1], $0x800  }
0xc6: {  	[sflag:s1] =	ssyncset.done $0x0  }
0xc7: {  	[sflag:s1] =	ssyncadd.s32 $0xFFFFF800  }
0xc8: {  	_ =	swait.ge [sflag:s0], $0x800  }
0xc9: {  	[sflag:s0] =	ssyncset.done $0x0  }
0xca: {  	[sflag:s0] =	ssyncadd.s32 $0xFFFFF800  }
0xcb: {  	_ =	swait.ge [sflag:s10], $0x800  }
0xcc: {  	[sflag:s10] =	ssyncset.done $0x0  }
0xcd: {  	[sflag:s10] =	ssyncadd.s32 $0xFFFFF800  }
0xce: {  	_ =	swait.ge [sflag:s3], $0x800  }
0xcf: {  	[sflag:s3] =	ssyncset.done $0x0  }
0xd0: {  	[sflag:s3] =	ssyncadd.s32 $0xFFFFF800  }
0xd1: {  	_ =	swait.ge [sflag:s5], $0x800  }
0xd2: {  	[sflag:s5] =	ssyncset.done $0x0  }
0xd3: {  	[sflag:s5] =	ssyncadd.s32 $0xFFFFF800  }
0xd4: {  	_ =	swait.ge [sflag:s6], $0x800  }
0xd5: {  	[sflag:s6] =	ssyncset.done $0x0  }
0xd6: {  	[sflag:s6] =	ssyncadd.s32 $0xFFFFF800  }
.Ltmp1:
0xd7: {  	_ =	swait.ge [sflag:s7], $0x800;
	(pc) =	sbr.rel @p0 .LBB2_4-.Ltmp1, $4  }
0xd8: {  	[sflag:s7] =	ssyncset.done $0x0  }
0xd9: {  	[sflag:s7] =	ssyncadd.s32 $0xFFFFF800  }
0xda: {  	_ =	swait.ge [sflag:s8], $0x800  }
0xdb: {  	s12 =	smov.u32 s24;
	[sflag:s8] =	ssyncset.done $0x0  }
0xdc: {  	s9 =	sshra.s32 s11, $0x2;
	[sflag:s8] =	ssyncadd.s32 $0xFFFFF800  }
0xdd: {  	[tilespmem:s14], [sflag:$0x1] =	stream.indirect.gather [hbm4b:s4+s13], $0x10, s9, s13, $0xb8;
	[tilespmem:$0xB800] =	vst v63  }
0xde: {  	s11 =	sadd.s32 $0x80, s9  }
0xdf: {  	[tilespmem:s15], [sflag:$0x2] =	stream.indirect.gather [hbm4b:s4+s13], $0x10, s11, s13, $0xb8;
	[tilespmem:$0xB800] =	vst v63  }
0xe0: {  	s24 =	sadd.s32 $0x100, s9  }
0xe1: {  	[tilespmem:s16], [sflag:$0x3] =	stream.indirect.gather [hbm4b:s4+s13], $0x10, s24, s13, $0xb8;
	[tilespmem:$0xB800] =	vst v63  }
0xe2: {  	s12 =	sadd.s32 $0x180, s9  }
0xe3: {  	[tilespmem:s17], [sflag:$0x4] =	stream.indirect.gather [hbm4b:s4+s13], $0x10, s12, s13, $0xb8;
	[tilespmem:$0xB800] =	vst v63  }
0xe4: {  	s24 =	sadd.s32 $0x200, s9  }
0xe5: {  	[tilespmem:s18], [sflag:$0x5] =	stream.indirect.gather [hbm4b:s4+s13], $0x10, s24, s13, $0xb8;
	[tilespmem:$0xB800] =	vst v63  }
0xe6: {  	s12 =	sadd.s32 $0x280, s9  }
0xe7: {  	[tilespmem:s19], [sflag:$0x6] =	stream.indirect.gather [hbm4b:s4+s13], $0x10, s12, s13, $0xb8;
	[tilespmem:$0xB800] =	vst v63  }
0xe8: {  	s24 =	sadd.s32 $0x300, s9  }
0xe9: {  	[tilespmem:s20], [sflag:$0x7] =	stream.indirect.gather [hbm4b:s4+s13], $0x10, s24, s13, $0xb8;
	[tilespmem:$0xB800] =	vst v63  }
0xea: {  	s12 =	sadd.s32 $0x380, s9  }
0xeb: {  	[tilespmem:s21], [sflag:$0x8] =	stream.indirect.gather [hbm4b:s4+s13], $0x10, s12, s13, $0xb8;
	[tilespmem:$0xB800] =	vst v63  }
0xec: {  	_ =	swait.ge [sflag:s22], $0x800  }
0xed: {  	[sflag:s22] =	ssyncset.done $0x0  }
0xee: {  	s24 =	sadd.s32 $0x2800, s9;
	[sflag:s22] =	ssyncadd.s32 $0xFFFFF800  }
0xef: {  	[spmem:s2] =	stream.indirect.scatter.add.f32 [tilespmem:s14], [sflag:$0x9], $0x10, s24, s13, $0xb8;
	[tilespmem:$0xB800] =	vst v63  }
0xf0: {  	_ =	swait.ge [sflag:s23], $0x800  }
0xf1: {  	[sflag:s23] =	ssyncset.done $0x0  }
0xf2: {  	s12 =	sadd.s32 $0x2880, s9;
	[sflag:s23] =	ssyncadd.s32 $0xFFFFF800  }
0xf3: {  	[spmem:s2] =	stream.indirect.scatter.add.f32 [tilespmem:s15], [sflag:$0xA], $0x10, s12, s13, $0xb8;
	[tilespmem:$0xB800] =	vst v63  }
0xf4: {  	_ =	swait.ge [sflag:s25], $0x800  }
0xf5: {  	[sflag:s25] =	ssyncset.done $0x0  }
0xf6: {  	s24 =	sadd.s32 $0x2900, s9;
	[sflag:s25] =	ssyncadd.s32 $0xFFFFF800  }
0xf7: {  	[spmem:s2] =	stream.indirect.scatter.add.f32 [tilespmem:s16], [sflag:$0xB], $0x10, s24, s13, $0xb8;
	[tilespmem:$0xB800] =	vst v63  }
0xf8: {  	_ =	swait.ge [sflag:s26], $0x800  }
0xf9: {  	[sflag:s26] =	ssyncset.done $0x0  }
0xfa: {  	s12 =	sadd.s32 $0x2980, s9;
	[sflag:s26] =	ssyncadd.s32 $0xFFFFF800  }
0xfb: {  	[spmem:s2] =	stream.indirect.scatter.add.f32 [tilespmem:s17], [sflag:$0xC], $0x10, s12, s13, $0xb8;
	[tilespmem:$0xB800] =	vst v63  }
0xfc: {  	_ =	swait.ge [sflag:s28], $0x800  }
0xfd: {  	[sflag:s28] =	ssyncset.done $0x0  }
0xfe: {  	s24 =	sadd.s32 $0x2A00, s9;
	[sflag:s28] =	ssyncadd.s32 $0xFFFFF800  }
0xff: {  	[spmem:s2] =	stream.indirect.scatter.add.f32 [tilespmem:s18], [sflag:$0xD], $0x10, s24, s13, $0xb8;
	[tilespmem:$0xB800] =	vst v63  }
0x100: {  	_ =	swait.ge [sflag:s29], $0x800  }
0x101: {  	[sflag:s29] =	ssyncset.done $0x0  }
0x102: {  	s12 =	sadd.s32 $0x2A80, s9;
	[sflag:s29] =	ssyncadd.s32 $0xFFFFF800  }
0x103: {  	[spmem:s2] =	stream.indirect.scatter.add.f32 [tilespmem:s19], [sflag:$0xE], $0x10, s12, s13, $0xb8;
	[tilespmem:$0xB800] =	vst v63  }
0x104: {  	_ =	swait.ge [sflag:s30], $0x800  }
0x105: {  	[sflag:s30] =	ssyncset.done $0x0  }
0x106: {  	s24 =	sadd.s32 $0x2B00, s9;
	[sflag:s30] =	ssyncadd.s32 $0xFFFFF800  }
0x107: {  	[spmem:s2] =	stream.indirect.scatter.add.f32 [tilespmem:s20], [sflag:$0xF], $0x10, s24, s13, $0xb8;
	[tilespmem:$0xB800] =	vst v63  }
0x108: {  	_ =	swait.ge [sflag:s31], $0x800  }
0x109: {  	[sflag:s31] =	ssyncset.done $0x0  }
0x10a: {  	s9 =	sadd.s32 $0x2B80, s9;
	[sflag:s31] =	ssyncadd.s32 $0xFFFFF800  }
0x10b: {  	[spmem:s2] =	stream.indirect.scatter.add.f32 [tilespmem:s21], [sflag:$0x10], $0x10, s9, s13, $0xb8;
	[tilespmem:$0xB800] =	vst v63  }
0x10c: {  	_ =	swait.ge [sflag:s1], $0x800  }
0x10d: {  	[sflag:s1] =	ssyncset.done $0x0  }
0x10e: {  	[sflag:s1] =	ssyncadd.s32 $0xFFFFF800  }
0x10f: {  	_ =	swait.ge [sflag:s0], $0x800  }
0x110: {  	[sflag:s0] =	ssyncset.done $0x0  }
0x111: {  	[sflag:s0] =	ssyncadd.s32 $0xFFFFF800  }
0x112: {  	_ =	swait.ge [sflag:s10], $0x800  }
0x113: {  	[sflag:s10] =	ssyncset.done $0x0  }
0x114: {  	[sflag:s10] =	ssyncadd.s32 $0xFFFFF800  }
0x115: {  	_ =	swait.ge [sflag:s3], $0x800  }
0x116: {  	[sflag:s3] =	ssyncset.done $0x0  }
0x117: {  	[sflag:s3] =	ssyncadd.s32 $0xFFFFF800  }
0x118: {  	_ =	swait.ge [sflag:s5], $0x800  }
0x119: {  	[sflag:s5] =	ssyncset.done $0x0  }
0x11a: {  	[sflag:s5] =	ssyncadd.s32 $0xFFFFF800  }
0x11b: {  	_ =	swait.ge [sflag:s6], $0x800  }
0x11c: {  	[sflag:s6] =	ssyncset.done $0x0  }
0x11d: {  	[sflag:s6] =	ssyncadd.s32 $0xFFFFF800  }
0x11e: {  	_ =	swait.ge [sflag:s7], $0x800  }
0x11f: {  	[sflag:s7] =	ssyncset.done $0x0  }
0x120: {  	[sflag:s7] =	ssyncadd.s32 $0xFFFFF800  }
0x121: {  	_ =	swait.ge [sflag:s8], $0x800  }
0x122: {  	[sflag:s8] =	ssyncset.done $0x0  }
0x123: {  	[sflag:s8] =	ssyncadd.s32 $0xFFFFF800  }
0x124: {  	[bflag:$0x0] =	sbarrier.arrive $0xFFFF  }
0x125: {  	s12 =	rddreg [dreg:$0x7]  }
0x126: {  	s9 =	rddreg [dreg:$0x8]  }
0x127: {  	s24 =	rddreg [dreg:$0x9]  }
0x128: {  	[hbm:s24], [sflag:s12] =	dma.local [spmem:s9], $0x500  }
0x129: {  	s12 =	simm.s32 $0x11  }
0x12a: {  	_ =	swait.ge [sflag:s12], $0x500  }
0x12b: {  	s24 =	rddreg [dreg:$0xa]  }
0x12c: {  	s11 =	rddreg [dreg:$0x6];
	s24 =	sadd.s32 $0x1, s24  }
0x12d: {  	p0 =	sne.s32 s24, s11  }
.Ltmp2:
0x12e: {  	_ = 	snop;
	(pc) =	sbr.rel @p0 .LBB2_1-.Ltmp2, $3  }
0x12f: {  	_ =	sdelay $0x1  }
0x130: {  	[sflag:s12] =	ssyncset.done $0x0  }
0x131: {  	[sflag:s12] =	ssyncadd.s32 $0xFFFFFB00;
	[dreg:$0xa] =	wrdreg s24  }
0x132: {  	_ =	sfence.sel $0x180000  }
0x133: {  	[bflag:$0x0] =	sbarrier.arrive $0xFFFF  }
0x134: {  	_ =	strace $0x90000047  }
0x135: {  	s0 =	stileid.u32;
	[bflag:$0x2] =	sbarrier.arrive $0xFFFF  }
0x136: {  	p0 =	sne.s32 s0, $0x0;
	s0 =	rddreg [dreg:$0x2]  }
0x137: {  	s0 =	sadd.s32 @!p0 $0x100000, s0  }
0x138: {  	[sflag:s0] =	ssyncadd.tile.s32 @!p0 $0x1;
	_ =	shalt  }
.Lfunc_end2:
_tile_overlayer_lowered:
.L_overlay_start_2:
0x139: {  	(tag) =	ssettag $0x2  }
0x13a: {  	s0 =	rddreg [dreg:$0x0];
	s2 =	stileid.u32  }
0x13b: {  	s1 =	rddreg [dreg:$0x1];
	p0 =	sne.s32 s2, $0x0  }
0x13c: {  	s3 =	rddreg [dreg:$0x2];
	[bflag:$0x3] =	sbarrier.arrive $0xFFFF;
	s2 =	simm.s32 @!p0 $0x1C11  }
0x13d: {  	[timem:s3], [sflag:s2] =	dma.local @!p0 [hbm:s0], s1  }
0x13e: {  	s0 =	simm.s32 @!p0 $0x11  }
0x13f: {  	_ =	swait.ge @!p0 [sflag:s0], s1  }
0x140: {  	s1 =	ssub.s32 @!p0 $0x0, s1;
	[sflag:s0] =	ssyncset.done @!p0 $0x0  }
0x141: {  	[sflag:s0] =	ssyncadd.s32 @!p0 s1  }
0x142: {  	[bflag:$0x3] =	sbarrier.arrive $0xFFFF  }
0x143: {  	_ =	shalt  }

// kernel: kernel.9.cloned.1.call-start
scs
__scs_entry_jumppad:
0x0: {  	(pc) =	sbr.rel $0x88, $3  }
0x1: {  	(tag) =	ssettag $0x0;
	lr =	simm.s32 $0x1  }
0x2: {  	[smem:$0x3F97] =	sst lr;
	_ =	strace $0xD0000000  }
0x3: {  	_ = 	snop  }
0x4: {  	_ = 	snop  }
0x5: {  	_ = 	snop  }
0x6: {  	_ = 	snop  }
0x7: {  	_ = 	snop  }
__scs_overlays_trampoline_lowered:
0x8: {  	[smem:$0x3FA6] =	sst s0  }
0x9: {  	[smem:$0x3FA7] =	sst s1  }
0xa: {  	[smem:$0x3FA8] =	sst s2  }
0xb: {  	[smem:$0x3FA9] =	sst s3  }
0xc: {  	[smem:$0x3FAA] =	sst s4  }
0xd: {  	[smem:$0x3FAB] =	sst s5  }
0xe: {  	[smem:$0x3FAC] =	sst s6  }
0xf: {  	[smem:$0x3FAD] =	sst s7  }
0x10: {  	[smem:$0x3FAE] =	sst s8  }
0x11: {  	[smem:$0x3FAF] =	sst s9;
	s0 =	simm.s32 @!p0 $0x0  }
0x12: {  	s1 =	sld [smem:$0x3F95];
	s0 =	simm.s32 @p0 $0x1  }
0x13: {  	[smem:$0x3FB0] =	sst s0;
	s0 =	simm.s32 @!p1 $0x0  }
0x14: {  	s2 =	sld [smem:$0x3F94];
	s0 =	simm.s32 @p1 $0x1  }
0x15: {  	[smem:$0x3FB1] =	sst s0;
	s0 =	simm.s32 @!p2 $0x0  }
0x16: {  	s3 =	sld [smem:$0x3FDB];
	s0 =	simm.s32 @p2 $0x1  }
0x17: {  	s4 =	simm.s32 $0x1BF5;
	[smem:$0x3FB3] =	sst s0  }
0x18: {  	s0 =	sld [smem:$0x3F96];
	_ =	swait.ge [sflag:s4], $0x0  }
0x19: {  	s7 =	sld [smem:$0x3F97]  }
0x1a: {  	s8 =	sadd.s32 $0xFFFFE003, lr  }
0x1b: {  	s9 =	sadd.s32 $0xFFFFFEF7, lr;
	s5 =	simm.s32 $0xFFFFFFFF;
	p2 =	slt.u32 s8, $0xFFFFF086  }
0x1c: {  	p1 =	slt.u32 s9, $0xF7A;
	s5 =	simm.s32 @!p2 $0x0  }
0x1d: {  	s5 =	simm.s32 @p1 $0x1;
	p0 =	seq.s32 s7, s2  }
0x1e: {  	s7 =	smul.u32 @!p0 $0xF7A, s2;
	p2 =	seq.s32 @!p0 s5, $0x0  }
0x1f: {  	s9 =	smul.u32 $0xF7A, s1;
	s8 =	simm.s32 @!p0 $0x1BF5;
	p2 =	por !p2, p0  }
0x20: {  	[sflag:s8] =	ssyncset.s32 @!p0 $0xFFFFF086;
	s6 =	sadd.s32 @!p0 s3, s7;
	s7 =	simm.s32 @!p0 $0x108  }
0x21: {  	s3 =	sadd.s32 s3, s9;
	s6 =	sadd.s32 @!p0 $0x88, s6;
	s7 =	simm.s32 @p2 $0x1082  }
0x22: {  	[simem:s7], [sflag:s8] =	dma.local @!p0 [hbm:s6], $0xF7A  }
0x23: {  	s9 =	sor.u32 $0xD0000000, s2;
	s6 =	simm.s32 $0x108;
	_ =	swait.ge @!p0 [sflag:s8], $0x0  }
0x24: {  	s3 =	sadd.s32 $0x88, s3;
	s6 =	simm.s32 @!p1 $0x1082;
	[sflag:s4] =	ssyncset.s32 $0xFFFFF086  }
0x25: {  	[simem:s6], [sflag:s4] =	dma.local [hbm:s3], $0xF7A  }
0x26: {  	[smem:$0x3F97] =	sst s1;
	(tag) =	ssettag s2;
	_ =	strace s9  }
0x27: {  	s1 =	sld [smem:$0x3FA7]  }
0x28: {  	s2 =	sld [smem:$0x3FA8]  }
0x29: {  	s4 =	sld [smem:$0x3FAA]  }
0x2a: {  	p0 =	seq.s32 s5, $0x0;
	s5 =	sld [smem:$0x3FAB]  }
0x2b: {  	s6 =	sld [smem:$0x3FAC]  }
0x2c: {  	s7 =	sld [smem:$0x3FAD]  }
0x2d: {  	s3 =	simm.s32 $0x108;
	s8 =	sld [smem:$0x3FAE]  }
0x2e: {  	s3 =	simm.s32 @!p0 $0x1082;
	s9 =	sld [smem:$0x3FAF]  }
0x2f: {  	lr =	sadd.s32 s0, s3;
	s0 =	sld [smem:$0x3FA6]  }
0x30: {  	s3 =	sld [smem:$0x3FA9]  }
0x31: {  	[smem:$0x3FB2] =	sst s10  }
0x32: {  	s10 =	sld [smem:$0x3FB0];
	_ =	sdelay $0x3  }
0x33: {  	p0 =	seq.s32 s10, $0x1;
	s10 =	sld [smem:$0x3FB2];
	_ =	sdelay $0x3  }
0x34: {  	[smem:$0x3FB2] =	sst s10  }
0x35: {  	s10 =	sld [smem:$0x3FB1];
	_ =	sdelay $0x3  }
0x36: {  	p1 =	seq.s32 s10, $0x1;
	s10 =	sld [smem:$0x3FB2];
	_ =	sdelay $0x3  }
0x37: {  	[smem:$0x3FB2] =	sst s10  }
0x38: {  	s10 =	sld [smem:$0x3FB3]  }
0x39: {  	_ = 	snop;
	(pc) =	sbr.ind lr, $3  }
0x3a: {  	_ = 	snop  }
0x3b: {  	_ = 	snop  }
0x3c: {  	p2 =	seq.s32 s10, $0x1;
	s10 =	sld [smem:$0x3FB2]  }
0x3d: {  	_ =	shalt  }
0x3e: {  	_ =	shalt  }
0x3f: {  	_ =	shalt  }
0x40: {  	_ =	shalt  }
0x41: {  	_ =	shalt  }
0x42: {  	_ =	shalt  }
0x43: {  	_ =	shalt  }
0x44: {  	_ =	shalt  }
0x45: {  	_ =	shalt  }
0x46: {  	_ =	shalt  }
0x47: {  	_ =	shalt  }
0x48: {  	_ =	shalt  }
0x49: {  	_ =	shalt  }
0x4a: {  	_ =	shalt  }
0x4b: {  	_ =	shalt  }
0x4c: {  	_ =	shalt  }
0x4d: {  	_ =	shalt  }
0x4e: {  	_ =	shalt  }
0x4f: {  	_ =	shalt  }
0x50: {  	_ =	shalt  }
0x51: {  	_ =	shalt  }
0x52: {  	_ =	shalt  }
0x53: {  	_ =	shalt  }
0x54: {  	_ =	shalt  }
0x55: {  	_ =	shalt  }
0x56: {  	_ =	shalt  }
0x57: {  	_ =	shalt  }
0x58: {  	_ =	shalt  }
0x59: {  	_ =	shalt  }
0x5a: {  	_ =	shalt  }
0x5b: {  	_ =	shalt  }
0x5c: {  	_ =	shalt  }
0x5d: {  	_ =	shalt  }
0x5e: {  	_ =	shalt  }
0x5f: {  	_ =	shalt  }
0x60: {  	_ =	shalt  }
0x61: {  	_ =	shalt  }
0x62: {  	_ =	shalt  }
0x63: {  	_ =	shalt  }
0x64: {  	_ =	shalt  }
0x65: {  	_ =	shalt  }
0x66: {  	_ =	shalt  }
0x67: {  	_ =	shalt  }
0x68: {  	_ =	shalt  }
0x69: {  	_ =	shalt  }
0x6a: {  	_ =	shalt  }
0x6b: {  	_ =	shalt  }
0x6c: {  	_ =	shalt  }
0x6d: {  	_ =	shalt  }
0x6e: {  	_ =	shalt  }
0x6f: {  	_ =	shalt  }
0x70: {  	_ =	shalt  }
0x71: {  	_ =	shalt  }
0x72: {  	_ =	shalt  }
0x73: {  	_ =	shalt  }
0x74: {  	_ =	shalt  }
0x75: {  	_ =	shalt  }
0x76: {  	_ =	shalt  }
0x77: {  	_ =	shalt  }
0x78: {  	_ =	shalt  }
0x79: {  	_ =	shalt  }
0x7a: {  	_ =	shalt  }
0x7b: {  	_ =	shalt  }
0x7c: {  	_ =	shalt  }
0x7d: {  	_ =	shalt  }
0x7e: {  	_ =	shalt  }
0x7f: {  	_ =	shalt  }
0x80: {  	_ =	shalt  }
0x81: {  	_ =	shalt  }
0x82: {  	_ =	shalt  }
0x83: {  	_ =	shalt  }
0x84: {  	_ =	shalt  }
0x85: {  	_ =	shalt  }
0x86: {  	_ =	shalt  }
0x87: {  	_ =	shalt  }
.Lfunc_end0:
.L_simem_size_0:
called_computation.1_lowered:
.L_overlay_start_0:
0x88: {  	s2 =	sld [smem:$0x3FD9]  }
0x89: {  	s3 =	sld [smem:$0x3FFE];
	_ =	sdelay $0x1  }
0x8a: {  	s1 =	srdreg.scid  }
0x8b: {  	s0 =	sand.u32 $0x1, s1  }
0x8c: {  	s16 =	sshll.u32 s0, $0xA;
	s2 =	sadd.s32 s3, s2  }
0x8d: {  	s2 =	sadd.s32 s2, s16  }
0x8e: {  	[smem:$0x3FBE] =	sst s2  }
0x8f: {  	_ = 	snop  }
0x90: {  	(tm) =	ssettm $0x1  }
0x91: {  	s17 =	sld [smem:$0x3FFB];
	_ =	sdelay $0x3  }
0x92: {  	_ =	strace s17  }
0x93: {  	s2 =	sld [smem:$0x3FFC];
	_ =	sdelay $0x3  }
0x94: {  	_ =	strace s2  }
0x95: {  	s2 =	sld [smem:$0x3FFD];
	_ =	sdelay $0x3  }
0x96: {  	_ =	strace s2  }
0x97: {  	_ =	strace $0x8FFFFFFF  }
0x98: {  	s18 =	sld [smem:$0x3FDB];
	_ =	sdelay $0x1  }
0x99: {  	s19 =	simm.s32 $_scs_section_size  }
0x9a: {  	s4 =	simm.s32 $_size__tile_overlayer_lowered;
	s5 =	simm.s32 $_tile_overlayer_lowered  }
0x9b: {  	s22 =	simm.s32 $0x1BFF;
	s21 =	sshll.u32 s5, $0x1;
	s2 =	sadd.s32 s19, s18  }
0x9c: {  	s6 =	simm.s32 $0x0;
	s20 =	sshll.u32 s4, $0x1;
	s4 =	sadd.s32 s21, s2  }
0x9d: {  	[timem:s6], [sflag:s22] =	dma.local [hbm:s4], s20  }
0x9e: {  	_ =	swait.ge [sflag:s22], s20  }
0x9f: {  	s3 =	ssub.s32 $0x0, s20;
	[sflag:s22] =	ssyncset.done $0x0  }
0xa0: {  	[sflag:s22] =	ssyncadd.s32 s3;
	_ =	sdelay $0x1  }
0xa1: {  	s23 =	simm.s32 $0x1B8B  }
0xa2: {  	_ =	swait.ge [sflag:s23], $0x1  }
0xa3: {  	[sflag:s23] =	ssyncset.done $0x0  }
0xa4: {  	s25 =	simm.s32 $0x1B8E;
	s24 =	sld [smem:$0x3FFE];
	[sflag:s23] =	ssyncadd.s32 $0xFFFFFFFF  }
0xa5: {  	s26 =	simm.s32 $execute0_lowered;
	[smem:$0x3FD2] =	sst s25  }
0xa6: {  	s4 =	sshll.u32 s26, $0x1;
	_ =	strace $0x80000049;
	[dreg:$0x1] =	wrdreg $0xFFFFFFFF  }
0xa7: {  	s28 =	simm.s32 $_size_execute0_lowered;
	s2 =	sadd.s32 s2, s4;
	[dreg:$0x0] =	wrdreg $0x0  }
0xa8: {  	s4 =	sshll.u32 s28, $0x1;
	[dreg:$0x2] =	wrdreg s2  }
0xa9: {  	[dreg:$0x3] =	wrdreg s4  }
0xaa: {  	[dreg:$0x4] =	wrdreg $0xC0  }
0xab: {  	_ =	task [dreg:s6], $0x5FFFF  }
0xac: {  	[dreg:$0x1] =	wrdreg $0xFFFFFFFF  }
0xad: {  	[dreg:$0x0] =	wrdreg $0x60  }
0xae: {  	[dreg:$0x2] =	wrdreg s24  }
0xaf: {  	[dreg:$0x3] =	wrdreg $0x150000  }
0xb0: {  	[dreg:$0x4] =	wrdreg $0x9  }
0xb1: {  	_ =	task.clear_ibuf [dreg:s6], $0x5FFFF;
	_ =	strace $0x90000049  }
0xb2: {  	s29 =	simm.s32 $0x9;
	_ =	strace $0x8000004B  }
0xb3: {  	_ =	swait.ge [sflag:s29], $0x1  }
0xb4: {  	[sflag:s29] =	ssyncadd.s32 $0xFFFFFFFF  }
0xb5: {  	_ =	strace $0x9000004B  }
0xb6: {  	_ =	sfence  }
0xb7: {  	s30 =	sld [smem:$0x0];
	_ =	sdelay $0x2  }
0xb8: {  	s31 =	sshll.u32 s1, $0xD;
	s1 =	sshrl.u32 s1, $0x2  }
0xb9: {  	s3 =	sand.u32 $0x4000, s31;
	s1 =	sadd.s32 s1, s30  }
0xba: {  	s0 =	sor.u32 s3, s0;
	s1 =	sshll.u32 s1, $0x11  }
0xbb: {  	s0 =	sor.u32 s1, s0  }
0xbc: {  	s0 =	sadd.s32 $0x8F2B, s0  }
0xbd: {  	[sflag:s0] =	ssyncadd.remote.s32 $0x1  }
0xbe: {  	_ =	sfence.sel $0xFFFF  }
0xbf: {  	[dreg:$0x0] =	wrdreg $0xFFFFFFFF;
	(pc) =	sbr.abs _section_cstart, $3  }
0xc0: {  	[dreg:$0x1] =	wrdreg $0xFFFFFFFF  }
0xc1: {  	_ =	task.clear_ibuf [dreg:s6], $0x2FFFF;
	_ =	strace $0x9FFFFFFF  }
0xc2: {  	(tm) =	ssettm $0x7FFFFFFF  }
0xc3: {  	_ =	shalt  }
tec
execute0_lowered:
.L_overlay_start_1:
0x0: {  	(tag) =	ssettag $0x1  }
0x1: {  	s0 =	srdreg.scid  }
0x2: {  	s1 =	rddreg [dreg:$0x0];
	s9 =	stileid.u32  }
0x3: {  	s2 =	rddreg [dreg:$0x1];
	s4 =	simm.s32 $0x0;
	s12 =	simm.s32 $0x11  }
0x4: {  	s13 =	simm.s32 $0x80;
	s14 =	simm.s32 $0x5000;
	s15 =	simm.s32 $0x7000  }
0x5: {  	s16 =	simm.s32 $0x9000;
	s17 =	simm.s32 $0xB000;
	s18 =	simm.s32 $0xD000  }
0x6: {  	s19 =	simm.s32 $0xF000;
	s20 =	simm.s32 $0x11000;
	s28 =	simm.s32 $0x5  }
0x7: {  	s29 =	simm.s32 $0x6;
	s30 =	simm.s32 $0x7;
	s31 =	simm.s32 $0x8  }
0x8: {  	s10 =	simm.s32 $0xB;
	s0 =	sand.u32 $0x1, s0;
	[smem:$0x7FF] =	sst s4  }
0x9: {  	s5 =	smul.u32 $0xA000, s9;
	s4 =	sadd.s32 $0x78800, s1;
	s25 =	sshll.u32 s9, $0x6  }
0xa: {  	s3 =	sshll.u32 s0, $0x4;
	_ =	strace $0x8000004A;
	s6 =	smul.u32 $0x14000, s0  }
0xb: {  	s0 =	ssub.s32 $0x2, s0;
	s11 =	sor.u32 $0x1C11, s25;
	s25 =	simm.s32 $0x3  }
0xc: {  	s3 =	sor.u32 s9, s3;
	s7 =	sshrl.u32 s5, $0x3;
	s21 =	sshrl.u32 s0, $0x1  }
0xd: {  	s23 =	sadd.s32 s5, s2;
	s5 =	simm.s32 $0xD;
	s9 =	simm.s32 $0x0  }
0xe: {  	[dreg:$0x7] =	wrdreg s11;
	s3 =	smul.u32 $0x500, s3;
	s8 =	sadd.s32 s7, s1  }
0xf: {  	s0 =	ssub.s32 s0, s21;
	s21 =	simm.s32 $0x13000;
	[dreg:$0xa] =	wrdreg s9  }
0x10: {  	s24 =	sadd.s32 $0x8C800, s8;
	s0 =	smax.u32 s0, $0x1;
	s8 =	simm.s32 $0x10  }
0x11: {  	s3 =	sadd.s32 s3, s1;
	s1 =	sadd.s32 s6, s1;
	[dreg:$0x5] =	wrdreg s24  }
0x12: {  	[dreg:$0x6] =	wrdreg s0;
	s24 =	sshrl.u32 s23, $0x3;
	s23 =	simm.s32 $0x2  }
0x13: {  	s0 =	simm.s32 $0xA;
	s22 =	sadd.s32 $0xF800, s3;
	[dreg:$0x8] =	wrdreg s24  }
0x14: {  	s6 =	simm.s32 $0xE;
	s3 =	sadd.s32 $0x5800, s3;
	[dreg:$0x3] =	wrdreg s22  }
0x15: {  	s1 =	sadd.s32 $0xA0800, s1;
	[dreg:$0x4] =	wrdreg s3;
	s22 =	simm.s32 $0x1  }
0x16: {  	s26 =	sadd.s32 s7, s1;
	s1 =	simm.s32 $0x9;
	s3 =	simm.s32 $0xC  }
0x17: {  	s7 =	simm.s32 $0xF;
	[dreg:$0x9] =	wrdreg s26;
	s26 =	simm.s32 $0x4  }
.LBB2_1:
0x18: {  	s9 =	simm.s32 $0x0;
	s11 =	rddreg [dreg:$0x3]  }
0x19: {  	[tilespmem:s9], [sflag:$0x11] =	stream.linear.gather [hbm4b:s11+s9], $0x2800, $0x38;
	[tilespmem:$0x1F000] =	vst v63  }
0x1a: {  	_ =	swait.ge [sflag:s12], $0x2800  }
0x1b: {  	[sflag:s12] =	ssyncset.done $0x0  }
0x1c: {  	s24 =	simm.s32 $0x2800;
	s11 =	rddreg [dreg:$0x4];
	[sflag:s12] =	ssyncadd.s32 $0xFFFFD800  }
0x1d: {  	[tilespmem:s24], [sflag:$0x11] =	stream.linear.gather [hbm4b:s11+s9], $0x2800, $0x38;
	[tilespmem:$0x1F000] =	vst v63  }
0x1e: {  	_ =	swait.ge [sflag:s12], $0x2800  }
0x1f: {  	s9 =	rddreg [dreg:$0x5]  }
0x20: {  	[sflag:s12] =	ssyncset.done $0x0;
	s11 =	rddreg [dreg:$0x7]  }
0x21: {  	s24 =	rddreg [dreg:$0x8];
	[sflag:s12] =	ssyncadd.s32 $0xFFFFD800  }
0x22: {  	[spmem:s24], [sflag:s11] =	dma.local [hbm:s9], $0x1400  }
0x23: {  	_ =	swait.ge [sflag:s12], $0x1400  }
0x24: {  	[sflag:s12] =	ssyncset.done $0x0  }
0x25: {  	s11 =	simm.s32 $0x0;
	[sflag:s12] =	ssyncadd.s32 $0xFFFFEC00  }
0x26: {  	v6 =	vld [tilespmem:s11+$0x0]  }
0x27: {  	v13 =	vld [tilespmem:s11+$0x10]  }
0x28: {  	v5 =	vld [tilespmem:s11+$0x20]  }
0x29: {  	v4 =	vld [tilespmem:s11+$0x30]  }
0x2a: {  	v3 =	vld [tilespmem:s11+$0x40]  }
0x2b: {  	v2 =	vld [tilespmem:s11+$0x50]  }
0x2c: {  	v1 =	vld [tilespmem:s11+$0x60]  }
0x2d: {  	v0 =	vld [tilespmem:s11+$0x70]  }
0x2e: {  	v12 =	vld [tilespmem:s11+$0x2800]  }
0x2f: {  	v11 =	vld [tilespmem:s11+$0x2810]  }
0x30: {  	v10 =	vld [tilespmem:s11+$0x2820]  }
0x31: {  	v9 =	vld [tilespmem:s11+$0x2830]  }
0x32: {  	v8 =	vld [tilespmem:s11+$0x2840]  }
0x33: {  	v7 =	vld [tilespmem:s11+$0x2850];
	vm0 =	veq.s32 v6, v12  }
0x34: {  	s9 =	simm.s32 $0x200;
	v6 =	vld [tilespmem:s11+$0x2860];
	v12 =	vsel vm0, $0x2710, v12;
	vm0 =	veq.s32 v13, v11  }
.LBB2_2:
0x35: {  	s12 =	sshra.s32 s9, $0x2;
	p0 =	sne.s32 s9, $0x9E00;
	[tilespmem:s11+$0x2800] =	vst v12;
	v11 =	vsel vm0, $0x2710, v11;
	vm0 =	veq.s32 v5, v10;
	v12 =	vld [tilespmem:s11+$0x2870]  }
0x36: {  	v13 =	vld [tilespmem:s12+$0x0];
	[tilespmem:s11+$0x2810] =	vst v11;
	v5 =	vsel vm0, $0x2710, v10;
	vm0 =	veq.s32 v4, v9  }
0x37: {  	v14 =	vld [tilespmem:s12+$0x10];
	[tilespmem:s11+$0x2820] =	vst v5;
	v4 =	vsel vm0, $0x2710, v9;
	vm0 =	veq.s32 v3, v8  }
0x38: {  	v5 =	vld [tilespmem:s12+$0x20];
	[tilespmem:s11+$0x2830] =	vst v4;
	v3 =	vsel vm0, $0x2710, v8;
	vm0 =	veq.s32 v2, v7  }
0x39: {  	v4 =	vld [tilespmem:s12+$0x30];
	[tilespmem:s11+$0x2840] =	vst v3;
	v2 =	vsel vm0, $0x2710, v7;
	vm0 =	veq.s32 v1, v6  }
0x3a: {  	v3 =	vld [tilespmem:s12+$0x40];
	[tilespmem:s11+$0x2850] =	vst v2;
	v1 =	vsel vm0, $0x2710, v6;
	vm0 =	veq.s32 v0, v12  }
0x3b: {  	v2 =	vld [tilespmem:s12+$0x50];
	[tilespmem:s11+$0x2860] =	vst v1;
	v0 =	vsel vm0, $0x2710, v12  }
0x3c: {  	v1 =	vld [tilespmem:s12+$0x60];
	[tilespmem:s11+$0x2870] =	vst v0;
	s11 =	smov.u32 s12  }
0x3d: {  	v0 =	vld [tilespmem:s11+$0x70]  }
0x3e: {  	v6 =	vld [tilespmem:s11+$0x2800]  }
0x3f: {  	v11 =	vld [tilespmem:s11+$0x2810]  }
.Ltmp0:
0x40: {  	v10 =	vld [tilespmem:s11+$0x2820];
	(pc) =	sbr.rel @p0 .LBB2_2-.Ltmp0, $4  }
0x41: {  	v9 =	vld [tilespmem:s11+$0x2830]  }
0x42: {  	v8 =	vld [tilespmem:s11+$0x2840]  }
0x43: {  	vm0 =	veq.s32 v13, v6;
	v7 =	vld [tilespmem:s11+$0x2850]  }
0x44: {  	s9 =	sadd.s32 $0x200, s9;
	v12 =	vsel vm0, $0x2710, v6;
	vm0 =	veq.s32 v14, v11;
	v6 =	vld [tilespmem:s11+$0x2860]  }
0x45: {  	[tilespmem:s11+$0x2800] =	vst v12;
	v11 =	vsel vm0, $0x2710, v11;
	vm10 =	veq.s32 v5, v10;
	v63 =	vld [tilespmem:s11+$0x2870]  }
0x46: {  	[tilespmem:s11+$0x2810] =	vst v11;
	v10 =	vsel vm10, $0x2710, v10;
	vm11 =	veq.s32 v4, v9  }
0x47: {  	[tilespmem:s11+$0x2820] =	vst v10;
	v4 =	vsel vm11, $0x2710, v9;
	vm12 =	veq.s32 v3, v8  }
0x48: {  	[tilespmem:s11+$0x2830] =	vst v4;
	v3 =	vsel vm12, $0x2710, v8;
	vm13 =	veq.s32 v2, v7  }
0x49: {  	[tilespmem:s11+$0x2840] =	vst v3;
	v2 =	vsel vm13, $0x2710, v7;
	vm14 =	veq.s32 v1, v6  }
0x4a: {  	[tilespmem:s11+$0x2850] =	vst v2;
	v1 =	vsel vm14, $0x2710, v6;
	vm15 =	veq.s32 v0, v63  }
0x4b: {  	[tilespmem:s11+$0x2860] =	vst v1;
	v0 =	vsel vm15, $0x2710, v63  }
0x4c: {  	[tilespmem:s11+$0x2870] =	vst v0  }
0x4d: {  	s9 =	simm.s32 $0x0;
	[bflag:$0x0] =	sbarrier.arrive $0xFFFF  }
0x4e: {  	[tilespmem:s14], [sflag:$0x1] =	stream.indirect.gather [hbm4b:s4+s13], $0x40, s9, s13, $0xb8;
	[tilespmem:$0x1F000] =	vst v63  }
0x4f: {  	s11 =	simm.s32 $0x80  }
0x50: {  	[tilespmem:s15], [sflag:$0x2] =	stream.indirect.gather [hbm4b:s4+s13], $0x40, s11, s13, $0xb8;
	[tilespmem:$0x1F000] =	vst v63  }
0x51: {  	s12 =	simm.s32 $0x100  }
0x52: {  	[tilespmem:s16], [sflag:$0x3] =	stream.indirect.gather [hbm4b:s4+s13], $0x40, s12, s13, $0xb8;
	[tilespmem:$0x1F000] =	vst v63  }
0x53: {  	s24 =	simm.s32 $0x180  }
0x54: {  	[tilespmem:s17], [sflag:$0x4] =	stream.indirect.gather [hbm4b:s4+s13], $0x40, s24, s13, $0xb8;
	[tilespmem:$0x1F000] =	vst v63  }
0x55: {  	s11 =	simm.s32 $0x200  }
0x56: {  	[tilespmem:s18], [sflag:$0x5] =	stream.indirect.gather [hbm4b:s4+s13], $0x40, s11, s13, $0xb8;
	[tilespmem:$0x1F000] =	vst v63  }
0x57: {  	s12 =	simm.s32 $0x280  }
0x58: {  	[tilespmem:s19], [sflag:$0x6] =	stream.indirect.gather [hbm4b:s4+s13], $0x40, s12, s13, $0xb8;
	[tilespmem:$0x1F000] =	vst v63  }
0x59: {  	s24 =	simm.s32 $0x300  }
0x5a: {  	[tilespmem:s20], [sflag:$0x7] =	stream.indirect.gather [hbm4b:s4+s13], $0x40, s24, s13, $0xb8;
	[tilespmem:$0x1F000] =	vst v63  }
0x5b: {  	s11 =	simm.s32 $0x380  }
0x5c: {  	[tilespmem:s21], [sflag:$0x8] =	stream.indirect.gather [hbm4b:s4+s13], $0x40, s11, s13, $0xb8;
	[tilespmem:$0x1F000] =	vst v63  }
0x5d: {  	_ =	swait.ge [sflag:s22], $0x2000  }
0x5e: {  	[sflag:s22] =	ssyncset.done $0x0  }
0x5f: {  	s12 =	simm.s32 $0x2800;
	[sflag:s22] =	ssyncadd.s32 $0xFFFFE000  }
0x60: {  	[spmem:s2] =	stream.indirect.scatter.add.f32 [tilespmem:s14], [sflag:$0x9], $0x40, s12, s13, $0xb8;
	[tilespmem:$0x1F000] =	vst v63  }
0x61: {  	_ =	swait.ge [sflag:s23], $0x2000  }
0x62: {  	[sflag:s23] =	ssyncset.done $0x0  }
0x63: {  	s24 =	simm.s32 $0x2880;
	[sflag:s23] =	ssyncadd.s32 $0xFFFFE000  }
0x64: {  	[spmem:s2] =	stream.indirect.scatter.add.f32 [tilespmem:s15], [sflag:$0xA], $0x40, s24, s13, $0xb8;
	[tilespmem:$0x1F000] =	vst v63  }
0x65: {  	_ =	swait.ge [sflag:s25], $0x2000  }
0x66: {  	[sflag:s25] =	ssyncset.done $0x0  }
0x67: {  	s11 =	simm.s32 $0x2900;
	[sflag:s25] =	ssyncadd.s32 $0xFFFFE000  }
0x68: {  	[spmem:s2] =	stream.indirect.scatter.add.f32 [tilespmem:s16], [sflag:$0xB], $0x40, s11, s13, $0xb8;
	[tilespmem:$0x1F000] =	vst v63  }
0x69: {  	_ =	swait.ge [sflag:s26], $0x2000  }
0x6a: {  	[sflag:s26] =	ssyncset.done $0x0  }
0x6b: {  	s12 =	simm.s32 $0x2980;
	[sflag:s26] =	ssyncadd.s32 $0xFFFFE000  }
0x6c: {  	[spmem:s2] =	stream.indirect.scatter.add.f32 [tilespmem:s17], [sflag:$0xC], $0x40, s12, s13, $0xb8;
	[tilespmem:$0x1F000] =	vst v63  }
0x6d: {  	_ =	swait.ge [sflag:s28], $0x2000  }
0x6e: {  	[sflag:s28] =	ssyncset.done $0x0  }
0x6f: {  	s24 =	simm.s32 $0x2A00;
	[sflag:s28] =	ssyncadd.s32 $0xFFFFE000  }
0x70: {  	[spmem:s2] =	stream.indirect.scatter.add.f32 [tilespmem:s18], [sflag:$0xD], $0x40, s24, s13, $0xb8;
	[tilespmem:$0x1F000] =	vst v63  }
0x71: {  	_ =	swait.ge [sflag:s29], $0x2000  }
0x72: {  	[sflag:s29] =	ssyncset.done $0x0  }
0x73: {  	s11 =	simm.s32 $0x2A80;
	[sflag:s29] =	ssyncadd.s32 $0xFFFFE000  }
0x74: {  	[spmem:s2] =	stream.indirect.scatter.add.f32 [tilespmem:s19], [sflag:$0xE], $0x40, s11, s13, $0xb8;
	[tilespmem:$0x1F000] =	vst v63  }
0x75: {  	_ =	swait.ge [sflag:s30], $0x2000  }
0x76: {  	[sflag:s30] =	ssyncset.done $0x0  }
0x77: {  	s12 =	simm.s32 $0x2B00;
	[sflag:s30] =	ssyncadd.s32 $0xFFFFE000  }
0x78: {  	[spmem:s2] =	stream.indirect.scatter.add.f32 [tilespmem:s20], [sflag:$0xF], $0x40, s12, s13, $0xb8;
	[tilespmem:$0x1F000] =	vst v63  }
0x79: {  	_ =	swait.ge [sflag:s31], $0x2000  }
0x7a: {  	[sflag:s31] =	ssyncset.done $0x0  }
0x7b: {  	s24 =	simm.s32 $0x2B80;
	[sflag:s31] =	ssyncadd.s32 $0xFFFFE000  }
0x7c: {  	[spmem:s2] =	stream.indirect.scatter.add.f32 [tilespmem:s21], [sflag:$0x10], $0x40, s24, s13, $0xb8;
	[tilespmem:$0x1F000] =	vst v63  }
0x7d: {  	_ =	swait.ge [sflag:s1], $0x2000  }
0x7e: {  	[sflag:s1] =	ssyncset.done $0x0  }
0x7f: {  	[sflag:s1] =	ssyncadd.s32 $0xFFFFE000  }
0x80: {  	_ =	swait.ge [sflag:s0], $0x2000  }
0x81: {  	[sflag:s0] =	ssyncset.done $0x0  }
0x82: {  	[sflag:s0] =	ssyncadd.s32 $0xFFFFE000  }
0x83: {  	_ =	swait.ge [sflag:s10], $0x2000  }
0x84: {  	[sflag:s10] =	ssyncset.done $0x0  }
0x85: {  	[sflag:s10] =	ssyncadd.s32 $0xFFFFE000  }
0x86: {  	_ =	swait.ge [sflag:s3], $0x2000  }
0x87: {  	[sflag:s3] =	ssyncset.done $0x0  }
0x88: {  	[sflag:s3] =	ssyncadd.s32 $0xFFFFE000  }
0x89: {  	_ =	swait.ge [sflag:s5], $0x2000  }
0x8a: {  	[sflag:s5] =	ssyncset.done $0x0  }
0x8b: {  	[sflag:s5] =	ssyncadd.s32 $0xFFFFE000  }
0x8c: {  	_ =	swait.ge [sflag:s6], $0x2000  }
0x8d: {  	[sflag:s6] =	ssyncset.done $0x0  }
0x8e: {  	[sflag:s6] =	ssyncadd.s32 $0xFFFFE000  }
0x8f: {  	_ =	swait.ge [sflag:s7], $0x2000  }
0x90: {  	[sflag:s7] =	ssyncset.done $0x0  }
0x91: {  	[sflag:s7] =	ssyncadd.s32 $0xFFFFE000  }
0x92: {  	_ =	swait.ge [sflag:s8], $0x2000  }
0x93: {  	s11 =	simm.s32 $0x1000;
	s12 =	simm.s32 $0x2000;
	[sflag:s8] =	ssyncset.done $0x0  }
.LBB2_4:
0x94: {  	s9 =	sshra.s32 s11, $0x2  }
0x95: {  	[sflag:s8] =	ssyncadd.s32 $0xFFFFE000;
	s11 =	smov.u32 s12;
	s24 =	sadd.s32 $0x1000, s12  }
0x96: {  	[tilespmem:s14], [sflag:$0x1] =	stream.indirect.gather [hbm4b:s4+s13], $0x40, s9, s13, $0xb8;
	[tilespmem:$0x1F000] =	vst v63  }
0x97: {  	p0 =	sne.s32 s12, $0x9000;
	s12 =	sadd.s32 $0x80, s9  }
0x98: {  	[tilespmem:s15], [sflag:$0x2] =	stream.indirect.gather [hbm4b:s4+s13], $0x40, s12, s13, $0xb8;
	[tilespmem:$0x1F000] =	vst v63  }
0x99: {  	s12 =	sadd.s32 $0x100, s9  }
0x9a: {  	[tilespmem:s16], [sflag:$0x3] =	stream.indirect.gather [hbm4b:s4+s13], $0x40, s12, s13, $0xb8;
	[tilespmem:$0x1F000] =	vst v63  }
0x9b: {  	s12 =	sadd.s32 $0x180, s9  }
0x9c: {  	[tilespmem:s17], [sflag:$0x4] =	stream.indirect.gather [hbm4b:s4+s13], $0x40, s12, s13, $0xb8;
	[tilespmem:$0x1F000] =	vst v63  }
0x9d: {  	s12 =	sadd.s32 $0x200, s9  }
0x9e: {  	[tilespmem:s18], [sflag:$0x5] =	stream.indirect.gather [hbm4b:s4+s13], $0x40, s12, s13, $0xb8;
	[tilespmem:$0x1F000] =	vst v63  }
0x9f: {  	s12 =	sadd.s32 $0x280, s9  }
0xa0: {  	[tilespmem:s19], [sflag:$0x6] =	stream.indirect.gather [hbm4b:s4+s13], $0x40, s12, s13, $0xb8;
	[tilespmem:$0x1F000] =	vst v63  }
0xa1: {  	s12 =	sadd.s32 $0x300, s9  }
0xa2: {  	[tilespmem:s20], [sflag:$0x7] =	stream.indirect.gather [hbm4b:s4+s13], $0x40, s12, s13, $0xb8;
	[tilespmem:$0x1F000] =	vst v63  }
0xa3: {  	s12 =	sadd.s32 $0x380, s9  }
0xa4: {  	[tilespmem:s21], [sflag:$0x8] =	stream.indirect.gather [hbm4b:s4+s13], $0x40, s12, s13, $0xb8;
	[tilespmem:$0x1F000] =	vst v63  }
0xa5: {  	_ =	swait.ge [sflag:s22], $0x2000  }
0xa6: {  	[sflag:s22] =	ssyncset.done $0x0  }
0xa7: {  	s12 =	sadd.s32 $0x2800, s9;
	[sflag:s22] =	ssyncadd.s32 $0xFFFFE000  }
0xa8: {  	[spmem:s2] =	stream.indirect.scatter.add.f32 [tilespmem:s14], [sflag:$0x9], $0x40, s12, s13, $0xb8;
	[tilespmem:$0x1F000] =	vst v63  }
0xa9: {  	_ =	swait.ge [sflag:s23], $0x2000  }
0xaa: {  	[sflag:s23] =	ssyncset.done $0x0  }
0xab: {  	s12 =	sadd.s32 $0x2880, s9;
	[sflag:s23] =	ssyncadd.s32 $0xFFFFE000  }
0xac: {  	[spmem:s2] =	stream.indirect.scatter.add.f32 [tilespmem:s15], [sflag:$0xA], $0x40, s12, s13, $0xb8;
	[tilespmem:$0x1F000] =	vst v63  }
0xad: {  	_ =	swait.ge [sflag:s25], $0x2000  }
0xae: {  	[sflag:s25] =	ssyncset.done $0x0  }
0xaf: {  	s12 =	sadd.s32 $0x2900, s9;
	[sflag:s25] =	ssyncadd.s32 $0xFFFFE000  }
0xb0: {  	[spmem:s2] =	stream.indirect.scatter.add.f32 [tilespmem:s16], [sflag:$0xB], $0x40, s12, s13, $0xb8;
	[tilespmem:$0x1F000] =	vst v63  }
0xb1: {  	_ =	swait.ge [sflag:s26], $0x2000  }
0xb2: {  	[sflag:s26] =	ssyncset.done $0x0  }
0xb3: {  	s12 =	sadd.s32 $0x2980, s9;
	[sflag:s26] =	ssyncadd.s32 $0xFFFFE000  }
0xb4: {  	[spmem:s2] =	stream.indirect.scatter.add.f32 [tilespmem:s17], [sflag:$0xC], $0x40, s12, s13, $0xb8;
	[tilespmem:$0x1F000] =	vst v63  }
0xb5: {  	_ =	swait.ge [sflag:s28], $0x2000  }
0xb6: {  	[sflag:s28] =	ssyncset.done $0x0  }
0xb7: {  	s12 =	sadd.s32 $0x2A00, s9;
	[sflag:s28] =	ssyncadd.s32 $0xFFFFE000  }
0xb8: {  	[spmem:s2] =	stream.indirect.scatter.add.f32 [tilespmem:s18], [sflag:$0xD], $0x40, s12, s13, $0xb8;
	[tilespmem:$0x1F000] =	vst v63  }
0xb9: {  	_ =	swait.ge [sflag:s29], $0x2000  }
0xba: {  	[sflag:s29] =	ssyncset.done $0x0  }
0xbb: {  	s12 =	sadd.s32 $0x2A80, s9;
	[sflag:s29] =	ssyncadd.s32 $0xFFFFE000  }
0xbc: {  	[spmem:s2] =	stream.indirect.scatter.add.f32 [tilespmem:s19], [sflag:$0xE], $0x40, s12, s13, $0xb8;
	[tilespmem:$0x1F000] =	vst v63  }
0xbd: {  	_ =	swait.ge [sflag:s30], $0x2000  }
0xbe: {  	[sflag:s30] =	ssyncset.done $0x0  }
0xbf: {  	s12 =	sadd.s32 $0x2B00, s9;
	[sflag:s30] =	ssyncadd.s32 $0xFFFFE000  }
0xc0: {  	[spmem:s2] =	stream.indirect.scatter.add.f32 [tilespmem:s20], [sflag:$0xF], $0x40, s12, s13, $0xb8;
	[tilespmem:$0x1F000] =	vst v63  }
0xc1: {  	_ =	swait.ge [sflag:s31], $0x2000  }
0xc2: {  	[sflag:s31] =	ssyncset.done $0x0  }
0xc3: {  	s9 =	sadd.s32 $0x2B80, s9;
	[sflag:s31] =	ssyncadd.s32 $0xFFFFE000  }
0xc4: {  	[spmem:s2] =	stream.indirect.scatter.add.f32 [tilespmem:s21], [sflag:$0x10], $0x40, s9, s13, $0xb8;
	[tilespmem:$0x1F000] =	vst v63  }
0xc5: {  	_ =	swait.ge [sflag:s1], $0x2000  }
0xc6: {  	[sflag:s1] =	ssyncset.done $0x0  }
0xc7: {  	[sflag:s1] =	ssyncadd.s32 $0xFFFFE000  }
0xc8: {  	_ =	swait.ge [sflag:s0], $0x2000  }
0xc9: {  	[sflag:s0] =	ssyncset.done $0x0  }
0xca: {  	[sflag:s0] =	ssyncadd.s32 $0xFFFFE000  }
0xcb: {  	_ =	swait.ge [sflag:s10], $0x2000  }
0xcc: {  	[sflag:s10] =	ssyncset.done $0x0  }
0xcd: {  	[sflag:s10] =	ssyncadd.s32 $0xFFFFE000  }
0xce: {  	_ =	swait.ge [sflag:s3], $0x2000  }
0xcf: {  	[sflag:s3] =	ssyncset.done $0x0  }
0xd0: {  	[sflag:s3] =	ssyncadd.s32 $0xFFFFE000  }
0xd1: {  	_ =	swait.ge [sflag:s5], $0x2000  }
0xd2: {  	[sflag:s5] =	ssyncset.done $0x0  }
0xd3: {  	[sflag:s5] =	ssyncadd.s32 $0xFFFFE000  }
0xd4: {  	_ =	swait.ge [sflag:s6], $0x2000  }
0xd5: {  	[sflag:s6] =	ssyncset.done $0x0  }
0xd6: {  	[sflag:s6] =	ssyncadd.s32 $0xFFFFE000  }
.Ltmp1:
0xd7: {  	_ =	swait.ge [sflag:s7], $0x2000;
	(pc) =	sbr.rel @p0 .LBB2_4-.Ltmp1, $4  }
0xd8: {  	[sflag:s7] =	ssyncset.done $0x0  }
0xd9: {  	[sflag:s7] =	ssyncadd.s32 $0xFFFFE000  }
0xda: {  	_ =	swait.ge [sflag:s8], $0x2000  }
0xdb: {  	s12 =	smov.u32 s24;
	[sflag:s8] =	ssyncset.done $0x0  }
0xdc: {  	s9 =	sshra.s32 s11, $0x2;
	[sflag:s8] =	ssyncadd.s32 $0xFFFFE000  }
0xdd: {  	[tilespmem:s14], [sflag:$0x1] =	stream.indirect.gather [hbm4b:s4+s13], $0x40, s9, s13, $0xb8;
	[tilespmem:$0x1F000] =	vst v63  }
0xde: {  	s11 =	sadd.s32 $0x80, s9  }
0xdf: {  	[tilespmem:s15], [sflag:$0x2] =	stream.indirect.gather [hbm4b:s4+s13], $0x40, s11, s13, $0xb8;
	[tilespmem:$0x1F000] =	vst v63  }
0xe0: {  	s24 =	sadd.s32 $0x100, s9  }
0xe1: {  	[tilespmem:s16], [sflag:$0x3] =	stream.indirect.gather [hbm4b:s4+s13], $0x40, s24, s13, $0xb8;
	[tilespmem:$0x1F000] =	vst v63  }
0xe2: {  	s12 =	sadd.s32 $0x180, s9  }
0xe3: {  	[tilespmem:s17], [sflag:$0x4] =	stream.indirect.gather [hbm4b:s4+s13], $0x40, s12, s13, $0xb8;
	[tilespmem:$0x1F000] =	vst v63  }
0xe4: {  	s24 =	sadd.s32 $0x200, s9  }
0xe5: {  	[tilespmem:s18], [sflag:$0x5] =	stream.indirect.gather [hbm4b:s4+s13], $0x40, s24, s13, $0xb8;
	[tilespmem:$0x1F000] =	vst v63  }
0xe6: {  	s12 =	sadd.s32 $0x280, s9  }
0xe7: {  	[tilespmem:s19], [sflag:$0x6] =	stream.indirect.gather [hbm4b:s4+s13], $0x40, s12, s13, $0xb8;
	[tilespmem:$0x1F000] =	vst v63  }
0xe8: {  	s24 =	sadd.s32 $0x300, s9  }
0xe9: {  	[tilespmem:s20], [sflag:$0x7] =	stream.indirect.gather [hbm4b:s4+s13], $0x40, s24, s13, $0xb8;
	[tilespmem:$0x1F000] =	vst v63  }
0xea: {  	s12 =	sadd.s32 $0x380, s9  }
0xeb: {  	[tilespmem:s21], [sflag:$0x8] =	stream.indirect.gather [hbm4b:s4+s13], $0x40, s12, s13, $0xb8;
	[tilespmem:$0x1F000] =	vst v63  }
0xec: {  	_ =	swait.ge [sflag:s22], $0x2000  }
0xed: {  	[sflag:s22] =	ssyncset.done $0x0  }
0xee: {  	s24 =	sadd.s32 $0x2800, s9;
	[sflag:s22] =	ssyncadd.s32 $0xFFFFE000  }
0xef: {  	[spmem:s2] =	stream.indirect.scatter.add.f32 [tilespmem:s14], [sflag:$0x9], $0x40, s24, s13, $0xb8;
	[tilespmem:$0x1F000] =	vst v63  }
0xf0: {  	_ =	swait.ge [sflag:s23], $0x2000  }
0xf1: {  	[sflag:s23] =	ssyncset.done $0x0  }
0xf2: {  	s12 =	sadd.s32 $0x2880, s9;
	[sflag:s23] =	ssyncadd.s32 $0xFFFFE000  }
0xf3: {  	[spmem:s2] =	stream.indirect.scatter.add.f32 [tilespmem:s15], [sflag:$0xA], $0x40, s12, s13, $0xb8;
	[tilespmem:$0x1F000] =	vst v63  }
0xf4: {  	_ =	swait.ge [sflag:s25], $0x2000  }
0xf5: {  	[sflag:s25] =	ssyncset.done $0x0  }
0xf6: {  	s24 =	sadd.s32 $0x2900, s9;
	[sflag:s25] =	ssyncadd.s32 $0xFFFFE000  }
0xf7: {  	[spmem:s2] =	stream.indirect.scatter.add.f32 [tilespmem:s16], [sflag:$0xB], $0x40, s24, s13, $0xb8;
	[tilespmem:$0x1F000] =	vst v63  }
0xf8: {  	_ =	swait.ge [sflag:s26], $0x2000  }
0xf9: {  	[sflag:s26] =	ssyncset.done $0x0  }
0xfa: {  	s12 =	sadd.s32 $0x2980, s9;
	[sflag:s26] =	ssyncadd.s32 $0xFFFFE000  }
0xfb: {  	[spmem:s2] =	stream.indirect.scatter.add.f32 [tilespmem:s17], [sflag:$0xC], $0x40, s12, s13, $0xb8;
	[tilespmem:$0x1F000] =	vst v63  }
0xfc: {  	_ =	swait.ge [sflag:s28], $0x2000  }
0xfd: {  	[sflag:s28] =	ssyncset.done $0x0  }
0xfe: {  	s24 =	sadd.s32 $0x2A00, s9;
	[sflag:s28] =	ssyncadd.s32 $0xFFFFE000  }
0xff: {  	[spmem:s2] =	stream.indirect.scatter.add.f32 [tilespmem:s18], [sflag:$0xD], $0x40, s24, s13, $0xb8;
	[tilespmem:$0x1F000] =	vst v63  }
0x100: {  	_ =	swait.ge [sflag:s29], $0x2000  }
0x101: {  	[sflag:s29] =	ssyncset.done $0x0  }
0x102: {  	s12 =	sadd.s32 $0x2A80, s9;
	[sflag:s29] =	ssyncadd.s32 $0xFFFFE000  }
0x103: {  	[spmem:s2] =	stream.indirect.scatter.add.f32 [tilespmem:s19], [sflag:$0xE], $0x40, s12, s13, $0xb8;
	[tilespmem:$0x1F000] =	vst v63  }
0x104: {  	_ =	swait.ge [sflag:s30], $0x2000  }
0x105: {  	[sflag:s30] =	ssyncset.done $0x0  }
0x106: {  	s24 =	sadd.s32 $0x2B00, s9;
	[sflag:s30] =	ssyncadd.s32 $0xFFFFE000  }
0x107: {  	[spmem:s2] =	stream.indirect.scatter.add.f32 [tilespmem:s20], [sflag:$0xF], $0x40, s24, s13, $0xb8;
	[tilespmem:$0x1F000] =	vst v63  }
0x108: {  	_ =	swait.ge [sflag:s31], $0x2000  }
0x109: {  	[sflag:s31] =	ssyncset.done $0x0  }
0x10a: {  	s9 =	sadd.s32 $0x2B80, s9;
	[sflag:s31] =	ssyncadd.s32 $0xFFFFE000  }
0x10b: {  	[spmem:s2] =	stream.indirect.scatter.add.f32 [tilespmem:s21], [sflag:$0x10], $0x40, s9, s13, $0xb8;
	[tilespmem:$0x1F000] =	vst v63  }
0x10c: {  	_ =	swait.ge [sflag:s1], $0x2000  }
0x10d: {  	[sflag:s1] =	ssyncset.done $0x0  }
0x10e: {  	[sflag:s1] =	ssyncadd.s32 $0xFFFFE000  }
0x10f: {  	_ =	swait.ge [sflag:s0], $0x2000  }
0x110: {  	[sflag:s0] =	ssyncset.done $0x0  }
0x111: {  	[sflag:s0] =	ssyncadd.s32 $0xFFFFE000  }
0x112: {  	_ =	swait.ge [sflag:s10], $0x2000  }
0x113: {  	[sflag:s10] =	ssyncset.done $0x0  }
0x114: {  	[sflag:s10] =	ssyncadd.s32 $0xFFFFE000  }
0x115: {  	_ =	swait.ge [sflag:s3], $0x2000  }
0x116: {  	[sflag:s3] =	ssyncset.done $0x0  }
0x117: {  	[sflag:s3] =	ssyncadd.s32 $0xFFFFE000  }
0x118: {  	_ =	swait.ge [sflag:s5], $0x2000  }
0x119: {  	[sflag:s5] =	ssyncset.done $0x0  }
0x11a: {  	[sflag:s5] =	ssyncadd.s32 $0xFFFFE000  }
0x11b: {  	_ =	swait.ge [sflag:s6], $0x2000  }
0x11c: {  	[sflag:s6] =	ssyncset.done $0x0  }
0x11d: {  	[sflag:s6] =	ssyncadd.s32 $0xFFFFE000  }
0x11e: {  	_ =	swait.ge [sflag:s7], $0x2000  }
0x11f: {  	[sflag:s7] =	ssyncset.done $0x0  }
0x120: {  	[sflag:s7] =	ssyncadd.s32 $0xFFFFE000  }
0x121: {  	_ =	swait.ge [sflag:s8], $0x2000  }
0x122: {  	[sflag:s8] =	ssyncset.done $0x0  }
0x123: {  	[sflag:s8] =	ssyncadd.s32 $0xFFFFE000  }
0x124: {  	[bflag:$0x0] =	sbarrier.arrive $0xFFFF  }
0x125: {  	s12 =	rddreg [dreg:$0x7]  }
0x126: {  	s9 =	rddreg [dreg:$0x8]  }
0x127: {  	s24 =	rddreg [dreg:$0x9]  }
0x128: {  	[hbm:s24], [sflag:s12] =	dma.local [spmem:s9], $0x1400  }
0x129: {  	s12 =	simm.s32 $0x11  }
0x12a: {  	_ =	swait.ge [sflag:s12], $0x1400  }
0x12b: {  	s24 =	rddreg [dreg:$0xa]  }
0x12c: {  	s11 =	rddreg [dreg:$0x6];
	s24 =	sadd.s32 $0x1, s24  }
0x12d: {  	p0 =	sne.s32 s24, s11  }
.Ltmp2:
0x12e: {  	_ = 	snop;
	(pc) =	sbr.rel @p0 .LBB2_1-.Ltmp2, $3  }
0x12f: {  	_ =	sdelay $0x1  }
0x130: {  	[sflag:s12] =	ssyncset.done $0x0  }
0x131: {  	[sflag:s12] =	ssyncadd.s32 $0xFFFFEC00;
	[dreg:$0xa] =	wrdreg s24  }
0x132: {  	_ =	sfence.sel $0x180000  }
0x133: {  	[bflag:$0x0] =	sbarrier.arrive $0xFFFF  }
0x134: {  	_ =	strace $0x9000004A  }
0x135: {  	s0 =	stileid.u32;
	[bflag:$0x2] =	sbarrier.arrive $0xFFFF  }
0x136: {  	p0 =	sne.s32 s0, $0x0;
	s0 =	rddreg [dreg:$0x2]  }
0x137: {  	s0 =	sadd.s32 @!p0 $0x100000, s0  }
0x138: {  	[sflag:s0] =	ssyncadd.tile.s32 @!p0 $0x1;
	_ =	shalt  }
.Lfunc_end2:
_tile_overlayer_lowered:
.L_overlay_start_2:
0x139: {  	(tag) =	ssettag $0x2  }
0x13a: {  	s0 =	rddreg [dreg:$0x0];
	s2 =	stileid.u32  }
0x13b: {  	s1 =	rddreg [dreg:$0x1];
	p0 =	sne.s32 s2, $0x0  }
0x13c: {  	s3 =	rddreg [dreg:$0x2];
	[bflag:$0x3] =	sbarrier.arrive $0xFFFF;
	s2 =	simm.s32 @!p0 $0x1C11  }
0x13d: {  	[timem:s3], [sflag:s2] =	dma.local @!p0 [hbm:s0], s1  }
0x13e: {  	s0 =	simm.s32 @!p0 $0x11  }
0x13f: {  	_ =	swait.ge @!p0 [sflag:s0], s1  }
0x140: {  	s1 =	ssub.s32 @!p0 $0x0, s1;
	[sflag:s0] =	ssyncset.done @!p0 $0x0  }
0x141: {  	[sflag:s0] =	ssyncadd.s32 @!p0 s1  }
0x142: {  	[bflag:$0x3] =	sbarrier.arrive $0xFFFF  }
0x143: {  	_ =	shalt  }

</sc_bundles>
